<compile_context>
chip_gen: v7x
topology: tpu7x:2x2x1
jax: 0.10.2.dev20260603
libtpu: 0.0.44.dev20260713+nightly
codegen_flags: <defaults>
</compile_context>

<pallas_src>
import functools

import jax
import jax.numpy as jnp
from jax import lax
from jax.experimental import pallas as pl
from jax.experimental.pallas import tpu as pltpu
from jax.experimental.pallas import tpu_sc as plsc

_N = 10000
_NPAD = 10016
_D = 128
_E = 320000
_EL = _E + _N
_EPAD = 331776
_ROWS = _EPAD // 128
_NC = 2
_NS = 16
_R1 = _ROWS // _NS
_R2 = _ROWS // (_NC * _NS)
_B = 27
_NB1 = _R1 // _B
_NB2 = _R2 // _B
_L = 16
_ZSPAN = 640


def _tc_prep(x_pad, W, att2):
    def body(x_ref, w_ref, a_ref, h_ref, al_ref):
        h = jnp.dot(x_ref[...], w_ref[...], preferred_element_type=jnp.float32)
        h_ref[...] = h
        al_ref[...] = jnp.dot(h, a_ref[...], preferred_element_type=jnp.float32)

    return pl.pallas_call(
        body,
        out_shape=(
            jax.ShapeDtypeStruct((_NPAD, _D), jnp.float32),
            jax.ShapeDtypeStruct((_NPAD, 2), jnp.float32),
        ),
    )(x_pad, W, att2)


def _tc_finish(part, bias2d):
    def body(p_ref, b_ref, o_ref):
        o_ref[...] = jnp.tanh(p_ref[0, :_N, :] + p_ref[1, :_N, :] + b_ref[...])

    return pl.pallas_call(
        body,
        out_shape=jax.ShapeDtypeStruct((_N, _D), jnp.float32),
    )(part, bias2d)


def _sc_edge(src2d, dst2d, asrc, adst, h):
    mesh = plsc.VectorSubcoreMesh(core_axis_name="c", subcore_axis_name="s")

    @functools.partial(
        pl.kernel,
        out_type=jax.ShapeDtypeStruct((_NC, _NPAD, _D), jnp.float32),
        mesh=mesh,
        compiler_params=pltpu.CompilerParams(needs_layout_passes=False),
        scratch_types=[
            pltpu.VMEM((_B, 128), jnp.int32),
            pltpu.VMEM((_B, 128), jnp.int32),
            pltpu.VMEM((1, 128), jnp.float32),
            pltpu.VMEM((_NPAD,), jnp.float32),
            pltpu.VMEM((_NPAD,), jnp.float32),
            pltpu.VMEM((_NPAD,), jnp.float32),
            pltpu.VMEM((2 * _L, _D), jnp.float32),
            pltpu.VMEM((2 * _L, _D), jnp.float32),
            pltpu.VMEM((2 * _L,), jnp.float32),
            pltpu.VMEM((2 * _L,), jnp.int32),
            pltpu.VMEM((2 * _L,), jnp.int32),
            pltpu.VMEM((2 * _L,), jnp.int32),
            pltpu.VMEM((_ZSPAN,), jnp.float32),
            pltpu.SemaphoreType.DMA,
            pltpu.SemaphoreType.DMA,
            pltpu.SemaphoreType.DMA,
            pltpu.VMEM_SHARED((_NPAD,), jnp.float32),
            pltpu.VMEM_SHARED((_NPAD, _D), jnp.float32),
        ],
    )
    def k(src_hbm, dst_hbm, asrc_hbm, adst_hbm, h_hbm, out_hbm,
          src_v, dst_v, eexp_v, asrc_v, adst_v, denom_v,
          rows0_v, rows1_v, coef_v,
          idx0_v, idx1_v, sidx_v,
          z1_v, gsem0, gsem1, dsem,
          denom_sp, out_sp):
        rows = (rows0_v, rows1_v)
        gsems = (gsem0, gsem1)
        idxs = (idx0_v, idx1_v)
        c = lax.axis_index("c")
        s = lax.axis_index("s")

        pltpu.sync_copy(asrc_hbm, asrc_v)
        pltpu.sync_copy(adst_hbm, adst_v)

        zf = jnp.zeros((_L,), jnp.float32)

        @pl.loop(0, _ZSPAN // _L)
        def _(i):
            z1_v[pl.ds(i * _L, _L)] = zf

        @pl.loop(0, 2 * _L)
        def _(i):
            for j in range(_D // _L):
                rows0_v[i, pl.ds(j * _L, _L)] = zf

        @pl.when(s < _NS - 1)
        def _():
            pltpu.sync_copy(z1_v, denom_sp.at[pl.ds(s * _ZSPAN, _ZSPAN)])

        @pl.when(s == _NS - 1)
        def _():
            pltpu.sync_copy(z1_v.at[pl.ds(0, 416)],
                            denom_sp.at[pl.ds((_NS - 1) * _ZSPAN, 416)])

        nzi = jnp.where(s == _NS - 1, 416 // (2 * _L), _ZSPAN // (2 * _L))

        @pl.loop(0, nzi)
        def _(kk):
            pltpu.sync_copy(
                rows0_v, out_sp.at[pl.ds(s * _ZSPAN + kk * 2 * _L, 2 * _L)])

        plsc.subcore_barrier()

        def _p1_row(r):
            for kk in range(128 // _L):
                sl = pl.ds(kk * _L, _L)
                s16 = src_v[r, sl]
                d16 = dst_v[r, sl]
                a = (plsc.load_gather(asrc_v, [s16])
                     + plsc.load_gather(adst_v, [d16]))
                e = jnp.maximum(a, 0.2 * a)
                eexp_v[0, sl] = jnp.exp(e)

        @pl.loop(0, _NB1)
        def _(b):
            pltpu.sync_copy(src_hbm.at[s, b], src_v)
            pltpu.sync_copy(dst_hbm.at[s, b], dst_v)

            @pl.loop(0, _B)
            def _(r):
                _p1_row(r)
                pltpu.sync_copy(eexp_v.at[0], denom_sp.at[dst_v.at[r]],
                                add=True)

        plsc.subcore_barrier()
        pltpu.sync_copy(denom_sp, denom_v)

        _NU = 128 // (2 * _L)

        @pl.loop(0, _NB2)
        def _(b):
            pltpu.sync_copy(src_hbm.at[s, c * _NB2 + b], src_v)
            pltpu.sync_copy(dst_hbm.at[s, c * _NB2 + b], dst_v)

            idxs[0][pl.ds(0, _L)] = src_v[0, pl.ds(0, _L)]
            idxs[0][pl.ds(_L, _L)] = src_v[0, pl.ds(_L, _L)]
            pltpu.async_copy(h_hbm.at[idxs[0]], rows[0], gsems[0])

            @pl.loop(0, _B)
            def _(r):
                for kk in range(_NU):
                    p = kk % 2
                    buf = rows[p]
                    sla = pl.ds(kk * 2 * _L, _L)
                    slb = pl.ds(kk * 2 * _L + _L, _L)
                    for hh, slx in ((0, sla), (1, slb)):
                        s16 = src_v[r, slx]
                        d16 = dst_v[r, slx]
                        a = (plsc.load_gather(asrc_v, [s16])
                             + plsc.load_gather(adst_v, [d16]))
                        e = jnp.maximum(a, 0.2 * a)
                        ex = jnp.exp(e)
                        den = plsc.load_gather(denom_v, [d16])
                        coef_v[pl.ds(hh * _L, _L)] = ex / (den + 1e-16)
                        sidx_v[pl.ds(hh * _L, _L)] = d16
                    pltpu.make_async_copy(
                        h_hbm.at[idxs[p]], buf, gsems[p]).wait()

                    p2 = (kk + 1) % 2
                    if kk + 1 < _NU:
                        c0 = (kk + 1) * 2 * _L
                        idxs[p2][pl.ds(0, _L)] = src_v[r, pl.ds(c0, _L)]
                        idxs[p2][pl.ds(_L, _L)] = src_v[
                            r, pl.ds(c0 + _L, _L)]
                        pltpu.async_copy(h_hbm.at[idxs[p2]], rows[p2],
                                         gsems[p2])
                    else:
                        @pl.when(r + 1 < _B)
                        def _():
                            idxs[p2][pl.ds(0, _L)] = src_v[
                                r + 1, pl.ds(0, _L)]
                            idxs[p2][pl.ds(_L, _L)] = src_v[
                                r + 1, pl.ds(_L, _L)]
                            pltpu.async_copy(h_hbm.at[idxs[p2]], rows[p2],
                                             gsems[p2])

                    @pl.loop(0, _L)
                    def _(ih):
                        i0 = ih * 2
                        i1 = ih * 2 + 1
                        cc0 = plsc.load_gather(
                            coef_v, [jnp.full((_L,), i0, jnp.int32)])
                        cc1 = plsc.load_gather(
                            coef_v, [jnp.full((_L,), i1, jnp.int32)])
                        for q in range(_D // _L):
                            sq = pl.ds(q * _L, _L)
                            buf[i0, sq] = buf[i0, sq] * cc0
                            buf[i1, sq] = buf[i1, sq] * cc1

                    pltpu.sync_copy(buf, out_sp.at[sidx_v], add=True)

        plsc.subcore_barrier()

        @pl.when(s < _NS - 1)
        def _():
            pltpu.sync_copy(out_sp.at[pl.ds(s * _ZSPAN, _ZSPAN)],
                            out_hbm.at[c, pl.ds(s * _ZSPAN, _ZSPAN)])

        @pl.when(s == _NS - 1)
        def _():
            pltpu.sync_copy(
                out_sp.at[pl.ds((_NS - 1) * _ZSPAN, 416)],
                out_hbm.at[c, pl.ds((_NS - 1) * _ZSPAN, 416)])

    return k(src2d, dst2d, asrc, adst, h)


def kernel(x, edge_index, W, att_src, att_dst, bias):
    src = edge_index[0].astype(jnp.int32)
    dst = edge_index[1].astype(jnp.int32)
    loops = jnp.arange(_N, dtype=jnp.int32)
    padv = jnp.full((_EPAD - _EL,), _NPAD - 1, jnp.int32)
    src_f = jnp.concatenate([src, loops, padv]).reshape(_NS, _NB1, _B, 128)
    dst_f = jnp.concatenate([dst, loops, padv]).reshape(_NS, _NB1, _B, 128)
    x_pad = jnp.concatenate(
        [x, jnp.zeros((_NPAD - _N, _D), jnp.float32)])
    att2 = jnp.stack([att_src, att_dst], axis=1)
    h, al = _tc_prep(x_pad, W, att2)
    part = _sc_edge(src_f, dst_f, al[:, 0], al[:, 1], h)
    return _tc_finish(part, bias.reshape(1, _D))

# --- scband reference (transcript-rebuilt; emitter-appended) ---
"""Pipeline reference for scband-breadth-6408091205708 (READ-ONLY COPY).

The authoritative reference and input builder live on the scoring server;
editing this copy changes nothing except your own understanding.
"""

import jax, jax.numpy as jnp
import numpy as np

N_NODES = 10000
N_EDGES = 320000
IN_DIM = 128
OUT_DIM = 128

def setup_inputs(seed: int = 0) -> dict:
    key = jax.random.key(seed)
    ks = jax.random.split(key, 6)
    x = jax.random.normal(ks[0], (N_NODES, IN_DIM), dtype=jnp.float32)
    edge_index = jax.random.randint(ks[1], (2, N_EDGES), 0, N_NODES, dtype=jnp.int64)
    # GATConv params (heads=1): linear weight, attention vectors, bias
    W = jax.random.normal(ks[2], (IN_DIM, OUT_DIM), dtype=jnp.float32) * (1.0 / np.sqrt(IN_DIM))
    att_src = jax.random.normal(ks[3], (OUT_DIM,), dtype=jnp.float32) * 0.1
    att_dst = jax.random.normal(ks[4], (OUT_DIM,), dtype=jnp.float32) * 0.1
    bias = jnp.zeros((OUT_DIM,), dtype=jnp.float32)
    return {"x": x, "edge_index": edge_index, "W": W, "att_src": att_src, "att_dst": att_dst, "bias": bias}

def reference(x, edge_index, W, att_src, att_dst, bias):
    N = x.shape[0]
    src = edge_index[0]
    dst = edge_index[1]
    # PyG GATConv default: add self-loops
    loops = jnp.arange(N, dtype=edge_index.dtype)
    src = jnp.concatenate([src, loops])
    dst = jnp.concatenate([dst, loops])
    # linear transform
    h = x @ W  # [N, out_dim]
    alpha_src = h @ att_src  # [N]
    alpha_dst = h @ att_dst  # [N]
    # edge attention logits: messages flow src -> dst, softmax grouped by dst
    e = alpha_src[src] + alpha_dst[dst]
    e = jax.nn.leaky_relu(e, negative_slope=0.2)
    e_max = jax.ops.segment_max(e, dst, num_segments=N)
    e_exp = jnp.exp(e - e_max[dst])
    denom = jax.ops.segment_sum(e_exp, dst, num_segments=N)
    coef = e_exp / (denom[dst] + 1e-16)
    out = jax.ops.segment_sum(coef[:, None] * h[src], dst, num_segments=N)
    out = out + bias
    return jnp.tanh(out)

if __name__ == "__main__":
    import jax
    _d = setup_inputs()
    print(jax.jit(kernel)(*tuple(_d.values())))

</pallas_src>

<mosaic_0001>
#map = affine_map<(d0, d1) -> (0, 0, 0, 0)>
#map1 = affine_map<(d0, d1) -> (0)>
#map2 = affine_map<(d0, d1) -> (0, 0)>
#map3 = affine_map<(d0, d1) -> (0, 0, 0)>
module attributes {stable_mosaic.version = 14 : i64} {
  func.func @k(%arg0: i32, %arg1: i32, %arg2: memref<16x6x27x128xi32, #tpu.memory_space<hbm>>, %arg3: memref<16x6x27x128xi32, #tpu.memory_space<hbm>>, %arg4: memref<10016xf32, #tpu.memory_space<hbm>>, %arg5: memref<10016xf32, #tpu.memory_space<hbm>>, %arg6: memref<10016x128xf32, #tpu.memory_space<hbm>>, %arg7: memref<2x10016x128xf32, #tpu.memory_space<hbm>>, %arg8: memref<27x128xi32, #tpu.memory_space<vmem>>, %arg9: memref<27x128xi32, #tpu.memory_space<vmem>>, %arg10: memref<1x128xf32, #tpu.memory_space<vmem>>, %arg11: memref<10016xf32, #tpu.memory_space<vmem>>, %arg12: memref<10016xf32, #tpu.memory_space<vmem>>, %arg13: memref<10016xf32, #tpu.memory_space<vmem>>, %arg14: memref<32x128xf32, #tpu.memory_space<vmem>>, %arg15: memref<32x128xf32, #tpu.memory_space<vmem>>, %arg16: memref<32xf32, #tpu.memory_space<vmem>>, %arg17: memref<32xi32, #tpu.memory_space<vmem>>, %arg18: memref<32xi32, #tpu.memory_space<vmem>>, %arg19: memref<32xi32, #tpu.memory_space<vmem>>, %arg20: memref<640xf32, #tpu.memory_space<vmem>>, %arg21: memref<!tpu.dma_semaphore, #tpu.memory_space<semaphore_mem>>, %arg22: memref<!tpu.dma_semaphore, #tpu.memory_space<semaphore_mem>>, %arg23: memref<!tpu.dma_semaphore, #tpu.memory_space<semaphore_mem>>, %arg24: memref<10016xf32, #tpu.memory_space<vmem_shared>>, %arg25: memref<10016x128xf32, #tpu.memory_space<vmem_shared>>) attributes {dimension_semantics = [#tpu.dimension_semantics<core_parallel>, #tpu.dimension_semantics<subcore_parallel>], iteration_bounds = array<i64: 2, 16>, scalar_prefetch = 0 : i64, scratch_operands = 18 : i64, tpu.core_type = #tpu.core_type<sc_vector_subcore>, window_params = [{transform_indices = #map}, {transform_indices = #map}, {transform_indices = #map1}, {transform_indices = #map1}, {transform_indices = #map2}, {transform_indices = #map3}]} {
    "tpu.region"() ({
      %run_scoped3A = tpu.sem_alloc : memref<!tpu.dma_semaphore, #tpu.memory_space<semaphore_mem>>
      tpu.enqueue_dma source(%arg4 : memref<10016xf32, #tpu.memory_space<hbm>>) target(%arg11 : memref<10016xf32, #tpu.memory_space<vmem>>) target_semaphore(%run_scoped3A : memref<!tpu.dma_semaphore, #tpu.memory_space<semaphore_mem>>)
      tpu.wait_dma2 semaphore(%run_scoped3A : memref<!tpu.dma_semaphore, #tpu.memory_space<semaphore_mem>>) src(%arg4 : memref<10016xf32, #tpu.memory_space<hbm>>) dst(%arg11 : memref<10016xf32, #tpu.memory_space<vmem>>)
      tpu.yield
    }) : () -> ()
    "tpu.region"() ({
      %run_scoped3A = tpu.sem_alloc : memref<!tpu.dma_semaphore, #tpu.memory_space<semaphore_mem>>
      tpu.enqueue_dma source(%arg5 : memref<10016xf32, #tpu.memory_space<hbm>>) target(%arg12 : memref<10016xf32, #tpu.memory_space<vmem>>) target_semaphore(%run_scoped3A : memref<!tpu.dma_semaphore, #tpu.memory_space<semaphore_mem>>)
      tpu.wait_dma2 semaphore(%run_scoped3A : memref<!tpu.dma_semaphore, #tpu.memory_space<semaphore_mem>>) src(%arg5 : memref<10016xf32, #tpu.memory_space<hbm>>) dst(%arg12 : memref<10016xf32, #tpu.memory_space<vmem>>)
      tpu.yield
    }) : () -> ()
    %broadcast_in_dim3A = arith.constant 0.000000e+00 : f32
    %broadcast_in_dim3A_0 = vector.broadcast %broadcast_in_dim3A : f32 to vector<16xf32>
    %scan3A = arith.constant 0 : i32
    %scan3A_1 = arith.constant 40 : i32
    %scan3A_2 = arith.addi %scan3A, %scan3A_1 : i32
    %scan3A_3 = arith.constant 1 : i32
    scf.for %scan3A_56 = %scan3A to %scan3A_2 step %scan3A_3  : i32 {
      %mul3A = arith.constant 1 : i32
      %mul3A_57 = arith.muli %scan3A_56, %mul3A : i32
      %add3A_58 = arith.constant 0 : i32
      %add3A_59 = arith.addi %add3A_58, %mul3A_57 : i32
      %mul3A_60 = arith.constant 16 : i32
      %mul3A_61 = arith.muli %add3A_59, %mul3A_60 : i32
      %swap3A = arith.index_cast %mul3A_61 : i32 to index
      %swap3A_62 = tpu.vector_load %arg20[%swap3A] {strides = array<i32>} : memref<640xf32, #tpu.memory_space<vmem>>, vector<16xf32>,
      tpu.vector_store %arg20[%swap3A], %broadcast_in_dim3A_0 {strides = array<i32>} : memref<640xf32, #tpu.memory_space<vmem>>, vector<16xf32>,
    }
    %scan3A_4 = arith.constant 40 : i32
    %scan3A_5 = arith.constant 0 : i32
    %scan3A_6 = arith.constant 32 : i32
    %scan3A_7 = arith.addi %scan3A_5, %scan3A_6 : i32
    %scan3A_8 = arith.constant 1 : i32
    scf.for %scan3A_56 = %scan3A_5 to %scan3A_7 step %scan3A_8  : i32 {
      %mul3A = arith.constant 1 : i32
      %mul3A_57 = arith.muli %scan3A_56, %mul3A : i32
      %add3A_58 = arith.constant 0 : i32
      %add3A_59 = arith.addi %add3A_58, %mul3A_57 : i32
      %swap3A = arith.index_cast %add3A_59 : i32 to index
      %swap3A_60 = arith.constant 0 : index
      %swap3A_61 = tpu.vector_load %arg14[%swap3A, %swap3A_60] {strides = array<i32>} : memref<32x128xf32, #tpu.memory_space<vmem>>, vector<16xf32>,
      tpu.vector_store %arg14[%swap3A, %swap3A_60], %broadcast_in_dim3A_0 {strides = array<i32>} : memref<32x128xf32, #tpu.memory_space<vmem>>, vector<16xf32>,
      %swap3A_62 = arith.index_cast %add3A_59 : i32 to index
      %swap3A_63 = arith.constant 16 : index
      %swap3A_64 = tpu.vector_load %arg14[%swap3A_62, %swap3A_63] {strides = array<i32>} : memref<32x128xf32, #tpu.memory_space<vmem>>, vector<16xf32>,
      tpu.vector_store %arg14[%swap3A_62, %swap3A_63], %broadcast_in_dim3A_0 {strides = array<i32>} : memref<32x128xf32, #tpu.memory_space<vmem>>, vector<16xf32>,
      %swap3A_65 = arith.index_cast %add3A_59 : i32 to index
      %swap3A_66 = arith.constant 32 : index
      %swap3A_67 = tpu.vector_load %arg14[%swap3A_65, %swap3A_66] {strides = array<i32>} : memref<32x128xf32, #tpu.memory_space<vmem>>, vector<16xf32>,
      tpu.vector_store %arg14[%swap3A_65, %swap3A_66], %broadcast_in_dim3A_0 {strides = array<i32>} : memref<32x128xf32, #tpu.memory_space<vmem>>, vector<16xf32>,
      %swap3A_68 = arith.index_cast %add3A_59 : i32 to index
      %swap3A_69 = arith.constant 48 : index
      %swap3A_70 = tpu.vector_load %arg14[%swap3A_68, %swap3A_69] {strides = array<i32>} : memref<32x128xf32, #tpu.memory_space<vmem>>, vector<16xf32>,
      tpu.vector_store %arg14[%swap3A_68, %swap3A_69], %broadcast_in_dim3A_0 {strides = array<i32>} : memref<32x128xf32, #tpu.memory_space<vmem>>, vector<16xf32>,
      %swap3A_71 = arith.index_cast %add3A_59 : i32 to index
      %swap3A_72 = arith.constant 64 : index
      %swap3A_73 = tpu.vector_load %arg14[%swap3A_71, %swap3A_72] {strides = array<i32>} : memref<32x128xf32, #tpu.memory_space<vmem>>, vector<16xf32>,
      tpu.vector_store %arg14[%swap3A_71, %swap3A_72], %broadcast_in_dim3A_0 {strides = array<i32>} : memref<32x128xf32, #tpu.memory_space<vmem>>, vector<16xf32>,
      %swap3A_74 = arith.index_cast %add3A_59 : i32 to index
      %swap3A_75 = arith.constant 80 : index
      %swap3A_76 = tpu.vector_load %arg14[%swap3A_74, %swap3A_75] {strides = array<i32>} : memref<32x128xf32, #tpu.memory_space<vmem>>, vector<16xf32>,
      tpu.vector_store %arg14[%swap3A_74, %swap3A_75], %broadcast_in_dim3A_0 {strides = array<i32>} : memref<32x128xf32, #tpu.memory_space<vmem>>, vector<16xf32>,
      %swap3A_77 = arith.index_cast %add3A_59 : i32 to index
      %swap3A_78 = arith.constant 96 : index
      %swap3A_79 = tpu.vector_load %arg14[%swap3A_77, %swap3A_78] {strides = array<i32>} : memref<32x128xf32, #tpu.memory_space<vmem>>, vector<16xf32>,
      tpu.vector_store %arg14[%swap3A_77, %swap3A_78], %broadcast_in_dim3A_0 {strides = array<i32>} : memref<32x128xf32, #tpu.memory_space<vmem>>, vector<16xf32>,
      %swap3A_80 = arith.index_cast %add3A_59 : i32 to index
      %swap3A_81 = arith.constant 112 : index
      %swap3A_82 = tpu.vector_load %arg14[%swap3A_80, %swap3A_81] {strides = array<i32>} : memref<32x128xf32, #tpu.memory_space<vmem>>, vector<16xf32>,
      tpu.vector_store %arg14[%swap3A_80, %swap3A_81], %broadcast_in_dim3A_0 {strides = array<i32>} : memref<32x128xf32, #tpu.memory_space<vmem>>, vector<16xf32>,
    }
    %scan3A_9 = arith.constant 32 : i32
    %lt3A = arith.constant 15 : i32
    %lt3A_10 = arith.cmpi slt, %arg1, %lt3A : i32
    %convert_element_type3A = arith.extui %lt3A_10 : i1 to i32
    %cond3A = arith.constant 0 : i32
    %cond3A_11 = arith.cmpi ne, %convert_element_type3A, %cond3A : i32
    scf.if %cond3A_11 {
      %mul3A = arith.constant 640 : i32
      %mul3A_56 = arith.muli %arg1, %mul3A : i32
      "tpu.region"() ({
        %run_scoped3A = tpu.sem_alloc : memref<!tpu.dma_semaphore, #tpu.memory_space<semaphore_mem>>
        %dma_start3A = tpu.memref_slice %arg24[%mul3A_56] : memref<10016xf32, #tpu.memory_space<vmem_shared>> -> memref<640xf32, #tpu.memory_space<vmem_shared>>
        %dma_start3A_57 = tpu.memref_slice %arg24[%mul3A_56] : memref<10016xf32, #tpu.memory_space<vmem_shared>> -> memref<640xf32, #tpu.memory_space<vmem_shared>>
        tpu.enqueue_dma source(%arg20 : memref<640xf32, #tpu.memory_space<vmem>>) target(%dma_start3A_57 : memref<640xf32, #tpu.memory_space<vmem_shared>>) target_semaphore(%run_scoped3A : memref<!tpu.dma_semaphore, #tpu.memory_space<semaphore_mem>>)
        %dma_wait3A = tpu.memref_slice %arg24[%mul3A_56] : memref<10016xf32, #tpu.memory_space<vmem_shared>> -> memref<640xf32, #tpu.memory_space<vmem_shared>>
        %dma_wait3A_58 = tpu.memref_slice %arg24[%mul3A_56] : memref<10016xf32, #tpu.memory_space<vmem_shared>> -> memref<640xf32, #tpu.memory_space<vmem_shared>>
        tpu.wait_dma2 semaphore(%run_scoped3A : memref<!tpu.dma_semaphore, #tpu.memory_space<semaphore_mem>>) src(%arg20 : memref<640xf32, #tpu.memory_space<vmem>>) dst(%dma_wait3A_58 : memref<640xf32, #tpu.memory_space<vmem_shared>>)
        tpu.yield
      }) : () -> ()
    } else {
    }
    %eq3A = arith.constant 15 : i32
    %eq3A_12 = arith.cmpi eq, %arg1, %eq3A : i32
    %convert_element_type3A_13 = arith.extui %eq3A_12 : i1 to i32
    %cond3A_14 = arith.constant 0 : i32
    %cond3A_15 = arith.cmpi ne, %convert_element_type3A_13, %cond3A_14 : i32
    scf.if %cond3A_15 {
      "tpu.region"() ({
        %run_scoped3A = tpu.sem_alloc : memref<!tpu.dma_semaphore, #tpu.memory_space<semaphore_mem>>
        %dma_start3A = arith.constant 0 : i32
        %dma_start3A_56 = tpu.memref_slice %arg20[%dma_start3A] : memref<640xf32, #tpu.memory_space<vmem>> -> memref<416xf32, #tpu.memory_space<vmem>>
        %dma_start3A_57 = arith.constant 9600 : i32
        %dma_start3A_58 = tpu.memref_slice %arg24[%dma_start3A_57] : memref<10016xf32, #tpu.memory_space<vmem_shared>> -> memref<416xf32, #tpu.memory_space<vmem_shared>>
        %dma_start3A_59 = arith.constant 9600 : i32
        %dma_start3A_60 = tpu.memref_slice %arg24[%dma_start3A_59] : memref<10016xf32, #tpu.memory_space<vmem_shared>> -> memref<416xf32, #tpu.memory_space<vmem_shared>>
        %dma_start3A_61 = arith.constant 0 : i32
        %dma_start3A_62 = tpu.memref_slice %arg20[%dma_start3A_61] : memref<640xf32, #tpu.memory_space<vmem>> -> memref<416xf32, #tpu.memory_space<vmem>>
        tpu.enqueue_dma source(%dma_start3A_62 : memref<416xf32, #tpu.memory_space<vmem>>) target(%dma_start3A_60 : memref<416xf32, #tpu.memory_space<vmem_shared>>) target_semaphore(%run_scoped3A : memref<!tpu.dma_semaphore, #tpu.memory_space<semaphore_mem>>)
        %dma_wait3A = arith.constant 0 : i32
        %dma_wait3A_63 = tpu.memref_slice %arg20[%dma_wait3A] : memref<640xf32, #tpu.memory_space<vmem>> -> memref<416xf32, #tpu.memory_space<vmem>>
        %dma_wait3A_64 = arith.constant 9600 : i32
        %dma_wait3A_65 = tpu.memref_slice %arg24[%dma_wait3A_64] : memref<10016xf32, #tpu.memory_space<vmem_shared>> -> memref<416xf32, #tpu.memory_space<vmem_shared>>
        %dma_wait3A_66 = arith.constant 9600 : i32
        %dma_wait3A_67 = tpu.memref_slice %arg24[%dma_wait3A_66] : memref<10016xf32, #tpu.memory_space<vmem_shared>> -> memref<416xf32, #tpu.memory_space<vmem_shared>>
        %dma_wait3A_68 = arith.constant 0 : i32
        %dma_wait3A_69 = tpu.memref_slice %arg20[%dma_wait3A_68] : memref<640xf32, #tpu.memory_space<vmem>> -> memref<416xf32, #tpu.memory_space<vmem>>
        tpu.wait_dma2 semaphore(%run_scoped3A : memref<!tpu.dma_semaphore, #tpu.memory_space<semaphore_mem>>) src(%dma_wait3A_69 : memref<416xf32, #tpu.memory_space<vmem>>) dst(%dma_wait3A_67 : memref<416xf32, #tpu.memory_space<vmem_shared>>)
        tpu.yield
      }) : () -> ()
    } else {
    }
    %eq3A_16 = arith.constant 15 : i32
    %eq3A_17 = arith.cmpi eq, %arg1, %eq3A_16 : i32
    %jit3A = arith.constant 13 : i32
    %jit3A_18 = arith.constant 20 : i32
    %select_n3A = arith.select %eq3A_17, %jit3A, %jit3A_18 : i32
    %sub3A = arith.constant 0 : i32
    %sub3A_19 = arith.subi %select_n3A, %sub3A : i32
    %sub3A_20 = arith.constant 1 : i32
    %sub3A_21 = arith.constant 1 : i32
    %sub3A_22 = arith.subi %sub3A_20, %sub3A_21 : i32
    %add3A = arith.addi %sub3A_19, %sub3A_22 : i32
    %div3A = arith.constant 1 : i32
    %div3A_23 = arith.divsi %add3A, %div3A : i32
    %while3A = arith.constant 1 : i32
    %while3A_24 = arith.constant 0 : i32
    %while3A_25 = arith.constant 0 : i32
    %while3A_26 = arith.subi %div3A_23, %while3A_25 : i32
    %while3A_27 = arith.addi %while3A_25, %while3A_26 : i32
    %while3A_28 = arith.constant 1 : i32
    %while3A_29 = arith.divsi %while3A_26, %while3A_28 : i32
    %while3A_30 = arith.muli %while3A_29, %while3A_28 : i32
    %while3A_31 = arith.addi %while3A_25, %while3A_30 : i32
    %while3A_32 = arith.constant 1 : i32
    scf.for %while3A_56 = %while3A_25 to %while3A_31 step %while3A_32  : i32 {
      %mul3A = arith.muli %while3A_56, %while3A : i32
      %add3A_57 = arith.addi %while3A_24, %mul3A : i32
      %mul3A_58 = arith.constant 640 : i32
      %mul3A_59 = arith.muli %arg1, %mul3A_58 : i32
      %mul3A_60 = arith.constant 2 : i32
      %mul3A_61 = arith.muli %add3A_57, %mul3A_60 : i32
      %mul3A_62 = arith.constant 16 : i32
      %mul3A_63 = arith.muli %mul3A_61, %mul3A_62 : i32
      %add3A_64 = arith.addi %mul3A_59, %mul3A_63 : i32
      "tpu.region"() ({
        %run_scoped3A = tpu.sem_alloc : memref<!tpu.dma_semaphore, #tpu.memory_space<semaphore_mem>>
        %dma_start3A = arith.constant 0 : i32
        %dma_start3A_65 = tpu.memref_slice %arg25[%add3A_64, %dma_start3A] : memref<10016x128xf32, #tpu.memory_space<vmem_shared>> -> memref<32x128xf32, #tpu.memory_space<vmem_shared>>
        %dma_start3A_66 = arith.constant 0 : i32
        %dma_start3A_67 = tpu.memref_slice %arg25[%add3A_64, %dma_start3A_66] : memref<10016x128xf32, #tpu.memory_space<vmem_shared>> -> memref<32x128xf32, #tpu.memory_space<vmem_shared>>
        tpu.enqueue_dma source(%arg14 : memref<32x128xf32, #tpu.memory_space<vmem>>) target(%dma_start3A_67 : memref<32x128xf32, #tpu.memory_space<vmem_shared>>) target_semaphore(%run_scoped3A : memref<!tpu.dma_semaphore, #tpu.memory_space<semaphore_mem>>)
        %dma_wait3A = arith.constant 0 : i32
        %dma_wait3A_68 = tpu.memref_slice %arg25[%add3A_64, %dma_wait3A] : memref<10016x128xf32, #tpu.memory_space<vmem_shared>> -> memref<32x128xf32, #tpu.memory_space<vmem_shared>>
        %dma_wait3A_69 = arith.constant 0 : i32
        %dma_wait3A_70 = tpu.memref_slice %arg25[%add3A_64, %dma_wait3A_69] : memref<10016x128xf32, #tpu.memory_space<vmem_shared>> -> memref<32x128xf32, #tpu.memory_space<vmem_shared>>
        tpu.wait_dma2 semaphore(%run_scoped3A : memref<!tpu.dma_semaphore, #tpu.memory_space<semaphore_mem>>) src(%arg14 : memref<32x128xf32, #tpu.memory_space<vmem>>) dst(%dma_wait3A_70 : memref<32x128xf32, #tpu.memory_space<vmem_shared>>)
        tpu.yield
      }) : () -> ()
    }
    %while3A_33 = arith.constant 1 : i32
    scf.for %while3A_56 = %while3A_31 to %while3A_27 step %while3A_33  : i32 {
      %mul3A = arith.muli %while3A_56, %while3A : i32
      %add3A_57 = arith.addi %while3A_24, %mul3A : i32
      %mul3A_58 = arith.constant 640 : i32
      %mul3A_59 = arith.muli %arg1, %mul3A_58 : i32
      %mul3A_60 = arith.constant 2 : i32
      %mul3A_61 = arith.muli %add3A_57, %mul3A_60 : i32
      %mul3A_62 = arith.constant 16 : i32
      %mul3A_63 = arith.muli %mul3A_61, %mul3A_62 : i32
      %add3A_64 = arith.addi %mul3A_59, %mul3A_63 : i32
      "tpu.region"() ({
        %run_scoped3A = tpu.sem_alloc : memref<!tpu.dma_semaphore, #tpu.memory_space<semaphore_mem>>
        %dma_start3A = arith.constant 0 : i32
        %dma_start3A_65 = tpu.memref_slice %arg25[%add3A_64, %dma_start3A] : memref<10016x128xf32, #tpu.memory_space<vmem_shared>> -> memref<32x128xf32, #tpu.memory_space<vmem_shared>>
        %dma_start3A_66 = arith.constant 0 : i32
        %dma_start3A_67 = tpu.memref_slice %arg25[%add3A_64, %dma_start3A_66] : memref<10016x128xf32, #tpu.memory_space<vmem_shared>> -> memref<32x128xf32, #tpu.memory_space<vmem_shared>>
        tpu.enqueue_dma source(%arg14 : memref<32x128xf32, #tpu.memory_space<vmem>>) target(%dma_start3A_67 : memref<32x128xf32, #tpu.memory_space<vmem_shared>>) target_semaphore(%run_scoped3A : memref<!tpu.dma_semaphore, #tpu.memory_space<semaphore_mem>>)
        %dma_wait3A = arith.constant 0 : i32
        %dma_wait3A_68 = tpu.memref_slice %arg25[%add3A_64, %dma_wait3A] : memref<10016x128xf32, #tpu.memory_space<vmem_shared>> -> memref<32x128xf32, #tpu.memory_space<vmem_shared>>
        %dma_wait3A_69 = arith.constant 0 : i32
        %dma_wait3A_70 = tpu.memref_slice %arg25[%add3A_64, %dma_wait3A_69] : memref<10016x128xf32, #tpu.memory_space<vmem_shared>> -> memref<32x128xf32, #tpu.memory_space<vmem_shared>>
        tpu.wait_dma2 semaphore(%run_scoped3A : memref<!tpu.dma_semaphore, #tpu.memory_space<semaphore_mem>>) src(%arg14 : memref<32x128xf32, #tpu.memory_space<vmem>>) dst(%dma_wait3A_70 : memref<32x128xf32, #tpu.memory_space<vmem_shared>>)
        tpu.yield
      }) : () -> ()
    }
    %barrier3A = arith.constant 0 : index
    tpu.barrier barrier_id(%barrier3A)
    %scan3A_34 = arith.constant 0 : i32
    %scan3A_35 = arith.constant 6 : i32
    %scan3A_36 = arith.addi %scan3A_34, %scan3A_35 : i32
    %scan3A_37 = arith.constant 1 : i32
    scf.for %scan3A_56 = %scan3A_34 to %scan3A_36 step %scan3A_37  : i32 {
      %mul3A = arith.constant 1 : i32
      %mul3A_57 = arith.muli %scan3A_56, %mul3A : i32
      %add3A_58 = arith.constant 0 : i32
      %add3A_59 = arith.addi %add3A_58, %mul3A_57 : i32
      "tpu.region"() ({
        %run_scoped3A = tpu.sem_alloc : memref<!tpu.dma_semaphore, #tpu.memory_space<semaphore_mem>>
        %dma_start3A = arith.constant 0 : i32
        %dma_start3A_65 = arith.constant 0 : i32
        %dma_start3A_66 = tpu.memref_slice %arg2[%arg1, %add3A_59, %dma_start3A, %dma_start3A_65] : memref<16x6x27x128xi32, #tpu.memory_space<hbm>> -> memref<1x1x27x128xi32, #tpu.memory_space<hbm>>
        %dma_start3A_67 = tpu.memref_squeeze %dma_start3A_66 : memref<1x1x27x128xi32, #tpu.memory_space<hbm>> -> memref<27x128xi32, #tpu.memory_space<hbm>>
        %dma_start3A_68 = arith.constant 0 : i32
        %dma_start3A_69 = arith.constant 0 : i32
        %dma_start3A_70 = tpu.memref_slice %arg2[%arg1, %add3A_59, %dma_start3A_68, %dma_start3A_69] : memref<16x6x27x128xi32, #tpu.memory_space<hbm>> -> memref<1x1x27x128xi32, #tpu.memory_space<hbm>>
        %dma_start3A_71 = tpu.memref_squeeze %dma_start3A_70 : memref<1x1x27x128xi32, #tpu.memory_space<hbm>> -> memref<27x128xi32, #tpu.memory_space<hbm>>
        tpu.enqueue_dma source(%dma_start3A_71 : memref<27x128xi32, #tpu.memory_space<hbm>>) target(%arg8 : memref<27x128xi32, #tpu.memory_space<vmem>>) target_semaphore(%run_scoped3A : memref<!tpu.dma_semaphore, #tpu.memory_space<semaphore_mem>>)
        %dma_wait3A = arith.constant 0 : i32
        %dma_wait3A_72 = arith.constant 0 : i32
        %dma_wait3A_73 = tpu.memref_slice %arg2[%arg1, %add3A_59, %dma_wait3A, %dma_wait3A_72] : memref<16x6x27x128xi32, #tpu.memory_space<hbm>> -> memref<1x1x27x128xi32, #tpu.memory_space<hbm>>
        %dma_wait3A_74 = tpu.memref_squeeze %dma_wait3A_73 : memref<1x1x27x128xi32, #tpu.memory_space<hbm>> -> memref<27x128xi32, #tpu.memory_space<hbm>>
        %dma_wait3A_75 = arith.constant 0 : i32
        %dma_wait3A_76 = arith.constant 0 : i32
        %dma_wait3A_77 = tpu.memref_slice %arg2[%arg1, %add3A_59, %dma_wait3A_75, %dma_wait3A_76] : memref<16x6x27x128xi32, #tpu.memory_space<hbm>> -> memref<1x1x27x128xi32, #tpu.memory_space<hbm>>
        %dma_wait3A_78 = tpu.memref_squeeze %dma_wait3A_77 : memref<1x1x27x128xi32, #tpu.memory_space<hbm>> -> memref<27x128xi32, #tpu.memory_space<hbm>>
        tpu.wait_dma2 semaphore(%run_scoped3A : memref<!tpu.dma_semaphore, #tpu.memory_space<semaphore_mem>>) src(%dma_wait3A_78 : memref<27x128xi32, #tpu.memory_space<hbm>>) dst(%arg8 : memref<27x128xi32, #tpu.memory_space<vmem>>)
        tpu.yield
      }) : () -> ()
      "tpu.region"() ({
        %run_scoped3A = tpu.sem_alloc : memref<!tpu.dma_semaphore, #tpu.memory_space<semaphore_mem>>
        %dma_start3A = arith.constant 0 : i32
        %dma_start3A_65 = arith.constant 0 : i32
        %dma_start3A_66 = tpu.memref_slice %arg3[%arg1, %add3A_59, %dma_start3A, %dma_start3A_65] : memref<16x6x27x128xi32, #tpu.memory_space<hbm>> -> memref<1x1x27x128xi32, #tpu.memory_space<hbm>>
        %dma_start3A_67 = tpu.memref_squeeze %dma_start3A_66 : memref<1x1x27x128xi32, #tpu.memory_space<hbm>> -> memref<27x128xi32, #tpu.memory_space<hbm>>
        %dma_start3A_68 = arith.constant 0 : i32
        %dma_start3A_69 = arith.constant 0 : i32
        %dma_start3A_70 = tpu.memref_slice %arg3[%arg1, %add3A_59, %dma_start3A_68, %dma_start3A_69] : memref<16x6x27x128xi32, #tpu.memory_space<hbm>> -> memref<1x1x27x128xi32, #tpu.memory_space<hbm>>
        %dma_start3A_71 = tpu.memref_squeeze %dma_start3A_70 : memref<1x1x27x128xi32, #tpu.memory_space<hbm>> -> memref<27x128xi32, #tpu.memory_space<hbm>>
        tpu.enqueue_dma source(%dma_start3A_71 : memref<27x128xi32, #tpu.memory_space<hbm>>) target(%arg9 : memref<27x128xi32, #tpu.memory_space<vmem>>) target_semaphore(%run_scoped3A : memref<!tpu.dma_semaphore, #tpu.memory_space<semaphore_mem>>)
        %dma_wait3A = arith.constant 0 : i32
        %dma_wait3A_72 = arith.constant 0 : i32
        %dma_wait3A_73 = tpu.memref_slice %arg3[%arg1, %add3A_59, %dma_wait3A, %dma_wait3A_72] : memref<16x6x27x128xi32, #tpu.memory_space<hbm>> -> memref<1x1x27x128xi32, #tpu.memory_space<hbm>>
        %dma_wait3A_74 = tpu.memref_squeeze %dma_wait3A_73 : memref<1x1x27x128xi32, #tpu.memory_space<hbm>> -> memref<27x128xi32, #tpu.memory_space<hbm>>
        %dma_wait3A_75 = arith.constant 0 : i32
        %dma_wait3A_76 = arith.constant 0 : i32
        %dma_wait3A_77 = tpu.memref_slice %arg3[%arg1, %add3A_59, %dma_wait3A_75, %dma_wait3A_76] : memref<16x6x27x128xi32, #tpu.memory_space<hbm>> -> memref<1x1x27x128xi32, #tpu.memory_space<hbm>>
        %dma_wait3A_78 = tpu.memref_squeeze %dma_wait3A_77 : memref<1x1x27x128xi32, #tpu.memory_space<hbm>> -> memref<27x128xi32, #tpu.memory_space<hbm>>
        tpu.wait_dma2 semaphore(%run_scoped3A : memref<!tpu.dma_semaphore, #tpu.memory_space<semaphore_mem>>) src(%dma_wait3A_78 : memref<27x128xi32, #tpu.memory_space<hbm>>) dst(%arg9 : memref<27x128xi32, #tpu.memory_space<vmem>>)
        tpu.yield
      }) : () -> ()
      %scan3A_60 = arith.constant 0 : i32
      %scan3A_61 = arith.constant 27 : i32
      %scan3A_62 = arith.addi %scan3A_60, %scan3A_61 : i32
      %scan3A_63 = arith.constant 1 : i32
      scf.for %scan3A_65 = %scan3A_60 to %scan3A_62 step %scan3A_63  : i32 {
        %mul3A_66 = arith.constant 1 : i32
        %mul3A_67 = arith.muli %scan3A_65, %mul3A_66 : i32
        %add3A_68 = arith.constant 0 : i32
        %add3A_69 = arith.addi %add3A_68, %mul3A_67 : i32
        %get3A = arith.index_cast %add3A_69 : i32 to index
        %get3A_70 = arith.constant 0 : index
        %get3A_71 = tpu.vector_load %arg8[%get3A, %get3A_70] {strides = array<i32>} : memref<27x128xi32, #tpu.memory_space<vmem>>, vector<16xi32>,
        %get3A_72 = arith.index_cast %add3A_69 : i32 to index
        %get3A_73 = arith.constant 0 : index
        %get3A_74 = tpu.vector_load %arg9[%get3A_72, %get3A_73] {strides = array<i32>} : memref<27x128xi32, #tpu.memory_space<vmem>>, vector<16xi32>,
        %gather3A = tpu.vector_load_idx %arg11[%get3A_71] : memref<10016xf32, #tpu.memory_space<vmem>>[vector<16xi32>], vector<16xf32>,
        %gather3A_75 = tpu.vector_load_idx %arg12[%get3A_74] : memref<10016xf32, #tpu.memory_space<vmem>>[vector<16xi32>], vector<16xf32>,
        %add3A_76 = arith.addf %gather3A, %gather3A_75 : vector<16xf32>
        %mul3A_77 = arith.constant 2.000000e-01 : f32
        %mul3A_78 = vector.broadcast %mul3A_77 : f32 to vector<16xf32>
        %mul3A_79 = arith.mulf %mul3A_78, %add3A_76 : vector<16xf32>
        %max3A = arith.maximumf %add3A_76, %mul3A_79 : vector<16xf32>
        %exp3A = math.exp %max3A : vector<16xf32>
        %swap3A = arith.constant 0 : i32
        %swap3A_80 = arith.index_cast %swap3A : i32 to index
        %swap3A_81 = arith.constant 0 : index
        %swap3A_82 = tpu.vector_load %arg10[%swap3A_80, %swap3A_81] {strides = array<i32>} : memref<1x128xf32, #tpu.memory_space<vmem>>, vector<16xf32>,
        tpu.vector_store %arg10[%swap3A_80, %swap3A_81], %exp3A {strides = array<i32>} : memref<1x128xf32, #tpu.memory_space<vmem>>, vector<16xf32>,
        %get3A_83 = arith.index_cast %add3A_69 : i32 to index
        %get3A_84 = arith.constant 16 : index
        %get3A_85 = tpu.vector_load %arg8[%get3A_83, %get3A_84] {strides = array<i32>} : memref<27x128xi32, #tpu.memory_space<vmem>>, vector<16xi32>,
        %get3A_86 = arith.index_cast %add3A_69 : i32 to index
        %get3A_87 = arith.constant 16 : index
        %get3A_88 = tpu.vector_load %arg9[%get3A_86, %get3A_87] {strides = array<i32>} : memref<27x128xi32, #tpu.memory_space<vmem>>, vector<16xi32>,
        %gather3A_89 = tpu.vector_load_idx %arg11[%get3A_85] : memref<10016xf32, #tpu.memory_space<vmem>>[vector<16xi32>], vector<16xf32>,
        %gather3A_90 = tpu.vector_load_idx %arg12[%get3A_88] : memref<10016xf32, #tpu.memory_space<vmem>>[vector<16xi32>], vector<16xf32>,
        %add3A_91 = arith.addf %gather3A_89, %gather3A_90 : vector<16xf32>
        %mul3A_92 = arith.constant 2.000000e-01 : f32
        %mul3A_93 = vector.broadcast %mul3A_92 : f32 to vector<16xf32>
        %mul3A_94 = arith.mulf %mul3A_93, %add3A_91 : vector<16xf32>
        %max3A_95 = arith.maximumf %add3A_91, %mul3A_94 : vector<16xf32>
        %exp3A_96 = math.exp %max3A_95 : vector<16xf32>
        %swap3A_97 = arith.constant 0 : i32
        %swap3A_98 = arith.index_cast %swap3A_97 : i32 to index
        %swap3A_99 = arith.constant 16 : index
        %swap3A_100 = tpu.vector_load %arg10[%swap3A_98, %swap3A_99] {strides = array<i32>} : memref<1x128xf32, #tpu.memory_space<vmem>>, vector<16xf32>,
        tpu.vector_store %arg10[%swap3A_98, %swap3A_99], %exp3A_96 {strides = array<i32>} : memref<1x128xf32, #tpu.memory_space<vmem>>, vector<16xf32>,
        %get3A_101 = arith.index_cast %add3A_69 : i32 to index
        %get3A_102 = arith.constant 32 : index
        %get3A_103 = tpu.vector_load %arg8[%get3A_101, %get3A_102] {strides = array<i32>} : memref<27x128xi32, #tpu.memory_space<vmem>>, vector<16xi32>,
        %get3A_104 = arith.index_cast %add3A_69 : i32 to index
        %get3A_105 = arith.constant 32 : index
        %get3A_106 = tpu.vector_load %arg9[%get3A_104, %get3A_105] {strides = array<i32>} : memref<27x128xi32, #tpu.memory_space<vmem>>, vector<16xi32>,
        %gather3A_107 = tpu.vector_load_idx %arg11[%get3A_103] : memref<10016xf32, #tpu.memory_space<vmem>>[vector<16xi32>], vector<16xf32>,
        %gather3A_108 = tpu.vector_load_idx %arg12[%get3A_106] : memref<10016xf32, #tpu.memory_space<vmem>>[vector<16xi32>], vector<16xf32>,
        %add3A_109 = arith.addf %gather3A_107, %gather3A_108 : vector<16xf32>
        %mul3A_110 = arith.constant 2.000000e-01 : f32
        %mul3A_111 = vector.broadcast %mul3A_110 : f32 to vector<16xf32>
        %mul3A_112 = arith.mulf %mul3A_111, %add3A_109 : vector<16xf32>
        %max3A_113 = arith.maximumf %add3A_109, %mul3A_112 : vector<16xf32>
        %exp3A_114 = math.exp %max3A_113 : vector<16xf32>
        %swap3A_115 = arith.constant 0 : i32
        %swap3A_116 = arith.index_cast %swap3A_115 : i32 to index
        %swap3A_117 = arith.constant 32 : index
        %swap3A_118 = tpu.vector_load %arg10[%swap3A_116, %swap3A_117] {strides = array<i32>} : memref<1x128xf32, #tpu.memory_space<vmem>>, vector<16xf32>,
        tpu.vector_store %arg10[%swap3A_116, %swap3A_117], %exp3A_114 {strides = array<i32>} : memref<1x128xf32, #tpu.memory_space<vmem>>, vector<16xf32>,
        %get3A_119 = arith.index_cast %add3A_69 : i32 to index
        %get3A_120 = arith.constant 48 : index
        %get3A_121 = tpu.vector_load %arg8[%get3A_119, %get3A_120] {strides = array<i32>} : memref<27x128xi32, #tpu.memory_space<vmem>>, vector<16xi32>,
        %get3A_122 = arith.index_cast %add3A_69 : i32 to index
        %get3A_123 = arith.constant 48 : index
        %get3A_124 = tpu.vector_load %arg9[%get3A_122, %get3A_123] {strides = array<i32>} : memref<27x128xi32, #tpu.memory_space<vmem>>, vector<16xi32>,
        %gather3A_125 = tpu.vector_load_idx %arg11[%get3A_121] : memref<10016xf32, #tpu.memory_space<vmem>>[vector<16xi32>], vector<16xf32>,
        %gather3A_126 = tpu.vector_load_idx %arg12[%get3A_124] : memref<10016xf32, #tpu.memory_space<vmem>>[vector<16xi32>], vector<16xf32>,
        %add3A_127 = arith.addf %gather3A_125, %gather3A_126 : vector<16xf32>
        %mul3A_128 = arith.constant 2.000000e-01 : f32
        %mul3A_129 = vector.broadcast %mul3A_128 : f32 to vector<16xf32>
        %mul3A_130 = arith.mulf %mul3A_129, %add3A_127 : vector<16xf32>
        %max3A_131 = arith.maximumf %add3A_127, %mul3A_130 : vector<16xf32>
        %exp3A_132 = math.exp %max3A_131 : vector<16xf32>
        %swap3A_133 = arith.constant 0 : i32
        %swap3A_134 = arith.index_cast %swap3A_133 : i32 to index
        %swap3A_135 = arith.constant 48 : index
        %swap3A_136 = tpu.vector_load %arg10[%swap3A_134, %swap3A_135] {strides = array<i32>} : memref<1x128xf32, #tpu.memory_space<vmem>>, vector<16xf32>,
        tpu.vector_store %arg10[%swap3A_134, %swap3A_135], %exp3A_132 {strides = array<i32>} : memref<1x128xf32, #tpu.memory_space<vmem>>, vector<16xf32>,
        %get3A_137 = arith.index_cast %add3A_69 : i32 to index
        %get3A_138 = arith.constant 64 : index
        %get3A_139 = tpu.vector_load %arg8[%get3A_137, %get3A_138] {strides = array<i32>} : memref<27x128xi32, #tpu.memory_space<vmem>>, vector<16xi32>,
        %get3A_140 = arith.index_cast %add3A_69 : i32 to index
        %get3A_141 = arith.constant 64 : index
        %get3A_142 = tpu.vector_load %arg9[%get3A_140, %get3A_141] {strides = array<i32>} : memref<27x128xi32, #tpu.memory_space<vmem>>, vector<16xi32>,
        %gather3A_143 = tpu.vector_load_idx %arg11[%get3A_139] : memref<10016xf32, #tpu.memory_space<vmem>>[vector<16xi32>], vector<16xf32>,
        %gather3A_144 = tpu.vector_load_idx %arg12[%get3A_142] : memref<10016xf32, #tpu.memory_space<vmem>>[vector<16xi32>], vector<16xf32>,
        %add3A_145 = arith.addf %gather3A_143, %gather3A_144 : vector<16xf32>
        %mul3A_146 = arith.constant 2.000000e-01 : f32
        %mul3A_147 = vector.broadcast %mul3A_146 : f32 to vector<16xf32>
        %mul3A_148 = arith.mulf %mul3A_147, %add3A_145 : vector<16xf32>
        %max3A_149 = arith.maximumf %add3A_145, %mul3A_148 : vector<16xf32>
        %exp3A_150 = math.exp %max3A_149 : vector<16xf32>
        %swap3A_151 = arith.constant 0 : i32
        %swap3A_152 = arith.index_cast %swap3A_151 : i32 to index
        %swap3A_153 = arith.constant 64 : index
        %swap3A_154 = tpu.vector_load %arg10[%swap3A_152, %swap3A_153] {strides = array<i32>} : memref<1x128xf32, #tpu.memory_space<vmem>>, vector<16xf32>,
        tpu.vector_store %arg10[%swap3A_152, %swap3A_153], %exp3A_150 {strides = array<i32>} : memref<1x128xf32, #tpu.memory_space<vmem>>, vector<16xf32>,
        %get3A_155 = arith.index_cast %add3A_69 : i32 to index
        %get3A_156 = arith.constant 80 : index
        %get3A_157 = tpu.vector_load %arg8[%get3A_155, %get3A_156] {strides = array<i32>} : memref<27x128xi32, #tpu.memory_space<vmem>>, vector<16xi32>,
        %get3A_158 = arith.index_cast %add3A_69 : i32 to index
        %get3A_159 = arith.constant 80 : index
        %get3A_160 = tpu.vector_load %arg9[%get3A_158, %get3A_159] {strides = array<i32>} : memref<27x128xi32, #tpu.memory_space<vmem>>, vector<16xi32>,
        %gather3A_161 = tpu.vector_load_idx %arg11[%get3A_157] : memref<10016xf32, #tpu.memory_space<vmem>>[vector<16xi32>], vector<16xf32>,
        %gather3A_162 = tpu.vector_load_idx %arg12[%get3A_160] : memref<10016xf32, #tpu.memory_space<vmem>>[vector<16xi32>], vector<16xf32>,
        %add3A_163 = arith.addf %gather3A_161, %gather3A_162 : vector<16xf32>
        %mul3A_164 = arith.constant 2.000000e-01 : f32
        %mul3A_165 = vector.broadcast %mul3A_164 : f32 to vector<16xf32>
        %mul3A_166 = arith.mulf %mul3A_165, %add3A_163 : vector<16xf32>
        %max3A_167 = arith.maximumf %add3A_163, %mul3A_166 : vector<16xf32>
        %exp3A_168 = math.exp %max3A_167 : vector<16xf32>
        %swap3A_169 = arith.constant 0 : i32
        %swap3A_170 = arith.index_cast %swap3A_169 : i32 to index
        %swap3A_171 = arith.constant 80 : index
        %swap3A_172 = tpu.vector_load %arg10[%swap3A_170, %swap3A_171] {strides = array<i32>} : memref<1x128xf32, #tpu.memory_space<vmem>>, vector<16xf32>,
        tpu.vector_store %arg10[%swap3A_170, %swap3A_171], %exp3A_168 {strides = array<i32>} : memref<1x128xf32, #tpu.memory_space<vmem>>, vector<16xf32>,
        %get3A_173 = arith.index_cast %add3A_69 : i32 to index
        %get3A_174 = arith.constant 96 : index
        %get3A_175 = tpu.vector_load %arg8[%get3A_173, %get3A_174] {strides = array<i32>} : memref<27x128xi32, #tpu.memory_space<vmem>>, vector<16xi32>,
        %get3A_176 = arith.index_cast %add3A_69 : i32 to index
        %get3A_177 = arith.constant 96 : index
        %get3A_178 = tpu.vector_load %arg9[%get3A_176, %get3A_177] {strides = array<i32>} : memref<27x128xi32, #tpu.memory_space<vmem>>, vector<16xi32>,
        %gather3A_179 = tpu.vector_load_idx %arg11[%get3A_175] : memref<10016xf32, #tpu.memory_space<vmem>>[vector<16xi32>], vector<16xf32>,
        %gather3A_180 = tpu.vector_load_idx %arg12[%get3A_178] : memref<10016xf32, #tpu.memory_space<vmem>>[vector<16xi32>], vector<16xf32>,
        %add3A_181 = arith.addf %gather3A_179, %gather3A_180 : vector<16xf32>
        %mul3A_182 = arith.constant 2.000000e-01 : f32
        %mul3A_183 = vector.broadcast %mul3A_182 : f32 to vector<16xf32>
        %mul3A_184 = arith.mulf %mul3A_183, %add3A_181 : vector<16xf32>
        %max3A_185 = arith.maximumf %add3A_181, %mul3A_184 : vector<16xf32>
        %exp3A_186 = math.exp %max3A_185 : vector<16xf32>
        %swap3A_187 = arith.constant 0 : i32
        %swap3A_188 = arith.index_cast %swap3A_187 : i32 to index
        %swap3A_189 = arith.constant 96 : index
        %swap3A_190 = tpu.vector_load %arg10[%swap3A_188, %swap3A_189] {strides = array<i32>} : memref<1x128xf32, #tpu.memory_space<vmem>>, vector<16xf32>,
        tpu.vector_store %arg10[%swap3A_188, %swap3A_189], %exp3A_186 {strides = array<i32>} : memref<1x128xf32, #tpu.memory_space<vmem>>, vector<16xf32>,
        %get3A_191 = arith.index_cast %add3A_69 : i32 to index
        %get3A_192 = arith.constant 112 : index
        %get3A_193 = tpu.vector_load %arg8[%get3A_191, %get3A_192] {strides = array<i32>} : memref<27x128xi32, #tpu.memory_space<vmem>>, vector<16xi32>,
        %get3A_194 = arith.index_cast %add3A_69 : i32 to index
        %get3A_195 = arith.constant 112 : index
        %get3A_196 = tpu.vector_load %arg9[%get3A_194, %get3A_195] {strides = array<i32>} : memref<27x128xi32, #tpu.memory_space<vmem>>, vector<16xi32>,
        %gather3A_197 = tpu.vector_load_idx %arg11[%get3A_193] : memref<10016xf32, #tpu.memory_space<vmem>>[vector<16xi32>], vector<16xf32>,
        %gather3A_198 = tpu.vector_load_idx %arg12[%get3A_196] : memref<10016xf32, #tpu.memory_space<vmem>>[vector<16xi32>], vector<16xf32>,
        %add3A_199 = arith.addf %gather3A_197, %gather3A_198 : vector<16xf32>
        %mul3A_200 = arith.constant 2.000000e-01 : f32
        %mul3A_201 = vector.broadcast %mul3A_200 : f32 to vector<16xf32>
        %mul3A_202 = arith.mulf %mul3A_201, %add3A_199 : vector<16xf32>
        %max3A_203 = arith.maximumf %add3A_199, %mul3A_202 : vector<16xf32>
        %exp3A_204 = math.exp %max3A_203 : vector<16xf32>
        %swap3A_205 = arith.constant 0 : i32
        %swap3A_206 = arith.index_cast %swap3A_205 : i32 to index
        %swap3A_207 = arith.constant 112 : index
        %swap3A_208 = tpu.vector_load %arg10[%swap3A_206, %swap3A_207] {strides = array<i32>} : memref<1x128xf32, #tpu.memory_space<vmem>>, vector<16xf32>,
        tpu.vector_store %arg10[%swap3A_206, %swap3A_207], %exp3A_204 {strides = array<i32>} : memref<1x128xf32, #tpu.memory_space<vmem>>, vector<16xf32>,
        %run_scoped3A = arith.constant 0 : i32
        "tpu.region"() ({
          %run_scoped3A_209 = tpu.sem_alloc : memref<!tpu.dma_semaphore, #tpu.memory_space<semaphore_mem>>
          %dma_start3A = arith.constant 0 : i32
          %dma_start3A_210 = tpu.memref_slice %arg10[%run_scoped3A, %dma_start3A] : memref<1x128xf32, #tpu.memory_space<vmem>> -> memref<1x128xf32, #tpu.memory_space<vmem>>
          %dma_start3A_211 = tpu.memref_squeeze %dma_start3A_210 : memref<1x128xf32, #tpu.memory_space<vmem>> -> memref<128xf32, #tpu.memory_space<vmem>>
          %dma_start3A_212 = arith.constant 0 : i32
          %dma_start3A_213 = tpu.memref_slice %arg9[%add3A_69, %dma_start3A_212] : memref<27x128xi32, #tpu.memory_space<vmem>> -> memref<1x128xi32, #tpu.memory_space<vmem>>
          %dma_start3A_214 = tpu.memref_squeeze %dma_start3A_213 : memref<1x128xi32, #tpu.memory_space<vmem>> -> memref<128xi32, #tpu.memory_space<vmem>>
          %dma_start3A_215 = arith.constant 0 : i32
          %dma_start3A_216 = tpu.memref_slice %arg24[%dma_start3A_215] : memref<10016xf32, #tpu.memory_space<vmem_shared>> -> memref<10016xf32, #tpu.memory_space<vmem_shared>>
          tpu.enqueue_indirect_dma source(%dma_start3A_211 : memref<128xf32, #tpu.memory_space<vmem>>) target(%dma_start3A_216 : memref<10016xf32, #tpu.memory_space<vmem_shared>>) offsets(%dma_start3A_214 : memref<128xi32, #tpu.memory_space<vmem>>) semaphore(%run_scoped3A_209 : memref<!tpu.dma_semaphore, #tpu.memory_space<semaphore_mem>>) {add = true}
          %dma_wait3A = arith.constant 0 : i32
          %dma_wait3A_217 = tpu.memref_slice %arg10[%run_scoped3A, %dma_wait3A] : memref<1x128xf32, #tpu.memory_space<vmem>> -> memref<1x128xf32, #tpu.memory_space<vmem>>
          %dma_wait3A_218 = tpu.memref_squeeze %dma_wait3A_217 : memref<1x128xf32, #tpu.memory_space<vmem>> -> memref<128xf32, #tpu.memory_space<vmem>>
          %dma_wait3A_219 = arith.constant 0 : i32
          %dma_wait3A_220 = tpu.memref_slice %arg9[%add3A_69, %dma_wait3A_219] : memref<27x128xi32, #tpu.memory_space<vmem>> -> memref<1x128xi32, #tpu.memory_space<vmem>>
          %dma_wait3A_221 = tpu.memref_squeeze %dma_wait3A_220 : memref<1x128xi32, #tpu.memory_space<vmem>> -> memref<128xi32, #tpu.memory_space<vmem>>
          %dma_wait3A_222 = arith.constant 0 : i32
          %dma_wait3A_223 = tpu.memref_slice %arg24[%dma_wait3A_222] : memref<10016xf32, #tpu.memory_space<vmem_shared>> -> memref<10016xf32, #tpu.memory_space<vmem_shared>>
          tpu.wait_indirect_dma semaphore(%run_scoped3A_209 : memref<!tpu.dma_semaphore, #tpu.memory_space<semaphore_mem>>) src(%dma_wait3A_218 : memref<128xf32, #tpu.memory_space<vmem>>) dst(%dma_wait3A_223 : memref<10016xf32, #tpu.memory_space<vmem_shared>>)
          tpu.yield
        }) : () -> ()
      }
      %scan3A_64 = arith.constant 27 : i32
    }
    %scan3A_38 = arith.constant 6 : i32
    %barrier3A_39 = arith.constant 0 : index
    tpu.barrier barrier_id(%barrier3A_39)
    "tpu.region"() ({
      %run_scoped3A = tpu.sem_alloc : memref<!tpu.dma_semaphore, #tpu.memory_space<semaphore_mem>>
      tpu.enqueue_dma source(%arg24 : memref<10016xf32, #tpu.memory_space<vmem_shared>>) target(%arg13 : memref<10016xf32, #tpu.memory_space<vmem>>) target_semaphore(%run_scoped3A : memref<!tpu.dma_semaphore, #tpu.memory_space<semaphore_mem>>)
      tpu.wait_dma2 semaphore(%run_scoped3A : memref<!tpu.dma_semaphore, #tpu.memory_space<semaphore_mem>>) src(%arg24 : memref<10016xf32, #tpu.memory_space<vmem_shared>>) dst(%arg13 : memref<10016xf32, #tpu.memory_space<vmem>>)
      tpu.yield
    }) : () -> ()
    %scan3A_40 = arith.constant 0 : i32
    %scan3A_41 = arith.constant 3 : i32
    %scan3A_42 = arith.addi %scan3A_40, %scan3A_41 : i32
    %scan3A_43 = arith.constant 1 : i32
    scf.for %scan3A_56 = %scan3A_40 to %scan3A_42 step %scan3A_43  : i32 {
      %mul3A = arith.constant 1 : i32
      %mul3A_57 = arith.muli %scan3A_56, %mul3A : i32
      %add3A_58 = arith.constant 0 : i32
      %add3A_59 = arith.addi %add3A_58, %mul3A_57 : i32
      %mul3A_60 = arith.constant 3 : i32
      %mul3A_61 = arith.muli %arg0, %mul3A_60 : i32
      %add3A_62 = arith.addi %mul3A_61, %add3A_59 : i32
      "tpu.region"() ({
        %run_scoped3A = tpu.sem_alloc : memref<!tpu.dma_semaphore, #tpu.memory_space<semaphore_mem>>
        %dma_start3A_83 = arith.constant 0 : i32
        %dma_start3A_84 = arith.constant 0 : i32
        %dma_start3A_85 = tpu.memref_slice %arg2[%arg1, %add3A_62, %dma_start3A_83, %dma_start3A_84] : memref<16x6x27x128xi32, #tpu.memory_space<hbm>> -> memref<1x1x27x128xi32, #tpu.memory_space<hbm>>
        %dma_start3A_86 = tpu.memref_squeeze %dma_start3A_85 : memref<1x1x27x128xi32, #tpu.memory_space<hbm>> -> memref<27x128xi32, #tpu.memory_space<hbm>>
        %dma_start3A_87 = arith.constant 0 : i32
        %dma_start3A_88 = arith.constant 0 : i32
        %dma_start3A_89 = tpu.memref_slice %arg2[%arg1, %add3A_62, %dma_start3A_87, %dma_start3A_88] : memref<16x6x27x128xi32, #tpu.memory_space<hbm>> -> memref<1x1x27x128xi32, #tpu.memory_space<hbm>>
        %dma_start3A_90 = tpu.memref_squeeze %dma_start3A_89 : memref<1x1x27x128xi32, #tpu.memory_space<hbm>> -> memref<27x128xi32, #tpu.memory_space<hbm>>
        tpu.enqueue_dma source(%dma_start3A_90 : memref<27x128xi32, #tpu.memory_space<hbm>>) target(%arg8 : memref<27x128xi32, #tpu.memory_space<vmem>>) target_semaphore(%run_scoped3A : memref<!tpu.dma_semaphore, #tpu.memory_space<semaphore_mem>>)
        %dma_wait3A = arith.constant 0 : i32
        %dma_wait3A_91 = arith.constant 0 : i32
        %dma_wait3A_92 = tpu.memref_slice %arg2[%arg1, %add3A_62, %dma_wait3A, %dma_wait3A_91] : memref<16x6x27x128xi32, #tpu.memory_space<hbm>> -> memref<1x1x27x128xi32, #tpu.memory_space<hbm>>
        %dma_wait3A_93 = tpu.memref_squeeze %dma_wait3A_92 : memref<1x1x27x128xi32, #tpu.memory_space<hbm>> -> memref<27x128xi32, #tpu.memory_space<hbm>>
        %dma_wait3A_94 = arith.constant 0 : i32
        %dma_wait3A_95 = arith.constant 0 : i32
        %dma_wait3A_96 = tpu.memref_slice %arg2[%arg1, %add3A_62, %dma_wait3A_94, %dma_wait3A_95] : memref<16x6x27x128xi32, #tpu.memory_space<hbm>> -> memref<1x1x27x128xi32, #tpu.memory_space<hbm>>
        %dma_wait3A_97 = tpu.memref_squeeze %dma_wait3A_96 : memref<1x1x27x128xi32, #tpu.memory_space<hbm>> -> memref<27x128xi32, #tpu.memory_space<hbm>>
        tpu.wait_dma2 semaphore(%run_scoped3A : memref<!tpu.dma_semaphore, #tpu.memory_space<semaphore_mem>>) src(%dma_wait3A_97 : memref<27x128xi32, #tpu.memory_space<hbm>>) dst(%arg8 : memref<27x128xi32, #tpu.memory_space<vmem>>)
        tpu.yield
      }) : () -> ()
      %mul3A_63 = arith.constant 3 : i32
      %mul3A_64 = arith.muli %arg0, %mul3A_63 : i32
      %add3A_65 = arith.addi %mul3A_64, %add3A_59 : i32
      "tpu.region"() ({
        %run_scoped3A = tpu.sem_alloc : memref<!tpu.dma_semaphore, #tpu.memory_space<semaphore_mem>>
        %dma_start3A_83 = arith.constant 0 : i32
        %dma_start3A_84 = arith.constant 0 : i32
        %dma_start3A_85 = tpu.memref_slice %arg3[%arg1, %add3A_65, %dma_start3A_83, %dma_start3A_84] : memref<16x6x27x128xi32, #tpu.memory_space<hbm>> -> memref<1x1x27x128xi32, #tpu.memory_space<hbm>>
        %dma_start3A_86 = tpu.memref_squeeze %dma_start3A_85 : memref<1x1x27x128xi32, #tpu.memory_space<hbm>> -> memref<27x128xi32, #tpu.memory_space<hbm>>
        %dma_start3A_87 = arith.constant 0 : i32
        %dma_start3A_88 = arith.constant 0 : i32
        %dma_start3A_89 = tpu.memref_slice %arg3[%arg1, %add3A_65, %dma_start3A_87, %dma_start3A_88] : memref<16x6x27x128xi32, #tpu.memory_space<hbm>> -> memref<1x1x27x128xi32, #tpu.memory_space<hbm>>
        %dma_start3A_90 = tpu.memref_squeeze %dma_start3A_89 : memref<1x1x27x128xi32, #tpu.memory_space<hbm>> -> memref<27x128xi32, #tpu.memory_space<hbm>>
        tpu.enqueue_dma source(%dma_start3A_90 : memref<27x128xi32, #tpu.memory_space<hbm>>) target(%arg9 : memref<27x128xi32, #tpu.memory_space<vmem>>) target_semaphore(%run_scoped3A : memref<!tpu.dma_semaphore, #tpu.memory_space<semaphore_mem>>)
        %dma_wait3A = arith.constant 0 : i32
        %dma_wait3A_91 = arith.constant 0 : i32
        %dma_wait3A_92 = tpu.memref_slice %arg3[%arg1, %add3A_65, %dma_wait3A, %dma_wait3A_91] : memref<16x6x27x128xi32, #tpu.memory_space<hbm>> -> memref<1x1x27x128xi32, #tpu.memory_space<hbm>>
        %dma_wait3A_93 = tpu.memref_squeeze %dma_wait3A_92 : memref<1x1x27x128xi32, #tpu.memory_space<hbm>> -> memref<27x128xi32, #tpu.memory_space<hbm>>
        %dma_wait3A_94 = arith.constant 0 : i32
        %dma_wait3A_95 = arith.constant 0 : i32
        %dma_wait3A_96 = tpu.memref_slice %arg3[%arg1, %add3A_65, %dma_wait3A_94, %dma_wait3A_95] : memref<16x6x27x128xi32, #tpu.memory_space<hbm>> -> memref<1x1x27x128xi32, #tpu.memory_space<hbm>>
        %dma_wait3A_97 = tpu.memref_squeeze %dma_wait3A_96 : memref<1x1x27x128xi32, #tpu.memory_space<hbm>> -> memref<27x128xi32, #tpu.memory_space<hbm>>
        tpu.wait_dma2 semaphore(%run_scoped3A : memref<!tpu.dma_semaphore, #tpu.memory_space<semaphore_mem>>) src(%dma_wait3A_97 : memref<27x128xi32, #tpu.memory_space<hbm>>) dst(%arg9 : memref<27x128xi32, #tpu.memory_space<vmem>>)
        tpu.yield
      }) : () -> ()
      %get3A = arith.constant 0 : i32
      %get3A_66 = arith.index_cast %get3A : i32 to index
      %get3A_67 = arith.constant 0 : index
      %get3A_68 = tpu.vector_load %arg8[%get3A_66, %get3A_67] {strides = array<i32>} : memref<27x128xi32, #tpu.memory_space<vmem>>, vector<16xi32>,
      %swap3A = arith.constant 0 : index
      %swap3A_69 = tpu.vector_load %arg17[%swap3A] {strides = array<i32>} : memref<32xi32, #tpu.memory_space<vmem>>, vector<16xi32>,
      tpu.vector_store %arg17[%swap3A], %get3A_68 {strides = array<i32>} : memref<32xi32, #tpu.memory_space<vmem>>, vector<16xi32>,
      %get3A_70 = arith.constant 0 : i32
      %get3A_71 = arith.index_cast %get3A_70 : i32 to index
      %get3A_72 = arith.constant 16 : index
      %get3A_73 = tpu.vector_load %arg8[%get3A_71, %get3A_72] {strides = array<i32>} : memref<27x128xi32, #tpu.memory_space<vmem>>, vector<16xi32>,
      %swap3A_74 = arith.constant 16 : index
      %swap3A_75 = tpu.vector_load %arg17[%swap3A_74] {strides = array<i32>} : memref<32xi32, #tpu.memory_space<vmem>>, vector<16xi32>,
      tpu.vector_store %arg17[%swap3A_74], %get3A_73 {strides = array<i32>} : memref<32xi32, #tpu.memory_space<vmem>>, vector<16xi32>,
      %dma_start3A = arith.constant 0 : i32
      %dma_start3A_76 = arith.constant 0 : i32
      %dma_start3A_77 = tpu.memref_slice %arg6[%dma_start3A, %dma_start3A_76] : memref<10016x128xf32, #tpu.memory_space<hbm>> -> memref<10016x128xf32, #tpu.memory_space<hbm>>
      tpu.enqueue_indirect_dma source(%dma_start3A_77 : memref<10016x128xf32, #tpu.memory_space<hbm>>) target(%arg14 : memref<32x128xf32, #tpu.memory_space<vmem>>) offsets(%arg17 : memref<32xi32, #tpu.memory_space<vmem>>) semaphore(%arg21 : memref<!tpu.dma_semaphore, #tpu.memory_space<semaphore_mem>>)
      %scan3A_78 = arith.constant 0 : i32
      %scan3A_79 = arith.constant 27 : i32
      %scan3A_80 = arith.addi %scan3A_78, %scan3A_79 : i32
      %scan3A_81 = arith.constant 1 : i32
      scf.for %scan3A_83 = %scan3A_78 to %scan3A_80 step %scan3A_81  : i32 {
        %mul3A_84 = arith.constant 1 : i32
        %mul3A_85 = arith.muli %scan3A_83, %mul3A_84 : i32
        %add3A_86 = arith.constant 0 : i32
        %add3A_87 = arith.addi %add3A_86, %mul3A_85 : i32
        %get3A_88 = arith.index_cast %add3A_87 : i32 to index
        %get3A_89 = arith.constant 0 : index
        %get3A_90 = tpu.vector_load %arg8[%get3A_88, %get3A_89] {strides = array<i32>} : memref<27x128xi32, #tpu.memory_space<vmem>>, vector<16xi32>,
        %get3A_91 = arith.index_cast %add3A_87 : i32 to index
        %get3A_92 = arith.constant 0 : index
        %get3A_93 = tpu.vector_load %arg9[%get3A_91, %get3A_92] {strides = array<i32>} : memref<27x128xi32, #tpu.memory_space<vmem>>, vector<16xi32>,
        %gather3A = tpu.vector_load_idx %arg11[%get3A_90] : memref<10016xf32, #tpu.memory_space<vmem>>[vector<16xi32>], vector<16xf32>,
        %gather3A_94 = tpu.vector_load_idx %arg12[%get3A_93] : memref<10016xf32, #tpu.memory_space<vmem>>[vector<16xi32>], vector<16xf32>,
        %add3A_95 = arith.addf %gather3A, %gather3A_94 : vector<16xf32>
        %mul3A_96 = arith.constant 2.000000e-01 : f32
        %mul3A_97 = vector.broadcast %mul3A_96 : f32 to vector<16xf32>
        %mul3A_98 = arith.mulf %mul3A_97, %add3A_95 : vector<16xf32>
        %max3A = arith.maximumf %add3A_95, %mul3A_98 : vector<16xf32>
        %exp3A = math.exp %max3A : vector<16xf32>
        %gather3A_99 = tpu.vector_load_idx %arg13[%get3A_93] : memref<10016xf32, #tpu.memory_space<vmem>>[vector<16xi32>], vector<16xf32>,
        %add3A_100 = arith.constant 1.000000e-16 : f32
        %add3A_101 = vector.broadcast %add3A_100 : f32 to vector<16xf32>
        %add3A_102 = arith.addf %gather3A_99, %add3A_101 : vector<16xf32>
        %div3A_103 = arith.divf %exp3A, %add3A_102 : vector<16xf32>
        %swap3A_104 = arith.constant 0 : index
        %swap3A_105 = tpu.vector_load %arg16[%swap3A_104] {strides = array<i32>} : memref<32xf32, #tpu.memory_space<vmem>>, vector<16xf32>,
        tpu.vector_store %arg16[%swap3A_104], %div3A_103 {strides = array<i32>} : memref<32xf32, #tpu.memory_space<vmem>>, vector<16xf32>,
        %swap3A_106 = arith.constant 0 : index
        %swap3A_107 = tpu.vector_load %arg19[%swap3A_106] {strides = array<i32>} : memref<32xi32, #tpu.memory_space<vmem>>, vector<16xi32>,
        tpu.vector_store %arg19[%swap3A_106], %get3A_93 {strides = array<i32>} : memref<32xi32, #tpu.memory_space<vmem>>, vector<16xi32>,
        %get3A_108 = arith.index_cast %add3A_87 : i32 to index
        %get3A_109 = arith.constant 16 : index
        %get3A_110 = tpu.vector_load %arg8[%get3A_108, %get3A_109] {strides = array<i32>} : memref<27x128xi32, #tpu.memory_space<vmem>>, vector<16xi32>,
        %get3A_111 = arith.index_cast %add3A_87 : i32 to index
        %get3A_112 = arith.constant 16 : index
        %get3A_113 = tpu.vector_load %arg9[%get3A_111, %get3A_112] {strides = array<i32>} : memref<27x128xi32, #tpu.memory_space<vmem>>, vector<16xi32>,
        %gather3A_114 = tpu.vector_load_idx %arg11[%get3A_110] : memref<10016xf32, #tpu.memory_space<vmem>>[vector<16xi32>], vector<16xf32>,
        %gather3A_115 = tpu.vector_load_idx %arg12[%get3A_113] : memref<10016xf32, #tpu.memory_space<vmem>>[vector<16xi32>], vector<16xf32>,
        %add3A_116 = arith.addf %gather3A_114, %gather3A_115 : vector<16xf32>
        %mul3A_117 = arith.constant 2.000000e-01 : f32
        %mul3A_118 = vector.broadcast %mul3A_117 : f32 to vector<16xf32>
        %mul3A_119 = arith.mulf %mul3A_118, %add3A_116 : vector<16xf32>
        %max3A_120 = arith.maximumf %add3A_116, %mul3A_119 : vector<16xf32>
        %exp3A_121 = math.exp %max3A_120 : vector<16xf32>
        %gather3A_122 = tpu.vector_load_idx %arg13[%get3A_113] : memref<10016xf32, #tpu.memory_space<vmem>>[vector<16xi32>], vector<16xf32>,
        %add3A_123 = arith.constant 1.000000e-16 : f32
        %add3A_124 = vector.broadcast %add3A_123 : f32 to vector<16xf32>
        %add3A_125 = arith.addf %gather3A_122, %add3A_124 : vector<16xf32>
        %div3A_126 = arith.divf %exp3A_121, %add3A_125 : vector<16xf32>
        %swap3A_127 = arith.constant 16 : index
        %swap3A_128 = tpu.vector_load %arg16[%swap3A_127] {strides = array<i32>} : memref<32xf32, #tpu.memory_space<vmem>>, vector<16xf32>,
        tpu.vector_store %arg16[%swap3A_127], %div3A_126 {strides = array<i32>} : memref<32xf32, #tpu.memory_space<vmem>>, vector<16xf32>,
        %swap3A_129 = arith.constant 16 : index
        %swap3A_130 = tpu.vector_load %arg19[%swap3A_129] {strides = array<i32>} : memref<32xi32, #tpu.memory_space<vmem>>, vector<16xi32>,
        tpu.vector_store %arg19[%swap3A_129], %get3A_113 {strides = array<i32>} : memref<32xi32, #tpu.memory_space<vmem>>, vector<16xi32>,
        %dma_wait3A = arith.constant 0 : i32
        %dma_wait3A_131 = arith.constant 0 : i32
        %dma_wait3A_132 = tpu.memref_slice %arg6[%dma_wait3A, %dma_wait3A_131] : memref<10016x128xf32, #tpu.memory_space<hbm>> -> memref<10016x128xf32, #tpu.memory_space<hbm>>
        tpu.wait_indirect_dma semaphore(%arg21 : memref<!tpu.dma_semaphore, #tpu.memory_space<semaphore_mem>>) src(%dma_wait3A_132 : memref<10016x128xf32, #tpu.memory_space<hbm>>) dst(%arg14 : memref<32x128xf32, #tpu.memory_space<vmem>>)
        %get3A_133 = arith.index_cast %add3A_87 : i32 to index
        %get3A_134 = arith.constant 32 : index
        %get3A_135 = tpu.vector_load %arg8[%get3A_133, %get3A_134] {strides = array<i32>} : memref<27x128xi32, #tpu.memory_space<vmem>>, vector<16xi32>,
        %swap3A_136 = arith.constant 0 : index
        %swap3A_137 = tpu.vector_load %arg18[%swap3A_136] {strides = array<i32>} : memref<32xi32, #tpu.memory_space<vmem>>, vector<16xi32>,
        tpu.vector_store %arg18[%swap3A_136], %get3A_135 {strides = array<i32>} : memref<32xi32, #tpu.memory_space<vmem>>, vector<16xi32>,
        %get3A_138 = arith.index_cast %add3A_87 : i32 to index
        %get3A_139 = arith.constant 48 : index
        %get3A_140 = tpu.vector_load %arg8[%get3A_138, %get3A_139] {strides = array<i32>} : memref<27x128xi32, #tpu.memory_space<vmem>>, vector<16xi32>,
        %swap3A_141 = arith.constant 16 : index
        %swap3A_142 = tpu.vector_load %arg18[%swap3A_141] {strides = array<i32>} : memref<32xi32, #tpu.memory_space<vmem>>, vector<16xi32>,
        tpu.vector_store %arg18[%swap3A_141], %get3A_140 {strides = array<i32>} : memref<32xi32, #tpu.memory_space<vmem>>, vector<16xi32>,
        %dma_start3A_143 = arith.constant 0 : i32
        %dma_start3A_144 = arith.constant 0 : i32
        %dma_start3A_145 = tpu.memref_slice %arg6[%dma_start3A_143, %dma_start3A_144] : memref<10016x128xf32, #tpu.memory_space<hbm>> -> memref<10016x128xf32, #tpu.memory_space<hbm>>
        tpu.enqueue_indirect_dma source(%dma_start3A_145 : memref<10016x128xf32, #tpu.memory_space<hbm>>) target(%arg15 : memref<32x128xf32, #tpu.memory_space<vmem>>) offsets(%arg18 : memref<32xi32, #tpu.memory_space<vmem>>) semaphore(%arg22 : memref<!tpu.dma_semaphore, #tpu.memory_space<semaphore_mem>>)
        %scan3A_146 = arith.constant 0 : i32
        %scan3A_147 = arith.constant 16 : i32
        %scan3A_148 = arith.addi %scan3A_146, %scan3A_147 : i32
        %scan3A_149 = arith.constant 1 : i32
        scf.for %scan3A_346 = %scan3A_146 to %scan3A_148 step %scan3A_149  : i32 {
          %mul3A_347 = arith.constant 1 : i32
          %mul3A_348 = arith.muli %scan3A_346, %mul3A_347 : i32
          %add3A_349 = arith.constant 0 : i32
          %add3A_350 = arith.addi %add3A_349, %mul3A_348 : i32
          %mul3A_351 = arith.constant 2 : i32
          %mul3A_352 = arith.muli %add3A_350, %mul3A_351 : i32
          %mul3A_353 = arith.constant 2 : i32
          %mul3A_354 = arith.muli %add3A_350, %mul3A_353 : i32
          %add3A_355 = arith.constant 1 : i32
          %add3A_356 = arith.addi %mul3A_354, %add3A_355 : i32
          %broadcast_in_dim3A_357 = vector.broadcast %mul3A_352 : i32 to vector<16xi32>
          %gather3A_358 = tpu.vector_load_idx %arg16[%broadcast_in_dim3A_357] : memref<32xf32, #tpu.memory_space<vmem>>[vector<16xi32>], vector<16xf32>,
          %broadcast_in_dim3A_359 = vector.broadcast %add3A_356 : i32 to vector<16xi32>
          %gather3A_360 = tpu.vector_load_idx %arg16[%broadcast_in_dim3A_359] : memref<32xf32, #tpu.memory_space<vmem>>[vector<16xi32>], vector<16xf32>,
          %get3A_361 = arith.index_cast %mul3A_352 : i32 to index
          %get3A_362 = arith.constant 0 : index
          %get3A_363 = tpu.vector_load %arg14[%get3A_361, %get3A_362] {strides = array<i32>} : memref<32x128xf32, #tpu.memory_space<vmem>>, vector<16xf32>,
          %mul3A_364 = arith.mulf %get3A_363, %gather3A_358 : vector<16xf32>
          %swap3A_365 = arith.index_cast %mul3A_352 : i32 to index
          %swap3A_366 = arith.constant 0 : index
          %swap3A_367 = tpu.vector_load %arg14[%swap3A_365, %swap3A_366] {strides = array<i32>} : memref<32x128xf32, #tpu.memory_space<vmem>>, vector<16xf32>,
          tpu.vector_store %arg14[%swap3A_365, %swap3A_366], %mul3A_364 {strides = array<i32>} : memref<32x128xf32, #tpu.memory_space<vmem>>, vector<16xf32>,
          %get3A_368 = arith.index_cast %add3A_356 : i32 to index
          %get3A_369 = arith.constant 0 : index
          %get3A_370 = tpu.vector_load %arg14[%get3A_368, %get3A_369] {strides = array<i32>} : memref<32x128xf32, #tpu.memory_space<vmem>>, vector<16xf32>,
          %mul3A_371 = arith.mulf %get3A_370, %gather3A_360 : vector<16xf32>
          %swap3A_372 = arith.index_cast %add3A_356 : i32 to index
          %swap3A_373 = arith.constant 0 : index
          %swap3A_374 = tpu.vector_load %arg14[%swap3A_372, %swap3A_373] {strides = array<i32>} : memref<32x128xf32, #tpu.memory_space<vmem>>, vector<16xf32>,
          tpu.vector_store %arg14[%swap3A_372, %swap3A_373], %mul3A_371 {strides = array<i32>} : memref<32x128xf32, #tpu.memory_space<vmem>>, vector<16xf32>,
          %get3A_375 = arith.index_cast %mul3A_352 : i32 to index
          %get3A_376 = arith.constant 16 : index
          %get3A_377 = tpu.vector_load %arg14[%get3A_375, %get3A_376] {strides = array<i32>} : memref<32x128xf32, #tpu.memory_space<vmem>>, vector<16xf32>,
          %mul3A_378 = arith.mulf %get3A_377, %gather3A_358 : vector<16xf32>
          %swap3A_379 = arith.index_cast %mul3A_352 : i32 to index
          %swap3A_380 = arith.constant 16 : index
          %swap3A_381 = tpu.vector_load %arg14[%swap3A_379, %swap3A_380] {strides = array<i32>} : memref<32x128xf32, #tpu.memory_space<vmem>>, vector<16xf32>,
          tpu.vector_store %arg14[%swap3A_379, %swap3A_380], %mul3A_378 {strides = array<i32>} : memref<32x128xf32, #tpu.memory_space<vmem>>, vector<16xf32>,
          %get3A_382 = arith.index_cast %add3A_356 : i32 to index
          %get3A_383 = arith.constant 16 : index
          %get3A_384 = tpu.vector_load %arg14[%get3A_382, %get3A_383] {strides = array<i32>} : memref<32x128xf32, #tpu.memory_space<vmem>>, vector<16xf32>,
          %mul3A_385 = arith.mulf %get3A_384, %gather3A_360 : vector<16xf32>
          %swap3A_386 = arith.index_cast %add3A_356 : i32 to index
          %swap3A_387 = arith.constant 16 : index
          %swap3A_388 = tpu.vector_load %arg14[%swap3A_386, %swap3A_387] {strides = array<i32>} : memref<32x128xf32, #tpu.memory_space<vmem>>, vector<16xf32>,
          tpu.vector_store %arg14[%swap3A_386, %swap3A_387], %mul3A_385 {strides = array<i32>} : memref<32x128xf32, #tpu.memory_space<vmem>>, vector<16xf32>,
          %get3A_389 = arith.index_cast %mul3A_352 : i32 to index
          %get3A_390 = arith.constant 32 : index
          %get3A_391 = tpu.vector_load %arg14[%get3A_389, %get3A_390] {strides = array<i32>} : memref<32x128xf32, #tpu.memory_space<vmem>>, vector<16xf32>,
          %mul3A_392 = arith.mulf %get3A_391, %gather3A_358 : vector<16xf32>
          %swap3A_393 = arith.index_cast %mul3A_352 : i32 to index
          %swap3A_394 = arith.constant 32 : index
          %swap3A_395 = tpu.vector_load %arg14[%swap3A_393, %swap3A_394] {strides = array<i32>} : memref<32x128xf32, #tpu.memory_space<vmem>>, vector<16xf32>,
          tpu.vector_store %arg14[%swap3A_393, %swap3A_394], %mul3A_392 {strides = array<i32>} : memref<32x128xf32, #tpu.memory_space<vmem>>, vector<16xf32>,
          %get3A_396 = arith.index_cast %add3A_356 : i32 to index
          %get3A_397 = arith.constant 32 : index
          %get3A_398 = tpu.vector_load %arg14[%get3A_396, %get3A_397] {strides = array<i32>} : memref<32x128xf32, #tpu.memory_space<vmem>>, vector<16xf32>,
          %mul3A_399 = arith.mulf %get3A_398, %gather3A_360 : vector<16xf32>
          %swap3A_400 = arith.index_cast %add3A_356 : i32 to index
          %swap3A_401 = arith.constant 32 : index
          %swap3A_402 = tpu.vector_load %arg14[%swap3A_400, %swap3A_401] {strides = array<i32>} : memref<32x128xf32, #tpu.memory_space<vmem>>, vector<16xf32>,
          tpu.vector_store %arg14[%swap3A_400, %swap3A_401], %mul3A_399 {strides = array<i32>} : memref<32x128xf32, #tpu.memory_space<vmem>>, vector<16xf32>,
          %get3A_403 = arith.index_cast %mul3A_352 : i32 to index
          %get3A_404 = arith.constant 48 : index
          %get3A_405 = tpu.vector_load %arg14[%get3A_403, %get3A_404] {strides = array<i32>} : memref<32x128xf32, #tpu.memory_space<vmem>>, vector<16xf32>,
          %mul3A_406 = arith.mulf %get3A_405, %gather3A_358 : vector<16xf32>
          %swap3A_407 = arith.index_cast %mul3A_352 : i32 to index
          %swap3A_408 = arith.constant 48 : index
          %swap3A_409 = tpu.vector_load %arg14[%swap3A_407, %swap3A_408] {strides = array<i32>} : memref<32x128xf32, #tpu.memory_space<vmem>>, vector<16xf32>,
          tpu.vector_store %arg14[%swap3A_407, %swap3A_408], %mul3A_406 {strides = array<i32>} : memref<32x128xf32, #tpu.memory_space<vmem>>, vector<16xf32>,
          %get3A_410 = arith.index_cast %add3A_356 : i32 to index
          %get3A_411 = arith.constant 48 : index
          %get3A_412 = tpu.vector_load %arg14[%get3A_410, %get3A_411] {strides = array<i32>} : memref<32x128xf32, #tpu.memory_space<vmem>>, vector<16xf32>,
          %mul3A_413 = arith.mulf %get3A_412, %gather3A_360 : vector<16xf32>
          %swap3A_414 = arith.index_cast %add3A_356 : i32 to index
          %swap3A_415 = arith.constant 48 : index
          %swap3A_416 = tpu.vector_load %arg14[%swap3A_414, %swap3A_415] {strides = array<i32>} : memref<32x128xf32, #tpu.memory_space<vmem>>, vector<16xf32>,
          tpu.vector_store %arg14[%swap3A_414, %swap3A_415], %mul3A_413 {strides = array<i32>} : memref<32x128xf32, #tpu.memory_space<vmem>>, vector<16xf32>,
          %get3A_417 = arith.index_cast %mul3A_352 : i32 to index
          %get3A_418 = arith.constant 64 : index
          %get3A_419 = tpu.vector_load %arg14[%get3A_417, %get3A_418] {strides = array<i32>} : memref<32x128xf32, #tpu.memory_space<vmem>>, vector<16xf32>,
          %mul3A_420 = arith.mulf %get3A_419, %gather3A_358 : vector<16xf32>
          %swap3A_421 = arith.index_cast %mul3A_352 : i32 to index
          %swap3A_422 = arith.constant 64 : index
          %swap3A_423 = tpu.vector_load %arg14[%swap3A_421, %swap3A_422] {strides = array<i32>} : memref<32x128xf32, #tpu.memory_space<vmem>>, vector<16xf32>,
          tpu.vector_store %arg14[%swap3A_421, %swap3A_422], %mul3A_420 {strides = array<i32>} : memref<32x128xf32, #tpu.memory_space<vmem>>, vector<16xf32>,
          %get3A_424 = arith.index_cast %add3A_356 : i32 to index
          %get3A_425 = arith.constant 64 : index
          %get3A_426 = tpu.vector_load %arg14[%get3A_424, %get3A_425] {strides = array<i32>} : memref<32x128xf32, #tpu.memory_space<vmem>>, vector<16xf32>,
          %mul3A_427 = arith.mulf %get3A_426, %gather3A_360 : vector<16xf32>
          %swap3A_428 = arith.index_cast %add3A_356 : i32 to index
          %swap3A_429 = arith.constant 64 : index
          %swap3A_430 = tpu.vector_load %arg14[%swap3A_428, %swap3A_429] {strides = array<i32>} : memref<32x128xf32, #tpu.memory_space<vmem>>, vector<16xf32>,
          tpu.vector_store %arg14[%swap3A_428, %swap3A_429], %mul3A_427 {strides = array<i32>} : memref<32x128xf32, #tpu.memory_space<vmem>>, vector<16xf32>,
          %get3A_431 = arith.index_cast %mul3A_352 : i32 to index
          %get3A_432 = arith.constant 80 : index
          %get3A_433 = tpu.vector_load %arg14[%get3A_431, %get3A_432] {strides = array<i32>} : memref<32x128xf32, #tpu.memory_space<vmem>>, vector<16xf32>,
          %mul3A_434 = arith.mulf %get3A_433, %gather3A_358 : vector<16xf32>
          %swap3A_435 = arith.index_cast %mul3A_352 : i32 to index
          %swap3A_436 = arith.constant 80 : index
          %swap3A_437 = tpu.vector_load %arg14[%swap3A_435, %swap3A_436] {strides = array<i32>} : memref<32x128xf32, #tpu.memory_space<vmem>>, vector<16xf32>,
          tpu.vector_store %arg14[%swap3A_435, %swap3A_436], %mul3A_434 {strides = array<i32>} : memref<32x128xf32, #tpu.memory_space<vmem>>, vector<16xf32>,
          %get3A_438 = arith.index_cast %add3A_356 : i32 to index
          %get3A_439 = arith.constant 80 : index
          %get3A_440 = tpu.vector_load %arg14[%get3A_438, %get3A_439] {strides = array<i32>} : memref<32x128xf32, #tpu.memory_space<vmem>>, vector<16xf32>,
          %mul3A_441 = arith.mulf %get3A_440, %gather3A_360 : vector<16xf32>
          %swap3A_442 = arith.index_cast %add3A_356 : i32 to index
          %swap3A_443 = arith.constant 80 : index
          %swap3A_444 = tpu.vector_load %arg14[%swap3A_442, %swap3A_443] {strides = array<i32>} : memref<32x128xf32, #tpu.memory_space<vmem>>, vector<16xf32>,
          tpu.vector_store %arg14[%swap3A_442, %swap3A_443], %mul3A_441 {strides = array<i32>} : memref<32x128xf32, #tpu.memory_space<vmem>>, vector<16xf32>,
          %get3A_445 = arith.index_cast %mul3A_352 : i32 to index
          %get3A_446 = arith.constant 96 : index
          %get3A_447 = tpu.vector_load %arg14[%get3A_445, %get3A_446] {strides = array<i32>} : memref<32x128xf32, #tpu.memory_space<vmem>>, vector<16xf32>,
          %mul3A_448 = arith.mulf %get3A_447, %gather3A_358 : vector<16xf32>
          %swap3A_449 = arith.index_cast %mul3A_352 : i32 to index
          %swap3A_450 = arith.constant 96 : index
          %swap3A_451 = tpu.vector_load %arg14[%swap3A_449, %swap3A_450] {strides = array<i32>} : memref<32x128xf32, #tpu.memory_space<vmem>>, vector<16xf32>,
          tpu.vector_store %arg14[%swap3A_449, %swap3A_450], %mul3A_448 {strides = array<i32>} : memref<32x128xf32, #tpu.memory_space<vmem>>, vector<16xf32>,
          %get3A_452 = arith.index_cast %add3A_356 : i32 to index
          %get3A_453 = arith.constant 96 : index
          %get3A_454 = tpu.vector_load %arg14[%get3A_452, %get3A_453] {strides = array<i32>} : memref<32x128xf32, #tpu.memory_space<vmem>>, vector<16xf32>,
          %mul3A_455 = arith.mulf %get3A_454, %gather3A_360 : vector<16xf32>
          %swap3A_456 = arith.index_cast %add3A_356 : i32 to index
          %swap3A_457 = arith.constant 96 : index
          %swap3A_458 = tpu.vector_load %arg14[%swap3A_456, %swap3A_457] {strides = array<i32>} : memref<32x128xf32, #tpu.memory_space<vmem>>, vector<16xf32>,
          tpu.vector_store %arg14[%swap3A_456, %swap3A_457], %mul3A_455 {strides = array<i32>} : memref<32x128xf32, #tpu.memory_space<vmem>>, vector<16xf32>,
          %get3A_459 = arith.index_cast %mul3A_352 : i32 to index
          %get3A_460 = arith.constant 112 : index
          %get3A_461 = tpu.vector_load %arg14[%get3A_459, %get3A_460] {strides = array<i32>} : memref<32x128xf32, #tpu.memory_space<vmem>>, vector<16xf32>,
          %mul3A_462 = arith.mulf %get3A_461, %gather3A_358 : vector<16xf32>
          %swap3A_463 = arith.index_cast %mul3A_352 : i32 to index
          %swap3A_464 = arith.constant 112 : index
          %swap3A_465 = tpu.vector_load %arg14[%swap3A_463, %swap3A_464] {strides = array<i32>} : memref<32x128xf32, #tpu.memory_space<vmem>>, vector<16xf32>,
          tpu.vector_store %arg14[%swap3A_463, %swap3A_464], %mul3A_462 {strides = array<i32>} : memref<32x128xf32, #tpu.memory_space<vmem>>, vector<16xf32>,
          %get3A_466 = arith.index_cast %add3A_356 : i32 to index
          %get3A_467 = arith.constant 112 : index
          %get3A_468 = tpu.vector_load %arg14[%get3A_466, %get3A_467] {strides = array<i32>} : memref<32x128xf32, #tpu.memory_space<vmem>>, vector<16xf32>,
          %mul3A_469 = arith.mulf %get3A_468, %gather3A_360 : vector<16xf32>
          %swap3A_470 = arith.index_cast %add3A_356 : i32 to index
          %swap3A_471 = arith.constant 112 : index
          %swap3A_472 = tpu.vector_load %arg14[%swap3A_470, %swap3A_471] {strides = array<i32>} : memref<32x128xf32, #tpu.memory_space<vmem>>, vector<16xf32>,
          tpu.vector_store %arg14[%swap3A_470, %swap3A_471], %mul3A_469 {strides = array<i32>} : memref<32x128xf32, #tpu.memory_space<vmem>>, vector<16xf32>,
        }
        %scan3A_150 = arith.constant 16 : i32
        "tpu.region"() ({
          %run_scoped3A = tpu.sem_alloc : memref<!tpu.dma_semaphore, #tpu.memory_space<semaphore_mem>>
          %dma_start3A_346 = arith.constant 0 : i32
          %dma_start3A_347 = arith.constant 0 : i32
          %dma_start3A_348 = tpu.memref_slice %arg25[%dma_start3A_346, %dma_start3A_347] : memref<10016x128xf32, #tpu.memory_space<vmem_shared>> -> memref<10016x128xf32, #tpu.memory_space<vmem_shared>>
          tpu.enqueue_indirect_dma source(%arg14 : memref<32x128xf32, #tpu.memory_space<vmem>>) target(%dma_start3A_348 : memref<10016x128xf32, #tpu.memory_space<vmem_shared>>) offsets(%arg19 : memref<32xi32, #tpu.memory_space<vmem>>) semaphore(%run_scoped3A : memref<!tpu.dma_semaphore, #tpu.memory_space<semaphore_mem>>) {add = true}
          %dma_wait3A_349 = arith.constant 0 : i32
          %dma_wait3A_350 = arith.constant 0 : i32
          %dma_wait3A_351 = tpu.memref_slice %arg25[%dma_wait3A_349, %dma_wait3A_350] : memref<10016x128xf32, #tpu.memory_space<vmem_shared>> -> memref<10016x128xf32, #tpu.memory_space<vmem_shared>>
          tpu.wait_indirect_dma semaphore(%run_scoped3A : memref<!tpu.dma_semaphore, #tpu.memory_space<semaphore_mem>>) src(%arg14 : memref<32x128xf32, #tpu.memory_space<vmem>>) dst(%dma_wait3A_351 : memref<10016x128xf32, #tpu.memory_space<vmem_shared>>)
          tpu.yield
        }) : () -> ()
        %get3A_151 = arith.index_cast %add3A_87 : i32 to index
        %get3A_152 = arith.constant 32 : index
        %get3A_153 = tpu.vector_load %arg8[%get3A_151, %get3A_152] {strides = array<i32>} : memref<27x128xi32, #tpu.memory_space<vmem>>, vector<16xi32>,
        %get3A_154 = arith.index_cast %add3A_87 : i32 to index
        %get3A_155 = arith.constant 32 : index
        %get3A_156 = tpu.vector_load %arg9[%get3A_154, %get3A_155] {strides = array<i32>} : memref<27x128xi32, #tpu.memory_space<vmem>>, vector<16xi32>,
        %gather3A_157 = tpu.vector_load_idx %arg11[%get3A_153] : memref<10016xf32, #tpu.memory_space<vmem>>[vector<16xi32>], vector<16xf32>,
        %gather3A_158 = tpu.vector_load_idx %arg12[%get3A_156] : memref<10016xf32, #tpu.memory_space<vmem>>[vector<16xi32>], vector<16xf32>,
        %add3A_159 = arith.addf %gather3A_157, %gather3A_158 : vector<16xf32>
        %mul3A_160 = arith.constant 2.000000e-01 : f32
        %mul3A_161 = vector.broadcast %mul3A_160 : f32 to vector<16xf32>
        %mul3A_162 = arith.mulf %mul3A_161, %add3A_159 : vector<16xf32>
        %max3A_163 = arith.maximumf %add3A_159, %mul3A_162 : vector<16xf32>
        %exp3A_164 = math.exp %max3A_163 : vector<16xf32>
        %gather3A_165 = tpu.vector_load_idx %arg13[%get3A_156] : memref<10016xf32, #tpu.memory_space<vmem>>[vector<16xi32>], vector<16xf32>,
        %add3A_166 = arith.constant 1.000000e-16 : f32
        %add3A_167 = vector.broadcast %add3A_166 : f32 to vector<16xf32>
        %add3A_168 = arith.addf %gather3A_165, %add3A_167 : vector<16xf32>
        %div3A_169 = arith.divf %exp3A_164, %add3A_168 : vector<16xf32>
        %swap3A_170 = arith.constant 0 : index
        %swap3A_171 = tpu.vector_load %arg16[%swap3A_170] {strides = array<i32>} : memref<32xf32, #tpu.memory_space<vmem>>, vector<16xf32>,
        tpu.vector_store %arg16[%swap3A_170], %div3A_169 {strides = array<i32>} : memref<32xf32, #tpu.memory_space<vmem>>, vector<16xf32>,
        %swap3A_172 = arith.constant 0 : index
        %swap3A_173 = tpu.vector_load %arg19[%swap3A_172] {strides = array<i32>} : memref<32xi32, #tpu.memory_space<vmem>>, vector<16xi32>,
        tpu.vector_store %arg19[%swap3A_172], %get3A_156 {strides = array<i32>} : memref<32xi32, #tpu.memory_space<vmem>>, vector<16xi32>,
        %get3A_174 = arith.index_cast %add3A_87 : i32 to index
        %get3A_175 = arith.constant 48 : index
        %get3A_176 = tpu.vector_load %arg8[%get3A_174, %get3A_175] {strides = array<i32>} : memref<27x128xi32, #tpu.memory_space<vmem>>, vector<16xi32>,
        %get3A_177 = arith.index_cast %add3A_87 : i32 to index
        %get3A_178 = arith.constant 48 : index
        %get3A_179 = tpu.vector_load %arg9[%get3A_177, %get3A_178] {strides = array<i32>} : memref<27x128xi32, #tpu.memory_space<vmem>>, vector<16xi32>,
        %gather3A_180 = tpu.vector_load_idx %arg11[%get3A_176] : memref<10016xf32, #tpu.memory_space<vmem>>[vector<16xi32>], vector<16xf32>,
        %gather3A_181 = tpu.vector_load_idx %arg12[%get3A_179] : memref<10016xf32, #tpu.memory_space<vmem>>[vector<16xi32>], vector<16xf32>,
        %add3A_182 = arith.addf %gather3A_180, %gather3A_181 : vector<16xf32>
        %mul3A_183 = arith.constant 2.000000e-01 : f32
        %mul3A_184 = vector.broadcast %mul3A_183 : f32 to vector<16xf32>
        %mul3A_185 = arith.mulf %mul3A_184, %add3A_182 : vector<16xf32>
        %max3A_186 = arith.maximumf %add3A_182, %mul3A_185 : vector<16xf32>
        %exp3A_187 = math.exp %max3A_186 : vector<16xf32>
        %gather3A_188 = tpu.vector_load_idx %arg13[%get3A_179] : memref<10016xf32, #tpu.memory_space<vmem>>[vector<16xi32>], vector<16xf32>,
        %add3A_189 = arith.constant 1.000000e-16 : f32
        %add3A_190 = vector.broadcast %add3A_189 : f32 to vector<16xf32>
        %add3A_191 = arith.addf %gather3A_188, %add3A_190 : vector<16xf32>
        %div3A_192 = arith.divf %exp3A_187, %add3A_191 : vector<16xf32>
        %swap3A_193 = arith.constant 16 : index
        %swap3A_194 = tpu.vector_load %arg16[%swap3A_193] {strides = array<i32>} : memref<32xf32, #tpu.memory_space<vmem>>, vector<16xf32>,
        tpu.vector_store %arg16[%swap3A_193], %div3A_192 {strides = array<i32>} : memref<32xf32, #tpu.memory_space<vmem>>, vector<16xf32>,
        %swap3A_195 = arith.constant 16 : index
        %swap3A_196 = tpu.vector_load %arg19[%swap3A_195] {strides = array<i32>} : memref<32xi32, #tpu.memory_space<vmem>>, vector<16xi32>,
        tpu.vector_store %arg19[%swap3A_195], %get3A_179 {strides = array<i32>} : memref<32xi32, #tpu.memory_space<vmem>>, vector<16xi32>,
        %dma_wait3A_197 = arith.constant 0 : i32
        %dma_wait3A_198 = arith.constant 0 : i32
        %dma_wait3A_199 = tpu.memref_slice %arg6[%dma_wait3A_197, %dma_wait3A_198] : memref<10016x128xf32, #tpu.memory_space<hbm>> -> memref<10016x128xf32, #tpu.memory_space<hbm>>
        tpu.wait_indirect_dma semaphore(%arg22 : memref<!tpu.dma_semaphore, #tpu.memory_space<semaphore_mem>>) src(%dma_wait3A_199 : memref<10016x128xf32, #tpu.memory_space<hbm>>) dst(%arg15 : memref<32x128xf32, #tpu.memory_space<vmem>>)
        %get3A_200 = arith.index_cast %add3A_87 : i32 to index
        %get3A_201 = arith.constant 64 : index
        %get3A_202 = tpu.vector_load %arg8[%get3A_200, %get3A_201] {strides = array<i32>} : memref<27x128xi32, #tpu.memory_space<vmem>>, vector<16xi32>,
        %swap3A_203 = arith.constant 0 : index
        %swap3A_204 = tpu.vector_load %arg17[%swap3A_203] {strides = array<i32>} : memref<32xi32, #tpu.memory_space<vmem>>, vector<16xi32>,
        tpu.vector_store %arg17[%swap3A_203], %get3A_202 {strides = array<i32>} : memref<32xi32, #tpu.memory_space<vmem>>, vector<16xi32>,
        %get3A_205 = arith.index_cast %add3A_87 : i32 to index
        %get3A_206 = arith.constant 80 : index
        %get3A_207 = tpu.vector_load %arg8[%get3A_205, %get3A_206] {strides = array<i32>} : memref<27x128xi32, #tpu.memory_space<vmem>>, vector<16xi32>,
        %swap3A_208 = arith.constant 16 : index
        %swap3A_209 = tpu.vector_load %arg17[%swap3A_208] {strides = array<i32>} : memref<32xi32, #tpu.memory_space<vmem>>, vector<16xi32>,
        tpu.vector_store %arg17[%swap3A_208], %get3A_207 {strides = array<i32>} : memref<32xi32, #tpu.memory_space<vmem>>, vector<16xi32>,
        %dma_start3A_210 = arith.constant 0 : i32
        %dma_start3A_211 = arith.constant 0 : i32
        %dma_start3A_212 = tpu.memref_slice %arg6[%dma_start3A_210, %dma_start3A_211] : memref<10016x128xf32, #tpu.memory_space<hbm>> -> memref<10016x128xf32, #tpu.memory_space<hbm>>
        tpu.enqueue_indirect_dma source(%dma_start3A_212 : memref<10016x128xf32, #tpu.memory_space<hbm>>) target(%arg14 : memref<32x128xf32, #tpu.memory_space<vmem>>) offsets(%arg17 : memref<32xi32, #tpu.memory_space<vmem>>) semaphore(%arg21 : memref<!tpu.dma_semaphore, #tpu.memory_space<semaphore_mem>>)
        %scan3A_213 = arith.constant 0 : i32
        %scan3A_214 = arith.constant 16 : i32
        %scan3A_215 = arith.addi %scan3A_213, %scan3A_214 : i32
        %scan3A_216 = arith.constant 1 : i32
        scf.for %scan3A_346 = %scan3A_213 to %scan3A_215 step %scan3A_216  : i32 {
          %mul3A_347 = arith.constant 1 : i32
          %mul3A_348 = arith.muli %scan3A_346, %mul3A_347 : i32
          %add3A_349 = arith.constant 0 : i32
          %add3A_350 = arith.addi %add3A_349, %mul3A_348 : i32
          %mul3A_351 = arith.constant 2 : i32
          %mul3A_352 = arith.muli %add3A_350, %mul3A_351 : i32
          %mul3A_353 = arith.constant 2 : i32
          %mul3A_354 = arith.muli %add3A_350, %mul3A_353 : i32
          %add3A_355 = arith.constant 1 : i32
          %add3A_356 = arith.addi %mul3A_354, %add3A_355 : i32
          %broadcast_in_dim3A_357 = vector.broadcast %mul3A_352 : i32 to vector<16xi32>
          %gather3A_358 = tpu.vector_load_idx %arg16[%broadcast_in_dim3A_357] : memref<32xf32, #tpu.memory_space<vmem>>[vector<16xi32>], vector<16xf32>,
          %broadcast_in_dim3A_359 = vector.broadcast %add3A_356 : i32 to vector<16xi32>
          %gather3A_360 = tpu.vector_load_idx %arg16[%broadcast_in_dim3A_359] : memref<32xf32, #tpu.memory_space<vmem>>[vector<16xi32>], vector<16xf32>,
          %get3A_361 = arith.index_cast %mul3A_352 : i32 to index
          %get3A_362 = arith.constant 0 : index
          %get3A_363 = tpu.vector_load %arg15[%get3A_361, %get3A_362] {strides = array<i32>} : memref<32x128xf32, #tpu.memory_space<vmem>>, vector<16xf32>,
          %mul3A_364 = arith.mulf %get3A_363, %gather3A_358 : vector<16xf32>
          %swap3A_365 = arith.index_cast %mul3A_352 : i32 to index
          %swap3A_366 = arith.constant 0 : index
          %swap3A_367 = tpu.vector_load %arg15[%swap3A_365, %swap3A_366] {strides = array<i32>} : memref<32x128xf32, #tpu.memory_space<vmem>>, vector<16xf32>,
          tpu.vector_store %arg15[%swap3A_365, %swap3A_366], %mul3A_364 {strides = array<i32>} : memref<32x128xf32, #tpu.memory_space<vmem>>, vector<16xf32>,
          %get3A_368 = arith.index_cast %add3A_356 : i32 to index
          %get3A_369 = arith.constant 0 : index
          %get3A_370 = tpu.vector_load %arg15[%get3A_368, %get3A_369] {strides = array<i32>} : memref<32x128xf32, #tpu.memory_space<vmem>>, vector<16xf32>,
          %mul3A_371 = arith.mulf %get3A_370, %gather3A_360 : vector<16xf32>
          %swap3A_372 = arith.index_cast %add3A_356 : i32 to index
          %swap3A_373 = arith.constant 0 : index
          %swap3A_374 = tpu.vector_load %arg15[%swap3A_372, %swap3A_373] {strides = array<i32>} : memref<32x128xf32, #tpu.memory_space<vmem>>, vector<16xf32>,
          tpu.vector_store %arg15[%swap3A_372, %swap3A_373], %mul3A_371 {strides = array<i32>} : memref<32x128xf32, #tpu.memory_space<vmem>>, vector<16xf32>,
          %get3A_375 = arith.index_cast %mul3A_352 : i32 to index
          %get3A_376 = arith.constant 16 : index
          %get3A_377 = tpu.vector_load %arg15[%get3A_375, %get3A_376] {strides = array<i32>} : memref<32x128xf32, #tpu.memory_space<vmem>>, vector<16xf32>,
          %mul3A_378 = arith.mulf %get3A_377, %gather3A_358 : vector<16xf32>
          %swap3A_379 = arith.index_cast %mul3A_352 : i32 to index
          %swap3A_380 = arith.constant 16 : index
          %swap3A_381 = tpu.vector_load %arg15[%swap3A_379, %swap3A_380] {strides = array<i32>} : memref<32x128xf32, #tpu.memory_space<vmem>>, vector<16xf32>,
          tpu.vector_store %arg15[%swap3A_379, %swap3A_380], %mul3A_378 {strides = array<i32>} : memref<32x128xf32, #tpu.memory_space<vmem>>, vector<16xf32>,
          %get3A_382 = arith.index_cast %add3A_356 : i32 to index
          %get3A_383 = arith.constant 16 : index
          %get3A_384 = tpu.vector_load %arg15[%get3A_382, %get3A_383] {strides = array<i32>} : memref<32x128xf32, #tpu.memory_space<vmem>>, vector<16xf32>,
          %mul3A_385 = arith.mulf %get3A_384, %gather3A_360 : vector<16xf32>
          %swap3A_386 = arith.index_cast %add3A_356 : i32 to index
          %swap3A_387 = arith.constant 16 : index
          %swap3A_388 = tpu.vector_load %arg15[%swap3A_386, %swap3A_387] {strides = array<i32>} : memref<32x128xf32, #tpu.memory_space<vmem>>, vector<16xf32>,
          tpu.vector_store %arg15[%swap3A_386, %swap3A_387], %mul3A_385 {strides = array<i32>} : memref<32x128xf32, #tpu.memory_space<vmem>>, vector<16xf32>,
          %get3A_389 = arith.index_cast %mul3A_352 : i32 to index
          %get3A_390 = arith.constant 32 : index
          %get3A_391 = tpu.vector_load %arg15[%get3A_389, %get3A_390] {strides = array<i32>} : memref<32x128xf32, #tpu.memory_space<vmem>>, vector<16xf32>,
          %mul3A_392 = arith.mulf %get3A_391, %gather3A_358 : vector<16xf32>
          %swap3A_393 = arith.index_cast %mul3A_352 : i32 to index
          %swap3A_394 = arith.constant 32 : index
          %swap3A_395 = tpu.vector_load %arg15[%swap3A_393, %swap3A_394] {strides = array<i32>} : memref<32x128xf32, #tpu.memory_space<vmem>>, vector<16xf32>,
          tpu.vector_store %arg15[%swap3A_393, %swap3A_394], %mul3A_392 {strides = array<i32>} : memref<32x128xf32, #tpu.memory_space<vmem>>, vector<16xf32>,
          %get3A_396 = arith.index_cast %add3A_356 : i32 to index
          %get3A_397 = arith.constant 32 : index
          %get3A_398 = tpu.vector_load %arg15[%get3A_396, %get3A_397] {strides = array<i32>} : memref<32x128xf32, #tpu.memory_space<vmem>>, vector<16xf32>,
          %mul3A_399 = arith.mulf %get3A_398, %gather3A_360 : vector<16xf32>
          %swap3A_400 = arith.index_cast %add3A_356 : i32 to index
          %swap3A_401 = arith.constant 32 : index
          %swap3A_402 = tpu.vector_load %arg15[%swap3A_400, %swap3A_401] {strides = array<i32>} : memref<32x128xf32, #tpu.memory_space<vmem>>, vector<16xf32>,
          tpu.vector_store %arg15[%swap3A_400, %swap3A_401], %mul3A_399 {strides = array<i32>} : memref<32x128xf32, #tpu.memory_space<vmem>>, vector<16xf32>,
          %get3A_403 = arith.index_cast %mul3A_352 : i32 to index
          %get3A_404 = arith.constant 48 : index
          %get3A_405 = tpu.vector_load %arg15[%get3A_403, %get3A_404] {strides = array<i32>} : memref<32x128xf32, #tpu.memory_space<vmem>>, vector<16xf32>,
          %mul3A_406 = arith.mulf %get3A_405, %gather3A_358 : vector<16xf32>
          %swap3A_407 = arith.index_cast %mul3A_352 : i32 to index
          %swap3A_408 = arith.constant 48 : index
          %swap3A_409 = tpu.vector_load %arg15[%swap3A_407, %swap3A_408] {strides = array<i32>} : memref<32x128xf32, #tpu.memory_space<vmem>>, vector<16xf32>,
          tpu.vector_store %arg15[%swap3A_407, %swap3A_408], %mul3A_406 {strides = array<i32>} : memref<32x128xf32, #tpu.memory_space<vmem>>, vector<16xf32>,
          %get3A_410 = arith.index_cast %add3A_356 : i32 to index
          %get3A_411 = arith.constant 48 : index
          %get3A_412 = tpu.vector_load %arg15[%get3A_410, %get3A_411] {strides = array<i32>} : memref<32x128xf32, #tpu.memory_space<vmem>>, vector<16xf32>,
          %mul3A_413 = arith.mulf %get3A_412, %gather3A_360 : vector<16xf32>
          %swap3A_414 = arith.index_cast %add3A_356 : i32 to index
          %swap3A_415 = arith.constant 48 : index
          %swap3A_416 = tpu.vector_load %arg15[%swap3A_414, %swap3A_415] {strides = array<i32>} : memref<32x128xf32, #tpu.memory_space<vmem>>, vector<16xf32>,
          tpu.vector_store %arg15[%swap3A_414, %swap3A_415], %mul3A_413 {strides = array<i32>} : memref<32x128xf32, #tpu.memory_space<vmem>>, vector<16xf32>,
          %get3A_417 = arith.index_cast %mul3A_352 : i32 to index
          %get3A_418 = arith.constant 64 : index
          %get3A_419 = tpu.vector_load %arg15[%get3A_417, %get3A_418] {strides = array<i32>} : memref<32x128xf32, #tpu.memory_space<vmem>>, vector<16xf32>,
          %mul3A_420 = arith.mulf %get3A_419, %gather3A_358 : vector<16xf32>
          %swap3A_421 = arith.index_cast %mul3A_352 : i32 to index
          %swap3A_422 = arith.constant 64 : index
          %swap3A_423 = tpu.vector_load %arg15[%swap3A_421, %swap3A_422] {strides = array<i32>} : memref<32x128xf32, #tpu.memory_space<vmem>>, vector<16xf32>,
          tpu.vector_store %arg15[%swap3A_421, %swap3A_422], %mul3A_420 {strides = array<i32>} : memref<32x128xf32, #tpu.memory_space<vmem>>, vector<16xf32>,
          %get3A_424 = arith.index_cast %add3A_356 : i32 to index
          %get3A_425 = arith.constant 64 : index
          %get3A_426 = tpu.vector_load %arg15[%get3A_424, %get3A_425] {strides = array<i32>} : memref<32x128xf32, #tpu.memory_space<vmem>>, vector<16xf32>,
          %mul3A_427 = arith.mulf %get3A_426, %gather3A_360 : vector<16xf32>
          %swap3A_428 = arith.index_cast %add3A_356 : i32 to index
          %swap3A_429 = arith.constant 64 : index
          %swap3A_430 = tpu.vector_load %arg15[%swap3A_428, %swap3A_429] {strides = array<i32>} : memref<32x128xf32, #tpu.memory_space<vmem>>, vector<16xf32>,
          tpu.vector_store %arg15[%swap3A_428, %swap3A_429], %mul3A_427 {strides = array<i32>} : memref<32x128xf32, #tpu.memory_space<vmem>>, vector<16xf32>,
          %get3A_431 = arith.index_cast %mul3A_352 : i32 to index
          %get3A_432 = arith.constant 80 : index
          %get3A_433 = tpu.vector_load %arg15[%get3A_431, %get3A_432] {strides = array<i32>} : memref<32x128xf32, #tpu.memory_space<vmem>>, vector<16xf32>,
          %mul3A_434 = arith.mulf %get3A_433, %gather3A_358 : vector<16xf32>
          %swap3A_435 = arith.index_cast %mul3A_352 : i32 to index
          %swap3A_436 = arith.constant 80 : index
          %swap3A_437 = tpu.vector_load %arg15[%swap3A_435, %swap3A_436] {strides = array<i32>} : memref<32x128xf32, #tpu.memory_space<vmem>>, vector<16xf32>,
          tpu.vector_store %arg15[%swap3A_435, %swap3A_436], %mul3A_434 {strides = array<i32>} : memref<32x128xf32, #tpu.memory_space<vmem>>, vector<16xf32>,
          %get3A_438 = arith.index_cast %add3A_356 : i32 to index
          %get3A_439 = arith.constant 80 : index
          %get3A_440 = tpu.vector_load %arg15[%get3A_438, %get3A_439] {strides = array<i32>} : memref<32x128xf32, #tpu.memory_space<vmem>>, vector<16xf32>,
          %mul3A_441 = arith.mulf %get3A_440, %gather3A_360 : vector<16xf32>
          %swap3A_442 = arith.index_cast %add3A_356 : i32 to index
          %swap3A_443 = arith.constant 80 : index
          %swap3A_444 = tpu.vector_load %arg15[%swap3A_442, %swap3A_443] {strides = array<i32>} : memref<32x128xf32, #tpu.memory_space<vmem>>, vector<16xf32>,
          tpu.vector_store %arg15[%swap3A_442, %swap3A_443], %mul3A_441 {strides = array<i32>} : memref<32x128xf32, #tpu.memory_space<vmem>>, vector<16xf32>,
          %get3A_445 = arith.index_cast %mul3A_352 : i32 to index
          %get3A_446 = arith.constant 96 : index
          %get3A_447 = tpu.vector_load %arg15[%get3A_445, %get3A_446] {strides = array<i32>} : memref<32x128xf32, #tpu.memory_space<vmem>>, vector<16xf32>,
          %mul3A_448 = arith.mulf %get3A_447, %gather3A_358 : vector<16xf32>
          %swap3A_449 = arith.index_cast %mul3A_352 : i32 to index
          %swap3A_450 = arith.constant 96 : index
          %swap3A_451 = tpu.vector_load %arg15[%swap3A_449, %swap3A_450] {strides = array<i32>} : memref<32x128xf32, #tpu.memory_space<vmem>>, vector<16xf32>,
          tpu.vector_store %arg15[%swap3A_449, %swap3A_450], %mul3A_448 {strides = array<i32>} : memref<32x128xf32, #tpu.memory_space<vmem>>, vector<16xf32>,
          %get3A_452 = arith.index_cast %add3A_356 : i32 to index
          %get3A_453 = arith.constant 96 : index
          %get3A_454 = tpu.vector_load %arg15[%get3A_452, %get3A_453] {strides = array<i32>} : memref<32x128xf32, #tpu.memory_space<vmem>>, vector<16xf32>,
          %mul3A_455 = arith.mulf %get3A_454, %gather3A_360 : vector<16xf32>
          %swap3A_456 = arith.index_cast %add3A_356 : i32 to index
          %swap3A_457 = arith.constant 96 : index
          %swap3A_458 = tpu.vector_load %arg15[%swap3A_456, %swap3A_457] {strides = array<i32>} : memref<32x128xf32, #tpu.memory_space<vmem>>, vector<16xf32>,
          tpu.vector_store %arg15[%swap3A_456, %swap3A_457], %mul3A_455 {strides = array<i32>} : memref<32x128xf32, #tpu.memory_space<vmem>>, vector<16xf32>,
          %get3A_459 = arith.index_cast %mul3A_352 : i32 to index
          %get3A_460 = arith.constant 112 : index
          %get3A_461 = tpu.vector_load %arg15[%get3A_459, %get3A_460] {strides = array<i32>} : memref<32x128xf32, #tpu.memory_space<vmem>>, vector<16xf32>,
          %mul3A_462 = arith.mulf %get3A_461, %gather3A_358 : vector<16xf32>
          %swap3A_463 = arith.index_cast %mul3A_352 : i32 to index
          %swap3A_464 = arith.constant 112 : index
          %swap3A_465 = tpu.vector_load %arg15[%swap3A_463, %swap3A_464] {strides = array<i32>} : memref<32x128xf32, #tpu.memory_space<vmem>>, vector<16xf32>,
          tpu.vector_store %arg15[%swap3A_463, %swap3A_464], %mul3A_462 {strides = array<i32>} : memref<32x128xf32, #tpu.memory_space<vmem>>, vector<16xf32>,
          %get3A_466 = arith.index_cast %add3A_356 : i32 to index
          %get3A_467 = arith.constant 112 : index
          %get3A_468 = tpu.vector_load %arg15[%get3A_466, %get3A_467] {strides = array<i32>} : memref<32x128xf32, #tpu.memory_space<vmem>>, vector<16xf32>,
          %mul3A_469 = arith.mulf %get3A_468, %gather3A_360 : vector<16xf32>
          %swap3A_470 = arith.index_cast %add3A_356 : i32 to index
          %swap3A_471 = arith.constant 112 : index
          %swap3A_472 = tpu.vector_load %arg15[%swap3A_470, %swap3A_471] {strides = array<i32>} : memref<32x128xf32, #tpu.memory_space<vmem>>, vector<16xf32>,
          tpu.vector_store %arg15[%swap3A_470, %swap3A_471], %mul3A_469 {strides = array<i32>} : memref<32x128xf32, #tpu.memory_space<vmem>>, vector<16xf32>,
        }
        %scan3A_217 = arith.constant 16 : i32
        "tpu.region"() ({
          %run_scoped3A = tpu.sem_alloc : memref<!tpu.dma_semaphore, #tpu.memory_space<semaphore_mem>>
          %dma_start3A_346 = arith.constant 0 : i32
          %dma_start3A_347 = arith.constant 0 : i32
          %dma_start3A_348 = tpu.memref_slice %arg25[%dma_start3A_346, %dma_start3A_347] : memref<10016x128xf32, #tpu.memory_space<vmem_shared>> -> memref<10016x128xf32, #tpu.memory_space<vmem_shared>>
          tpu.enqueue_indirect_dma source(%arg15 : memref<32x128xf32, #tpu.memory_space<vmem>>) target(%dma_start3A_348 : memref<10016x128xf32, #tpu.memory_space<vmem_shared>>) offsets(%arg19 : memref<32xi32, #tpu.memory_space<vmem>>) semaphore(%run_scoped3A : memref<!tpu.dma_semaphore, #tpu.memory_space<semaphore_mem>>) {add = true}
          %dma_wait3A_349 = arith.constant 0 : i32
          %dma_wait3A_350 = arith.constant 0 : i32
          %dma_wait3A_351 = tpu.memref_slice %arg25[%dma_wait3A_349, %dma_wait3A_350] : memref<10016x128xf32, #tpu.memory_space<vmem_shared>> -> memref<10016x128xf32, #tpu.memory_space<vmem_shared>>
          tpu.wait_indirect_dma semaphore(%run_scoped3A : memref<!tpu.dma_semaphore, #tpu.memory_space<semaphore_mem>>) src(%arg15 : memref<32x128xf32, #tpu.memory_space<vmem>>) dst(%dma_wait3A_351 : memref<10016x128xf32, #tpu.memory_space<vmem_shared>>)
          tpu.yield
        }) : () -> ()
        %get3A_218 = arith.index_cast %add3A_87 : i32 to index
        %get3A_219 = arith.constant 64 : index
        %get3A_220 = tpu.vector_load %arg8[%get3A_218, %get3A_219] {strides = array<i32>} : memref<27x128xi32, #tpu.memory_space<vmem>>, vector<16xi32>,
        %get3A_221 = arith.index_cast %add3A_87 : i32 to index
        %get3A_222 = arith.constant 64 : index
        %get3A_223 = tpu.vector_load %arg9[%get3A_221, %get3A_222] {strides = array<i32>} : memref<27x128xi32, #tpu.memory_space<vmem>>, vector<16xi32>,
        %gather3A_224 = tpu.vector_load_idx %arg11[%get3A_220] : memref<10016xf32, #tpu.memory_space<vmem>>[vector<16xi32>], vector<16xf32>,
        %gather3A_225 = tpu.vector_load_idx %arg12[%get3A_223] : memref<10016xf32, #tpu.memory_space<vmem>>[vector<16xi32>], vector<16xf32>,
        %add3A_226 = arith.addf %gather3A_224, %gather3A_225 : vector<16xf32>
        %mul3A_227 = arith.constant 2.000000e-01 : f32
        %mul3A_228 = vector.broadcast %mul3A_227 : f32 to vector<16xf32>
        %mul3A_229 = arith.mulf %mul3A_228, %add3A_226 : vector<16xf32>
        %max3A_230 = arith.maximumf %add3A_226, %mul3A_229 : vector<16xf32>
        %exp3A_231 = math.exp %max3A_230 : vector<16xf32>
        %gather3A_232 = tpu.vector_load_idx %arg13[%get3A_223] : memref<10016xf32, #tpu.memory_space<vmem>>[vector<16xi32>], vector<16xf32>,
        %add3A_233 = arith.constant 1.000000e-16 : f32
        %add3A_234 = vector.broadcast %add3A_233 : f32 to vector<16xf32>
        %add3A_235 = arith.addf %gather3A_232, %add3A_234 : vector<16xf32>
        %div3A_236 = arith.divf %exp3A_231, %add3A_235 : vector<16xf32>
        %swap3A_237 = arith.constant 0 : index
        %swap3A_238 = tpu.vector_load %arg16[%swap3A_237] {strides = array<i32>} : memref<32xf32, #tpu.memory_space<vmem>>, vector<16xf32>,
        tpu.vector_store %arg16[%swap3A_237], %div3A_236 {strides = array<i32>} : memref<32xf32, #tpu.memory_space<vmem>>, vector<16xf32>,
        %swap3A_239 = arith.constant 0 : index
        %swap3A_240 = tpu.vector_load %arg19[%swap3A_239] {strides = array<i32>} : memref<32xi32, #tpu.memory_space<vmem>>, vector<16xi32>,
        tpu.vector_store %arg19[%swap3A_239], %get3A_223 {strides = array<i32>} : memref<32xi32, #tpu.memory_space<vmem>>, vector<16xi32>,
        %get3A_241 = arith.index_cast %add3A_87 : i32 to index
        %get3A_242 = arith.constant 80 : index
        %get3A_243 = tpu.vector_load %arg8[%get3A_241, %get3A_242] {strides = array<i32>} : memref<27x128xi32, #tpu.memory_space<vmem>>, vector<16xi32>,
        %get3A_244 = arith.index_cast %add3A_87 : i32 to index
        %get3A_245 = arith.constant 80 : index
        %get3A_246 = tpu.vector_load %arg9[%get3A_244, %get3A_245] {strides = array<i32>} : memref<27x128xi32, #tpu.memory_space<vmem>>, vector<16xi32>,
        %gather3A_247 = tpu.vector_load_idx %arg11[%get3A_243] : memref<10016xf32, #tpu.memory_space<vmem>>[vector<16xi32>], vector<16xf32>,
        %gather3A_248 = tpu.vector_load_idx %arg12[%get3A_246] : memref<10016xf32, #tpu.memory_space<vmem>>[vector<16xi32>], vector<16xf32>,
        %add3A_249 = arith.addf %gather3A_247, %gather3A_248 : vector<16xf32>
        %mul3A_250 = arith.constant 2.000000e-01 : f32
        %mul3A_251 = vector.broadcast %mul3A_250 : f32 to vector<16xf32>
        %mul3A_252 = arith.mulf %mul3A_251, %add3A_249 : vector<16xf32>
        %max3A_253 = arith.maximumf %add3A_249, %mul3A_252 : vector<16xf32>
        %exp3A_254 = math.exp %max3A_253 : vector<16xf32>
        %gather3A_255 = tpu.vector_load_idx %arg13[%get3A_246] : memref<10016xf32, #tpu.memory_space<vmem>>[vector<16xi32>], vector<16xf32>,
        %add3A_256 = arith.constant 1.000000e-16 : f32
        %add3A_257 = vector.broadcast %add3A_256 : f32 to vector<16xf32>
        %add3A_258 = arith.addf %gather3A_255, %add3A_257 : vector<16xf32>
        %div3A_259 = arith.divf %exp3A_254, %add3A_258 : vector<16xf32>
        %swap3A_260 = arith.constant 16 : index
        %swap3A_261 = tpu.vector_load %arg16[%swap3A_260] {strides = array<i32>} : memref<32xf32, #tpu.memory_space<vmem>>, vector<16xf32>,
        tpu.vector_store %arg16[%swap3A_260], %div3A_259 {strides = array<i32>} : memref<32xf32, #tpu.memory_space<vmem>>, vector<16xf32>,
        %swap3A_262 = arith.constant 16 : index
        %swap3A_263 = tpu.vector_load %arg19[%swap3A_262] {strides = array<i32>} : memref<32xi32, #tpu.memory_space<vmem>>, vector<16xi32>,
        tpu.vector_store %arg19[%swap3A_262], %get3A_246 {strides = array<i32>} : memref<32xi32, #tpu.memory_space<vmem>>, vector<16xi32>,
        %dma_wait3A_264 = arith.constant 0 : i32
        %dma_wait3A_265 = arith.constant 0 : i32
        %dma_wait3A_266 = tpu.memref_slice %arg6[%dma_wait3A_264, %dma_wait3A_265] : memref<10016x128xf32, #tpu.memory_space<hbm>> -> memref<10016x128xf32, #tpu.memory_space<hbm>>
        tpu.wait_indirect_dma semaphore(%arg21 : memref<!tpu.dma_semaphore, #tpu.memory_space<semaphore_mem>>) src(%dma_wait3A_266 : memref<10016x128xf32, #tpu.memory_space<hbm>>) dst(%arg14 : memref<32x128xf32, #tpu.memory_space<vmem>>)
        %get3A_267 = arith.index_cast %add3A_87 : i32 to index
        %get3A_268 = arith.constant 96 : index
        %get3A_269 = tpu.vector_load %arg8[%get3A_267, %get3A_268] {strides = array<i32>} : memref<27x128xi32, #tpu.memory_space<vmem>>, vector<16xi32>,
        %swap3A_270 = arith.constant 0 : index
        %swap3A_271 = tpu.vector_load %arg18[%swap3A_270] {strides = array<i32>} : memref<32xi32, #tpu.memory_space<vmem>>, vector<16xi32>,
        tpu.vector_store %arg18[%swap3A_270], %get3A_269 {strides = array<i32>} : memref<32xi32, #tpu.memory_space<vmem>>, vector<16xi32>,
        %get3A_272 = arith.index_cast %add3A_87 : i32 to index
        %get3A_273 = arith.constant 112 : index
        %get3A_274 = tpu.vector_load %arg8[%get3A_272, %get3A_273] {strides = array<i32>} : memref<27x128xi32, #tpu.memory_space<vmem>>, vector<16xi32>,
        %swap3A_275 = arith.constant 16 : index
        %swap3A_276 = tpu.vector_load %arg18[%swap3A_275] {strides = array<i32>} : memref<32xi32, #tpu.memory_space<vmem>>, vector<16xi32>,
        tpu.vector_store %arg18[%swap3A_275], %get3A_274 {strides = array<i32>} : memref<32xi32, #tpu.memory_space<vmem>>, vector<16xi32>,
        %dma_start3A_277 = arith.constant 0 : i32
        %dma_start3A_278 = arith.constant 0 : i32
        %dma_start3A_279 = tpu.memref_slice %arg6[%dma_start3A_277, %dma_start3A_278] : memref<10016x128xf32, #tpu.memory_space<hbm>> -> memref<10016x128xf32, #tpu.memory_space<hbm>>
        tpu.enqueue_indirect_dma source(%dma_start3A_279 : memref<10016x128xf32, #tpu.memory_space<hbm>>) target(%arg15 : memref<32x128xf32, #tpu.memory_space<vmem>>) offsets(%arg18 : memref<32xi32, #tpu.memory_space<vmem>>) semaphore(%arg22 : memref<!tpu.dma_semaphore, #tpu.memory_space<semaphore_mem>>)
        %scan3A_280 = arith.constant 0 : i32
        %scan3A_281 = arith.constant 16 : i32
        %scan3A_282 = arith.addi %scan3A_280, %scan3A_281 : i32
        %scan3A_283 = arith.constant 1 : i32
        scf.for %scan3A_346 = %scan3A_280 to %scan3A_282 step %scan3A_283  : i32 {
          %mul3A_347 = arith.constant 1 : i32
          %mul3A_348 = arith.muli %scan3A_346, %mul3A_347 : i32
          %add3A_349 = arith.constant 0 : i32
          %add3A_350 = arith.addi %add3A_349, %mul3A_348 : i32
          %mul3A_351 = arith.constant 2 : i32
          %mul3A_352 = arith.muli %add3A_350, %mul3A_351 : i32
          %mul3A_353 = arith.constant 2 : i32
          %mul3A_354 = arith.muli %add3A_350, %mul3A_353 : i32
          %add3A_355 = arith.constant 1 : i32
          %add3A_356 = arith.addi %mul3A_354, %add3A_355 : i32
          %broadcast_in_dim3A_357 = vector.broadcast %mul3A_352 : i32 to vector<16xi32>
          %gather3A_358 = tpu.vector_load_idx %arg16[%broadcast_in_dim3A_357] : memref<32xf32, #tpu.memory_space<vmem>>[vector<16xi32>], vector<16xf32>,
          %broadcast_in_dim3A_359 = vector.broadcast %add3A_356 : i32 to vector<16xi32>
          %gather3A_360 = tpu.vector_load_idx %arg16[%broadcast_in_dim3A_359] : memref<32xf32, #tpu.memory_space<vmem>>[vector<16xi32>], vector<16xf32>,
          %get3A_361 = arith.index_cast %mul3A_352 : i32 to index
          %get3A_362 = arith.constant 0 : index
          %get3A_363 = tpu.vector_load %arg14[%get3A_361, %get3A_362] {strides = array<i32>} : memref<32x128xf32, #tpu.memory_space<vmem>>, vector<16xf32>,
          %mul3A_364 = arith.mulf %get3A_363, %gather3A_358 : vector<16xf32>
          %swap3A_365 = arith.index_cast %mul3A_352 : i32 to index
          %swap3A_366 = arith.constant 0 : index
          %swap3A_367 = tpu.vector_load %arg14[%swap3A_365, %swap3A_366] {strides = array<i32>} : memref<32x128xf32, #tpu.memory_space<vmem>>, vector<16xf32>,
          tpu.vector_store %arg14[%swap3A_365, %swap3A_366], %mul3A_364 {strides = array<i32>} : memref<32x128xf32, #tpu.memory_space<vmem>>, vector<16xf32>,
          %get3A_368 = arith.index_cast %add3A_356 : i32 to index
          %get3A_369 = arith.constant 0 : index
          %get3A_370 = tpu.vector_load %arg14[%get3A_368, %get3A_369] {strides = array<i32>} : memref<32x128xf32, #tpu.memory_space<vmem>>, vector<16xf32>,
          %mul3A_371 = arith.mulf %get3A_370, %gather3A_360 : vector<16xf32>
          %swap3A_372 = arith.index_cast %add3A_356 : i32 to index
          %swap3A_373 = arith.constant 0 : index
          %swap3A_374 = tpu.vector_load %arg14[%swap3A_372, %swap3A_373] {strides = array<i32>} : memref<32x128xf32, #tpu.memory_space<vmem>>, vector<16xf32>,
          tpu.vector_store %arg14[%swap3A_372, %swap3A_373], %mul3A_371 {strides = array<i32>} : memref<32x128xf32, #tpu.memory_space<vmem>>, vector<16xf32>,
          %get3A_375 = arith.index_cast %mul3A_352 : i32 to index
          %get3A_376 = arith.constant 16 : index
          %get3A_377 = tpu.vector_load %arg14[%get3A_375, %get3A_376] {strides = array<i32>} : memref<32x128xf32, #tpu.memory_space<vmem>>, vector<16xf32>,
          %mul3A_378 = arith.mulf %get3A_377, %gather3A_358 : vector<16xf32>
          %swap3A_379 = arith.index_cast %mul3A_352 : i32 to index
          %swap3A_380 = arith.constant 16 : index
          %swap3A_381 = tpu.vector_load %arg14[%swap3A_379, %swap3A_380] {strides = array<i32>} : memref<32x128xf32, #tpu.memory_space<vmem>>, vector<16xf32>,
          tpu.vector_store %arg14[%swap3A_379, %swap3A_380], %mul3A_378 {strides = array<i32>} : memref<32x128xf32, #tpu.memory_space<vmem>>, vector<16xf32>,
          %get3A_382 = arith.index_cast %add3A_356 : i32 to index
          %get3A_383 = arith.constant 16 : index
          %get3A_384 = tpu.vector_load %arg14[%get3A_382, %get3A_383] {strides = array<i32>} : memref<32x128xf32, #tpu.memory_space<vmem>>, vector<16xf32>,
          %mul3A_385 = arith.mulf %get3A_384, %gather3A_360 : vector<16xf32>
          %swap3A_386 = arith.index_cast %add3A_356 : i32 to index
          %swap3A_387 = arith.constant 16 : index
          %swap3A_388 = tpu.vector_load %arg14[%swap3A_386, %swap3A_387] {strides = array<i32>} : memref<32x128xf32, #tpu.memory_space<vmem>>, vector<16xf32>,
          tpu.vector_store %arg14[%swap3A_386, %swap3A_387], %mul3A_385 {strides = array<i32>} : memref<32x128xf32, #tpu.memory_space<vmem>>, vector<16xf32>,
          %get3A_389 = arith.index_cast %mul3A_352 : i32 to index
          %get3A_390 = arith.constant 32 : index
          %get3A_391 = tpu.vector_load %arg14[%get3A_389, %get3A_390] {strides = array<i32>} : memref<32x128xf32, #tpu.memory_space<vmem>>, vector<16xf32>,
          %mul3A_392 = arith.mulf %get3A_391, %gather3A_358 : vector<16xf32>
          %swap3A_393 = arith.index_cast %mul3A_352 : i32 to index
          %swap3A_394 = arith.constant 32 : index
          %swap3A_395 = tpu.vector_load %arg14[%swap3A_393, %swap3A_394] {strides = array<i32>} : memref<32x128xf32, #tpu.memory_space<vmem>>, vector<16xf32>,
          tpu.vector_store %arg14[%swap3A_393, %swap3A_394], %mul3A_392 {strides = array<i32>} : memref<32x128xf32, #tpu.memory_space<vmem>>, vector<16xf32>,
          %get3A_396 = arith.index_cast %add3A_356 : i32 to index
          %get3A_397 = arith.constant 32 : index
          %get3A_398 = tpu.vector_load %arg14[%get3A_396, %get3A_397] {strides = array<i32>} : memref<32x128xf32, #tpu.memory_space<vmem>>, vector<16xf32>,
          %mul3A_399 = arith.mulf %get3A_398, %gather3A_360 : vector<16xf32>
          %swap3A_400 = arith.index_cast %add3A_356 : i32 to index
          %swap3A_401 = arith.constant 32 : index
          %swap3A_402 = tpu.vector_load %arg14[%swap3A_400, %swap3A_401] {strides = array<i32>} : memref<32x128xf32, #tpu.memory_space<vmem>>, vector<16xf32>,
          tpu.vector_store %arg14[%swap3A_400, %swap3A_401], %mul3A_399 {strides = array<i32>} : memref<32x128xf32, #tpu.memory_space<vmem>>, vector<16xf32>,
          %get3A_403 = arith.index_cast %mul3A_352 : i32 to index
          %get3A_404 = arith.constant 48 : index
          %get3A_405 = tpu.vector_load %arg14[%get3A_403, %get3A_404] {strides = array<i32>} : memref<32x128xf32, #tpu.memory_space<vmem>>, vector<16xf32>,
          %mul3A_406 = arith.mulf %get3A_405, %gather3A_358 : vector<16xf32>
          %swap3A_407 = arith.index_cast %mul3A_352 : i32 to index
          %swap3A_408 = arith.constant 48 : index
          %swap3A_409 = tpu.vector_load %arg14[%swap3A_407, %swap3A_408] {strides = array<i32>} : memref<32x128xf32, #tpu.memory_space<vmem>>, vector<16xf32>,
          tpu.vector_store %arg14[%swap3A_407, %swap3A_408], %mul3A_406 {strides = array<i32>} : memref<32x128xf32, #tpu.memory_space<vmem>>, vector<16xf32>,
          %get3A_410 = arith.index_cast %add3A_356 : i32 to index
          %get3A_411 = arith.constant 48 : index
          %get3A_412 = tpu.vector_load %arg14[%get3A_410, %get3A_411] {strides = array<i32>} : memref<32x128xf32, #tpu.memory_space<vmem>>, vector<16xf32>,
          %mul3A_413 = arith.mulf %get3A_412, %gather3A_360 : vector<16xf32>
          %swap3A_414 = arith.index_cast %add3A_356 : i32 to index
          %swap3A_415 = arith.constant 48 : index
          %swap3A_416 = tpu.vector_load %arg14[%swap3A_414, %swap3A_415] {strides = array<i32>} : memref<32x128xf32, #tpu.memory_space<vmem>>, vector<16xf32>,
          tpu.vector_store %arg14[%swap3A_414, %swap3A_415], %mul3A_413 {strides = array<i32>} : memref<32x128xf32, #tpu.memory_space<vmem>>, vector<16xf32>,
          %get3A_417 = arith.index_cast %mul3A_352 : i32 to index
          %get3A_418 = arith.constant 64 : index
          %get3A_419 = tpu.vector_load %arg14[%get3A_417, %get3A_418] {strides = array<i32>} : memref<32x128xf32, #tpu.memory_space<vmem>>, vector<16xf32>,
          %mul3A_420 = arith.mulf %get3A_419, %gather3A_358 : vector<16xf32>
          %swap3A_421 = arith.index_cast %mul3A_352 : i32 to index
          %swap3A_422 = arith.constant 64 : index
          %swap3A_423 = tpu.vector_load %arg14[%swap3A_421, %swap3A_422] {strides = array<i32>} : memref<32x128xf32, #tpu.memory_space<vmem>>, vector<16xf32>,
          tpu.vector_store %arg14[%swap3A_421, %swap3A_422], %mul3A_420 {strides = array<i32>} : memref<32x128xf32, #tpu.memory_space<vmem>>, vector<16xf32>,
          %get3A_424 = arith.index_cast %add3A_356 : i32 to index
          %get3A_425 = arith.constant 64 : index
          %get3A_426 = tpu.vector_load %arg14[%get3A_424, %get3A_425] {strides = array<i32>} : memref<32x128xf32, #tpu.memory_space<vmem>>, vector<16xf32>,
          %mul3A_427 = arith.mulf %get3A_426, %gather3A_360 : vector<16xf32>
          %swap3A_428 = arith.index_cast %add3A_356 : i32 to index
          %swap3A_429 = arith.constant 64 : index
          %swap3A_430 = tpu.vector_load %arg14[%swap3A_428, %swap3A_429] {strides = array<i32>} : memref<32x128xf32, #tpu.memory_space<vmem>>, vector<16xf32>,
          tpu.vector_store %arg14[%swap3A_428, %swap3A_429], %mul3A_427 {strides = array<i32>} : memref<32x128xf32, #tpu.memory_space<vmem>>, vector<16xf32>,
          %get3A_431 = arith.index_cast %mul3A_352 : i32 to index
          %get3A_432 = arith.constant 80 : index
          %get3A_433 = tpu.vector_load %arg14[%get3A_431, %get3A_432] {strides = array<i32>} : memref<32x128xf32, #tpu.memory_space<vmem>>, vector<16xf32>,
          %mul3A_434 = arith.mulf %get3A_433, %gather3A_358 : vector<16xf32>
          %swap3A_435 = arith.index_cast %mul3A_352 : i32 to index
          %swap3A_436 = arith.constant 80 : index
          %swap3A_437 = tpu.vector_load %arg14[%swap3A_435, %swap3A_436] {strides = array<i32>} : memref<32x128xf32, #tpu.memory_space<vmem>>, vector<16xf32>,
          tpu.vector_store %arg14[%swap3A_435, %swap3A_436], %mul3A_434 {strides = array<i32>} : memref<32x128xf32, #tpu.memory_space<vmem>>, vector<16xf32>,
          %get3A_438 = arith.index_cast %add3A_356 : i32 to index
          %get3A_439 = arith.constant 80 : index
          %get3A_440 = tpu.vector_load %arg14[%get3A_438, %get3A_439] {strides = array<i32>} : memref<32x128xf32, #tpu.memory_space<vmem>>, vector<16xf32>,
          %mul3A_441 = arith.mulf %get3A_440, %gather3A_360 : vector<16xf32>
          %swap3A_442 = arith.index_cast %add3A_356 : i32 to index
          %swap3A_443 = arith.constant 80 : index
          %swap3A_444 = tpu.vector_load %arg14[%swap3A_442, %swap3A_443] {strides = array<i32>} : memref<32x128xf32, #tpu.memory_space<vmem>>, vector<16xf32>,
          tpu.vector_store %arg14[%swap3A_442, %swap3A_443], %mul3A_441 {strides = array<i32>} : memref<32x128xf32, #tpu.memory_space<vmem>>, vector<16xf32>,
          %get3A_445 = arith.index_cast %mul3A_352 : i32 to index
          %get3A_446 = arith.constant 96 : index
          %get3A_447 = tpu.vector_load %arg14[%get3A_445, %get3A_446] {strides = array<i32>} : memref<32x128xf32, #tpu.memory_space<vmem>>, vector<16xf32>,
          %mul3A_448 = arith.mulf %get3A_447, %gather3A_358 : vector<16xf32>
          %swap3A_449 = arith.index_cast %mul3A_352 : i32 to index
          %swap3A_450 = arith.constant 96 : index
          %swap3A_451 = tpu.vector_load %arg14[%swap3A_449, %swap3A_450] {strides = array<i32>} : memref<32x128xf32, #tpu.memory_space<vmem>>, vector<16xf32>,
          tpu.vector_store %arg14[%swap3A_449, %swap3A_450], %mul3A_448 {strides = array<i32>} : memref<32x128xf32, #tpu.memory_space<vmem>>, vector<16xf32>,
          %get3A_452 = arith.index_cast %add3A_356 : i32 to index
          %get3A_453 = arith.constant 96 : index
          %get3A_454 = tpu.vector_load %arg14[%get3A_452, %get3A_453] {strides = array<i32>} : memref<32x128xf32, #tpu.memory_space<vmem>>, vector<16xf32>,
          %mul3A_455 = arith.mulf %get3A_454, %gather3A_360 : vector<16xf32>
          %swap3A_456 = arith.index_cast %add3A_356 : i32 to index
          %swap3A_457 = arith.constant 96 : index
          %swap3A_458 = tpu.vector_load %arg14[%swap3A_456, %swap3A_457] {strides = array<i32>} : memref<32x128xf32, #tpu.memory_space<vmem>>, vector<16xf32>,
          tpu.vector_store %arg14[%swap3A_456, %swap3A_457], %mul3A_455 {strides = array<i32>} : memref<32x128xf32, #tpu.memory_space<vmem>>, vector<16xf32>,
          %get3A_459 = arith.index_cast %mul3A_352 : i32 to index
          %get3A_460 = arith.constant 112 : index
          %get3A_461 = tpu.vector_load %arg14[%get3A_459, %get3A_460] {strides = array<i32>} : memref<32x128xf32, #tpu.memory_space<vmem>>, vector<16xf32>,
          %mul3A_462 = arith.mulf %get3A_461, %gather3A_358 : vector<16xf32>
          %swap3A_463 = arith.index_cast %mul3A_352 : i32 to index
          %swap3A_464 = arith.constant 112 : index
          %swap3A_465 = tpu.vector_load %arg14[%swap3A_463, %swap3A_464] {strides = array<i32>} : memref<32x128xf32, #tpu.memory_space<vmem>>, vector<16xf32>,
          tpu.vector_store %arg14[%swap3A_463, %swap3A_464], %mul3A_462 {strides = array<i32>} : memref<32x128xf32, #tpu.memory_space<vmem>>, vector<16xf32>,
          %get3A_466 = arith.index_cast %add3A_356 : i32 to index
          %get3A_467 = arith.constant 112 : index
          %get3A_468 = tpu.vector_load %arg14[%get3A_466, %get3A_467] {strides = array<i32>} : memref<32x128xf32, #tpu.memory_space<vmem>>, vector<16xf32>,
          %mul3A_469 = arith.mulf %get3A_468, %gather3A_360 : vector<16xf32>
          %swap3A_470 = arith.index_cast %add3A_356 : i32 to index
          %swap3A_471 = arith.constant 112 : index
          %swap3A_472 = tpu.vector_load %arg14[%swap3A_470, %swap3A_471] {strides = array<i32>} : memref<32x128xf32, #tpu.memory_space<vmem>>, vector<16xf32>,
          tpu.vector_store %arg14[%swap3A_470, %swap3A_471], %mul3A_469 {strides = array<i32>} : memref<32x128xf32, #tpu.memory_space<vmem>>, vector<16xf32>,
        }
        %scan3A_284 = arith.constant 16 : i32
        "tpu.region"() ({
          %run_scoped3A = tpu.sem_alloc : memref<!tpu.dma_semaphore, #tpu.memory_space<semaphore_mem>>
          %dma_start3A_346 = arith.constant 0 : i32
          %dma_start3A_347 = arith.constant 0 : i32
          %dma_start3A_348 = tpu.memref_slice %arg25[%dma_start3A_346, %dma_start3A_347] : memref<10016x128xf32, #tpu.memory_space<vmem_shared>> -> memref<10016x128xf32, #tpu.memory_space<vmem_shared>>
          tpu.enqueue_indirect_dma source(%arg14 : memref<32x128xf32, #tpu.memory_space<vmem>>) target(%dma_start3A_348 : memref<10016x128xf32, #tpu.memory_space<vmem_shared>>) offsets(%arg19 : memref<32xi32, #tpu.memory_space<vmem>>) semaphore(%run_scoped3A : memref<!tpu.dma_semaphore, #tpu.memory_space<semaphore_mem>>) {add = true}
          %dma_wait3A_349 = arith.constant 0 : i32
          %dma_wait3A_350 = arith.constant 0 : i32
          %dma_wait3A_351 = tpu.memref_slice %arg25[%dma_wait3A_349, %dma_wait3A_350] : memref<10016x128xf32, #tpu.memory_space<vmem_shared>> -> memref<10016x128xf32, #tpu.memory_space<vmem_shared>>
          tpu.wait_indirect_dma semaphore(%run_scoped3A : memref<!tpu.dma_semaphore, #tpu.memory_space<semaphore_mem>>) src(%arg14 : memref<32x128xf32, #tpu.memory_space<vmem>>) dst(%dma_wait3A_351 : memref<10016x128xf32, #tpu.memory_space<vmem_shared>>)
          tpu.yield
        }) : () -> ()
        %get3A_285 = arith.index_cast %add3A_87 : i32 to index
        %get3A_286 = arith.constant 96 : index
        %get3A_287 = tpu.vector_load %arg8[%get3A_285, %get3A_286] {strides = array<i32>} : memref<27x128xi32, #tpu.memory_space<vmem>>, vector<16xi32>,
        %get3A_288 = arith.index_cast %add3A_87 : i32 to index
        %get3A_289 = arith.constant 96 : index
        %get3A_290 = tpu.vector_load %arg9[%get3A_288, %get3A_289] {strides = array<i32>} : memref<27x128xi32, #tpu.memory_space<vmem>>, vector<16xi32>,
        %gather3A_291 = tpu.vector_load_idx %arg11[%get3A_287] : memref<10016xf32, #tpu.memory_space<vmem>>[vector<16xi32>], vector<16xf32>,
        %gather3A_292 = tpu.vector_load_idx %arg12[%get3A_290] : memref<10016xf32, #tpu.memory_space<vmem>>[vector<16xi32>], vector<16xf32>,
        %add3A_293 = arith.addf %gather3A_291, %gather3A_292 : vector<16xf32>
        %mul3A_294 = arith.constant 2.000000e-01 : f32
        %mul3A_295 = vector.broadcast %mul3A_294 : f32 to vector<16xf32>
        %mul3A_296 = arith.mulf %mul3A_295, %add3A_293 : vector<16xf32>
        %max3A_297 = arith.maximumf %add3A_293, %mul3A_296 : vector<16xf32>
        %exp3A_298 = math.exp %max3A_297 : vector<16xf32>
        %gather3A_299 = tpu.vector_load_idx %arg13[%get3A_290] : memref<10016xf32, #tpu.memory_space<vmem>>[vector<16xi32>], vector<16xf32>,
        %add3A_300 = arith.constant 1.000000e-16 : f32
        %add3A_301 = vector.broadcast %add3A_300 : f32 to vector<16xf32>
        %add3A_302 = arith.addf %gather3A_299, %add3A_301 : vector<16xf32>
        %div3A_303 = arith.divf %exp3A_298, %add3A_302 : vector<16xf32>
        %swap3A_304 = arith.constant 0 : index
        %swap3A_305 = tpu.vector_load %arg16[%swap3A_304] {strides = array<i32>} : memref<32xf32, #tpu.memory_space<vmem>>, vector<16xf32>,
        tpu.vector_store %arg16[%swap3A_304], %div3A_303 {strides = array<i32>} : memref<32xf32, #tpu.memory_space<vmem>>, vector<16xf32>,
        %swap3A_306 = arith.constant 0 : index
        %swap3A_307 = tpu.vector_load %arg19[%swap3A_306] {strides = array<i32>} : memref<32xi32, #tpu.memory_space<vmem>>, vector<16xi32>,
        tpu.vector_store %arg19[%swap3A_306], %get3A_290 {strides = array<i32>} : memref<32xi32, #tpu.memory_space<vmem>>, vector<16xi32>,
        %get3A_308 = arith.index_cast %add3A_87 : i32 to index
        %get3A_309 = arith.constant 112 : index
        %get3A_310 = tpu.vector_load %arg8[%get3A_308, %get3A_309] {strides = array<i32>} : memref<27x128xi32, #tpu.memory_space<vmem>>, vector<16xi32>,
        %get3A_311 = arith.index_cast %add3A_87 : i32 to index
        %get3A_312 = arith.constant 112 : index
        %get3A_313 = tpu.vector_load %arg9[%get3A_311, %get3A_312] {strides = array<i32>} : memref<27x128xi32, #tpu.memory_space<vmem>>, vector<16xi32>,
        %gather3A_314 = tpu.vector_load_idx %arg11[%get3A_310] : memref<10016xf32, #tpu.memory_space<vmem>>[vector<16xi32>], vector<16xf32>,
        %gather3A_315 = tpu.vector_load_idx %arg12[%get3A_313] : memref<10016xf32, #tpu.memory_space<vmem>>[vector<16xi32>], vector<16xf32>,
        %add3A_316 = arith.addf %gather3A_314, %gather3A_315 : vector<16xf32>
        %mul3A_317 = arith.constant 2.000000e-01 : f32
        %mul3A_318 = vector.broadcast %mul3A_317 : f32 to vector<16xf32>
        %mul3A_319 = arith.mulf %mul3A_318, %add3A_316 : vector<16xf32>
        %max3A_320 = arith.maximumf %add3A_316, %mul3A_319 : vector<16xf32>
        %exp3A_321 = math.exp %max3A_320 : vector<16xf32>
        %gather3A_322 = tpu.vector_load_idx %arg13[%get3A_313] : memref<10016xf32, #tpu.memory_space<vmem>>[vector<16xi32>], vector<16xf32>,
        %add3A_323 = arith.constant 1.000000e-16 : f32
        %add3A_324 = vector.broadcast %add3A_323 : f32 to vector<16xf32>
        %add3A_325 = arith.addf %gather3A_322, %add3A_324 : vector<16xf32>
        %div3A_326 = arith.divf %exp3A_321, %add3A_325 : vector<16xf32>
        %swap3A_327 = arith.constant 16 : index
        %swap3A_328 = tpu.vector_load %arg16[%swap3A_327] {strides = array<i32>} : memref<32xf32, #tpu.memory_space<vmem>>, vector<16xf32>,
        tpu.vector_store %arg16[%swap3A_327], %div3A_326 {strides = array<i32>} : memref<32xf32, #tpu.memory_space<vmem>>, vector<16xf32>,
        %swap3A_329 = arith.constant 16 : index
        %swap3A_330 = tpu.vector_load %arg19[%swap3A_329] {strides = array<i32>} : memref<32xi32, #tpu.memory_space<vmem>>, vector<16xi32>,
        tpu.vector_store %arg19[%swap3A_329], %get3A_313 {strides = array<i32>} : memref<32xi32, #tpu.memory_space<vmem>>, vector<16xi32>,
        %dma_wait3A_331 = arith.constant 0 : i32
        %dma_wait3A_332 = arith.constant 0 : i32
        %dma_wait3A_333 = tpu.memref_slice %arg6[%dma_wait3A_331, %dma_wait3A_332] : memref<10016x128xf32, #tpu.memory_space<hbm>> -> memref<10016x128xf32, #tpu.memory_space<hbm>>
        tpu.wait_indirect_dma semaphore(%arg22 : memref<!tpu.dma_semaphore, #tpu.memory_space<semaphore_mem>>) src(%dma_wait3A_333 : memref<10016x128xf32, #tpu.memory_space<hbm>>) dst(%arg15 : memref<32x128xf32, #tpu.memory_space<vmem>>)
        %add3A_334 = arith.constant 1 : i32
        %add3A_335 = arith.addi %add3A_87, %add3A_334 : i32
        %lt3A_336 = arith.constant 27 : i32
        %lt3A_337 = arith.cmpi slt, %add3A_335, %lt3A_336 : i32
        %convert_element_type3A_338 = arith.extui %lt3A_337 : i1 to i32
        %cond3A_339 = arith.constant 0 : i32
        %cond3A_340 = arith.cmpi ne, %convert_element_type3A_338, %cond3A_339 : i32
        scf.if %cond3A_340 {
          %add3A_346 = arith.constant 1 : i32
          %add3A_347 = arith.addi %add3A_87, %add3A_346 : i32
          %get3A_348 = arith.index_cast %add3A_347 : i32 to index
          %get3A_349 = arith.constant 0 : index
          %get3A_350 = tpu.vector_load %arg8[%get3A_348, %get3A_349] {strides = array<i32>} : memref<27x128xi32, #tpu.memory_space<vmem>>, vector<16xi32>,
          %swap3A_351 = arith.constant 0 : index
          %swap3A_352 = tpu.vector_load %arg17[%swap3A_351] {strides = array<i32>} : memref<32xi32, #tpu.memory_space<vmem>>, vector<16xi32>,
          tpu.vector_store %arg17[%swap3A_351], %get3A_350 {strides = array<i32>} : memref<32xi32, #tpu.memory_space<vmem>>, vector<16xi32>,
          %add3A_353 = arith.constant 1 : i32
          %add3A_354 = arith.addi %add3A_87, %add3A_353 : i32
          %get3A_355 = arith.index_cast %add3A_354 : i32 to index
          %get3A_356 = arith.constant 16 : index
          %get3A_357 = tpu.vector_load %arg8[%get3A_355, %get3A_356] {strides = array<i32>} : memref<27x128xi32, #tpu.memory_space<vmem>>, vector<16xi32>,
          %swap3A_358 = arith.constant 16 : index
          %swap3A_359 = tpu.vector_load %arg17[%swap3A_358] {strides = array<i32>} : memref<32xi32, #tpu.memory_space<vmem>>, vector<16xi32>,
          tpu.vector_store %arg17[%swap3A_358], %get3A_357 {strides = array<i32>} : memref<32xi32, #tpu.memory_space<vmem>>, vector<16xi32>,
          %dma_start3A_360 = arith.constant 0 : i32
          %dma_start3A_361 = arith.constant 0 : i32
          %dma_start3A_362 = tpu.memref_slice %arg6[%dma_start3A_360, %dma_start3A_361] : memref<10016x128xf32, #tpu.memory_space<hbm>> -> memref<10016x128xf32, #tpu.memory_space<hbm>>
          tpu.enqueue_indirect_dma source(%dma_start3A_362 : memref<10016x128xf32, #tpu.memory_space<hbm>>) target(%arg14 : memref<32x128xf32, #tpu.memory_space<vmem>>) offsets(%arg17 : memref<32xi32, #tpu.memory_space<vmem>>) semaphore(%arg21 : memref<!tpu.dma_semaphore, #tpu.memory_space<semaphore_mem>>)
        } else {
        }
        %scan3A_341 = arith.constant 0 : i32
        %scan3A_342 = arith.constant 16 : i32
        %scan3A_343 = arith.addi %scan3A_341, %scan3A_342 : i32
        %scan3A_344 = arith.constant 1 : i32
        scf.for %scan3A_346 = %scan3A_341 to %scan3A_343 step %scan3A_344  : i32 {
          %mul3A_347 = arith.constant 1 : i32
          %mul3A_348 = arith.muli %scan3A_346, %mul3A_347 : i32
          %add3A_349 = arith.constant 0 : i32
          %add3A_350 = arith.addi %add3A_349, %mul3A_348 : i32
          %mul3A_351 = arith.constant 2 : i32
          %mul3A_352 = arith.muli %add3A_350, %mul3A_351 : i32
          %mul3A_353 = arith.constant 2 : i32
          %mul3A_354 = arith.muli %add3A_350, %mul3A_353 : i32
          %add3A_355 = arith.constant 1 : i32
          %add3A_356 = arith.addi %mul3A_354, %add3A_355 : i32
          %broadcast_in_dim3A_357 = vector.broadcast %mul3A_352 : i32 to vector<16xi32>
          %gather3A_358 = tpu.vector_load_idx %arg16[%broadcast_in_dim3A_357] : memref<32xf32, #tpu.memory_space<vmem>>[vector<16xi32>], vector<16xf32>,
          %broadcast_in_dim3A_359 = vector.broadcast %add3A_356 : i32 to vector<16xi32>
          %gather3A_360 = tpu.vector_load_idx %arg16[%broadcast_in_dim3A_359] : memref<32xf32, #tpu.memory_space<vmem>>[vector<16xi32>], vector<16xf32>,
          %get3A_361 = arith.index_cast %mul3A_352 : i32 to index
          %get3A_362 = arith.constant 0 : index
          %get3A_363 = tpu.vector_load %arg15[%get3A_361, %get3A_362] {strides = array<i32>} : memref<32x128xf32, #tpu.memory_space<vmem>>, vector<16xf32>,
          %mul3A_364 = arith.mulf %get3A_363, %gather3A_358 : vector<16xf32>
          %swap3A_365 = arith.index_cast %mul3A_352 : i32 to index
          %swap3A_366 = arith.constant 0 : index
          %swap3A_367 = tpu.vector_load %arg15[%swap3A_365, %swap3A_366] {strides = array<i32>} : memref<32x128xf32, #tpu.memory_space<vmem>>, vector<16xf32>,
          tpu.vector_store %arg15[%swap3A_365, %swap3A_366], %mul3A_364 {strides = array<i32>} : memref<32x128xf32, #tpu.memory_space<vmem>>, vector<16xf32>,
          %get3A_368 = arith.index_cast %add3A_356 : i32 to index
          %get3A_369 = arith.constant 0 : index
          %get3A_370 = tpu.vector_load %arg15[%get3A_368, %get3A_369] {strides = array<i32>} : memref<32x128xf32, #tpu.memory_space<vmem>>, vector<16xf32>,
          %mul3A_371 = arith.mulf %get3A_370, %gather3A_360 : vector<16xf32>
          %swap3A_372 = arith.index_cast %add3A_356 : i32 to index
          %swap3A_373 = arith.constant 0 : index
          %swap3A_374 = tpu.vector_load %arg15[%swap3A_372, %swap3A_373] {strides = array<i32>} : memref<32x128xf32, #tpu.memory_space<vmem>>, vector<16xf32>,
          tpu.vector_store %arg15[%swap3A_372, %swap3A_373], %mul3A_371 {strides = array<i32>} : memref<32x128xf32, #tpu.memory_space<vmem>>, vector<16xf32>,
          %get3A_375 = arith.index_cast %mul3A_352 : i32 to index
          %get3A_376 = arith.constant 16 : index
          %get3A_377 = tpu.vector_load %arg15[%get3A_375, %get3A_376] {strides = array<i32>} : memref<32x128xf32, #tpu.memory_space<vmem>>, vector<16xf32>,
          %mul3A_378 = arith.mulf %get3A_377, %gather3A_358 : vector<16xf32>
          %swap3A_379 = arith.index_cast %mul3A_352 : i32 to index
          %swap3A_380 = arith.constant 16 : index
          %swap3A_381 = tpu.vector_load %arg15[%swap3A_379, %swap3A_380] {strides = array<i32>} : memref<32x128xf32, #tpu.memory_space<vmem>>, vector<16xf32>,
          tpu.vector_store %arg15[%swap3A_379, %swap3A_380], %mul3A_378 {strides = array<i32>} : memref<32x128xf32, #tpu.memory_space<vmem>>, vector<16xf32>,
          %get3A_382 = arith.index_cast %add3A_356 : i32 to index
          %get3A_383 = arith.constant 16 : index
          %get3A_384 = tpu.vector_load %arg15[%get3A_382, %get3A_383] {strides = array<i32>} : memref<32x128xf32, #tpu.memory_space<vmem>>, vector<16xf32>,
          %mul3A_385 = arith.mulf %get3A_384, %gather3A_360 : vector<16xf32>
          %swap3A_386 = arith.index_cast %add3A_356 : i32 to index
          %swap3A_387 = arith.constant 16 : index
          %swap3A_388 = tpu.vector_load %arg15[%swap3A_386, %swap3A_387] {strides = array<i32>} : memref<32x128xf32, #tpu.memory_space<vmem>>, vector<16xf32>,
          tpu.vector_store %arg15[%swap3A_386, %swap3A_387], %mul3A_385 {strides = array<i32>} : memref<32x128xf32, #tpu.memory_space<vmem>>, vector<16xf32>,
          %get3A_389 = arith.index_cast %mul3A_352 : i32 to index
          %get3A_390 = arith.constant 32 : index
          %get3A_391 = tpu.vector_load %arg15[%get3A_389, %get3A_390] {strides = array<i32>} : memref<32x128xf32, #tpu.memory_space<vmem>>, vector<16xf32>,
          %mul3A_392 = arith.mulf %get3A_391, %gather3A_358 : vector<16xf32>
          %swap3A_393 = arith.index_cast %mul3A_352 : i32 to index
          %swap3A_394 = arith.constant 32 : index
          %swap3A_395 = tpu.vector_load %arg15[%swap3A_393, %swap3A_394] {strides = array<i32>} : memref<32x128xf32, #tpu.memory_space<vmem>>, vector<16xf32>,
          tpu.vector_store %arg15[%swap3A_393, %swap3A_394], %mul3A_392 {strides = array<i32>} : memref<32x128xf32, #tpu.memory_space<vmem>>, vector<16xf32>,
          %get3A_396 = arith.index_cast %add3A_356 : i32 to index
          %get3A_397 = arith.constant 32 : index
          %get3A_398 = tpu.vector_load %arg15[%get3A_396, %get3A_397] {strides = array<i32>} : memref<32x128xf32, #tpu.memory_space<vmem>>, vector<16xf32>,
          %mul3A_399 = arith.mulf %get3A_398, %gather3A_360 : vector<16xf32>
          %swap3A_400 = arith.index_cast %add3A_356 : i32 to index
          %swap3A_401 = arith.constant 32 : index
          %swap3A_402 = tpu.vector_load %arg15[%swap3A_400, %swap3A_401] {strides = array<i32>} : memref<32x128xf32, #tpu.memory_space<vmem>>, vector<16xf32>,
          tpu.vector_store %arg15[%swap3A_400, %swap3A_401], %mul3A_399 {strides = array<i32>} : memref<32x128xf32, #tpu.memory_space<vmem>>, vector<16xf32>,
          %get3A_403 = arith.index_cast %mul3A_352 : i32 to index
          %get3A_404 = arith.constant 48 : index
          %get3A_405 = tpu.vector_load %arg15[%get3A_403, %get3A_404] {strides = array<i32>} : memref<32x128xf32, #tpu.memory_space<vmem>>, vector<16xf32>,
          %mul3A_406 = arith.mulf %get3A_405, %gather3A_358 : vector<16xf32>
          %swap3A_407 = arith.index_cast %mul3A_352 : i32 to index
          %swap3A_408 = arith.constant 48 : index
          %swap3A_409 = tpu.vector_load %arg15[%swap3A_407, %swap3A_408] {strides = array<i32>} : memref<32x128xf32, #tpu.memory_space<vmem>>, vector<16xf32>,
          tpu.vector_store %arg15[%swap3A_407, %swap3A_408], %mul3A_406 {strides = array<i32>} : memref<32x128xf32, #tpu.memory_space<vmem>>, vector<16xf32>,
          %get3A_410 = arith.index_cast %add3A_356 : i32 to index
          %get3A_411 = arith.constant 48 : index
          %get3A_412 = tpu.vector_load %arg15[%get3A_410, %get3A_411] {strides = array<i32>} : memref<32x128xf32, #tpu.memory_space<vmem>>, vector<16xf32>,
          %mul3A_413 = arith.mulf %get3A_412, %gather3A_360 : vector<16xf32>
          %swap3A_414 = arith.index_cast %add3A_356 : i32 to index
          %swap3A_415 = arith.constant 48 : index
          %swap3A_416 = tpu.vector_load %arg15[%swap3A_414, %swap3A_415] {strides = array<i32>} : memref<32x128xf32, #tpu.memory_space<vmem>>, vector<16xf32>,
          tpu.vector_store %arg15[%swap3A_414, %swap3A_415], %mul3A_413 {strides = array<i32>} : memref<32x128xf32, #tpu.memory_space<vmem>>, vector<16xf32>,
          %get3A_417 = arith.index_cast %mul3A_352 : i32 to index
          %get3A_418 = arith.constant 64 : index
          %get3A_419 = tpu.vector_load %arg15[%get3A_417, %get3A_418] {strides = array<i32>} : memref<32x128xf32, #tpu.memory_space<vmem>>, vector<16xf32>,
          %mul3A_420 = arith.mulf %get3A_419, %gather3A_358 : vector<16xf32>
          %swap3A_421 = arith.index_cast %mul3A_352 : i32 to index
          %swap3A_422 = arith.constant 64 : index
          %swap3A_423 = tpu.vector_load %arg15[%swap3A_421, %swap3A_422] {strides = array<i32>} : memref<32x128xf32, #tpu.memory_space<vmem>>, vector<16xf32>,
          tpu.vector_store %arg15[%swap3A_421, %swap3A_422], %mul3A_420 {strides = array<i32>} : memref<32x128xf32, #tpu.memory_space<vmem>>, vector<16xf32>,
          %get3A_424 = arith.index_cast %add3A_356 : i32 to index
          %get3A_425 = arith.constant 64 : index
          %get3A_426 = tpu.vector_load %arg15[%get3A_424, %get3A_425] {strides = array<i32>} : memref<32x128xf32, #tpu.memory_space<vmem>>, vector<16xf32>,
          %mul3A_427 = arith.mulf %get3A_426, %gather3A_360 : vector<16xf32>
          %swap3A_428 = arith.index_cast %add3A_356 : i32 to index
          %swap3A_429 = arith.constant 64 : index
          %swap3A_430 = tpu.vector_load %arg15[%swap3A_428, %swap3A_429] {strides = array<i32>} : memref<32x128xf32, #tpu.memory_space<vmem>>, vector<16xf32>,
          tpu.vector_store %arg15[%swap3A_428, %swap3A_429], %mul3A_427 {strides = array<i32>} : memref<32x128xf32, #tpu.memory_space<vmem>>, vector<16xf32>,
          %get3A_431 = arith.index_cast %mul3A_352 : i32 to index
          %get3A_432 = arith.constant 80 : index
          %get3A_433 = tpu.vector_load %arg15[%get3A_431, %get3A_432] {strides = array<i32>} : memref<32x128xf32, #tpu.memory_space<vmem>>, vector<16xf32>,
          %mul3A_434 = arith.mulf %get3A_433, %gather3A_358 : vector<16xf32>
          %swap3A_435 = arith.index_cast %mul3A_352 : i32 to index
          %swap3A_436 = arith.constant 80 : index
          %swap3A_437 = tpu.vector_load %arg15[%swap3A_435, %swap3A_436] {strides = array<i32>} : memref<32x128xf32, #tpu.memory_space<vmem>>, vector<16xf32>,
          tpu.vector_store %arg15[%swap3A_435, %swap3A_436], %mul3A_434 {strides = array<i32>} : memref<32x128xf32, #tpu.memory_space<vmem>>, vector<16xf32>,
          %get3A_438 = arith.index_cast %add3A_356 : i32 to index
          %get3A_439 = arith.constant 80 : index
          %get3A_440 = tpu.vector_load %arg15[%get3A_438, %get3A_439] {strides = array<i32>} : memref<32x128xf32, #tpu.memory_space<vmem>>, vector<16xf32>,
          %mul3A_441 = arith.mulf %get3A_440, %gather3A_360 : vector<16xf32>
          %swap3A_442 = arith.index_cast %add3A_356 : i32 to index
          %swap3A_443 = arith.constant 80 : index
          %swap3A_444 = tpu.vector_load %arg15[%swap3A_442, %swap3A_443] {strides = array<i32>} : memref<32x128xf32, #tpu.memory_space<vmem>>, vector<16xf32>,
          tpu.vector_store %arg15[%swap3A_442, %swap3A_443], %mul3A_441 {strides = array<i32>} : memref<32x128xf32, #tpu.memory_space<vmem>>, vector<16xf32>,
          %get3A_445 = arith.index_cast %mul3A_352 : i32 to index
          %get3A_446 = arith.constant 96 : index
          %get3A_447 = tpu.vector_load %arg15[%get3A_445, %get3A_446] {strides = array<i32>} : memref<32x128xf32, #tpu.memory_space<vmem>>, vector<16xf32>,
          %mul3A_448 = arith.mulf %get3A_447, %gather3A_358 : vector<16xf32>
          %swap3A_449 = arith.index_cast %mul3A_352 : i32 to index
          %swap3A_450 = arith.constant 96 : index
          %swap3A_451 = tpu.vector_load %arg15[%swap3A_449, %swap3A_450] {strides = array<i32>} : memref<32x128xf32, #tpu.memory_space<vmem>>, vector<16xf32>,
          tpu.vector_store %arg15[%swap3A_449, %swap3A_450], %mul3A_448 {strides = array<i32>} : memref<32x128xf32, #tpu.memory_space<vmem>>, vector<16xf32>,
          %get3A_452 = arith.index_cast %add3A_356 : i32 to index
          %get3A_453 = arith.constant 96 : index
          %get3A_454 = tpu.vector_load %arg15[%get3A_452, %get3A_453] {strides = array<i32>} : memref<32x128xf32, #tpu.memory_space<vmem>>, vector<16xf32>,
          %mul3A_455 = arith.mulf %get3A_454, %gather3A_360 : vector<16xf32>
          %swap3A_456 = arith.index_cast %add3A_356 : i32 to index
          %swap3A_457 = arith.constant 96 : index
          %swap3A_458 = tpu.vector_load %arg15[%swap3A_456, %swap3A_457] {strides = array<i32>} : memref<32x128xf32, #tpu.memory_space<vmem>>, vector<16xf32>,
          tpu.vector_store %arg15[%swap3A_456, %swap3A_457], %mul3A_455 {strides = array<i32>} : memref<32x128xf32, #tpu.memory_space<vmem>>, vector<16xf32>,
          %get3A_459 = arith.index_cast %mul3A_352 : i32 to index
          %get3A_460 = arith.constant 112 : index
          %get3A_461 = tpu.vector_load %arg15[%get3A_459, %get3A_460] {strides = array<i32>} : memref<32x128xf32, #tpu.memory_space<vmem>>, vector<16xf32>,
          %mul3A_462 = arith.mulf %get3A_461, %gather3A_358 : vector<16xf32>
          %swap3A_463 = arith.index_cast %mul3A_352 : i32 to index
          %swap3A_464 = arith.constant 112 : index
          %swap3A_465 = tpu.vector_load %arg15[%swap3A_463, %swap3A_464] {strides = array<i32>} : memref<32x128xf32, #tpu.memory_space<vmem>>, vector<16xf32>,
          tpu.vector_store %arg15[%swap3A_463, %swap3A_464], %mul3A_462 {strides = array<i32>} : memref<32x128xf32, #tpu.memory_space<vmem>>, vector<16xf32>,
          %get3A_466 = arith.index_cast %add3A_356 : i32 to index
          %get3A_467 = arith.constant 112 : index
          %get3A_468 = tpu.vector_load %arg15[%get3A_466, %get3A_467] {strides = array<i32>} : memref<32x128xf32, #tpu.memory_space<vmem>>, vector<16xf32>,
          %mul3A_469 = arith.mulf %get3A_468, %gather3A_360 : vector<16xf32>
          %swap3A_470 = arith.index_cast %add3A_356 : i32 to index
          %swap3A_471 = arith.constant 112 : index
          %swap3A_472 = tpu.vector_load %arg15[%swap3A_470, %swap3A_471] {strides = array<i32>} : memref<32x128xf32, #tpu.memory_space<vmem>>, vector<16xf32>,
          tpu.vector_store %arg15[%swap3A_470, %swap3A_471], %mul3A_469 {strides = array<i32>} : memref<32x128xf32, #tpu.memory_space<vmem>>, vector<16xf32>,
        }
        %scan3A_345 = arith.constant 16 : i32
        "tpu.region"() ({
          %run_scoped3A = tpu.sem_alloc : memref<!tpu.dma_semaphore, #tpu.memory_space<semaphore_mem>>
          %dma_start3A_346 = arith.constant 0 : i32
          %dma_start3A_347 = arith.constant 0 : i32
          %dma_start3A_348 = tpu.memref_slice %arg25[%dma_start3A_346, %dma_start3A_347] : memref<10016x128xf32, #tpu.memory_space<vmem_shared>> -> memref<10016x128xf32, #tpu.memory_space<vmem_shared>>
          tpu.enqueue_indirect_dma source(%arg15 : memref<32x128xf32, #tpu.memory_space<vmem>>) target(%dma_start3A_348 : memref<10016x128xf32, #tpu.memory_space<vmem_shared>>) offsets(%arg19 : memref<32xi32, #tpu.memory_space<vmem>>) semaphore(%run_scoped3A : memref<!tpu.dma_semaphore, #tpu.memory_space<semaphore_mem>>) {add = true}
          %dma_wait3A_349 = arith.constant 0 : i32
          %dma_wait3A_350 = arith.constant 0 : i32
          %dma_wait3A_351 = tpu.memref_slice %arg25[%dma_wait3A_349, %dma_wait3A_350] : memref<10016x128xf32, #tpu.memory_space<vmem_shared>> -> memref<10016x128xf32, #tpu.memory_space<vmem_shared>>
          tpu.wait_indirect_dma semaphore(%run_scoped3A : memref<!tpu.dma_semaphore, #tpu.memory_space<semaphore_mem>>) src(%arg15 : memref<32x128xf32, #tpu.memory_space<vmem>>) dst(%dma_wait3A_351 : memref<10016x128xf32, #tpu.memory_space<vmem_shared>>)
          tpu.yield
        }) : () -> ()
      }
      %scan3A_82 = arith.constant 27 : i32
    }
    %scan3A_44 = arith.constant 3 : i32
    %barrier3A_45 = arith.constant 0 : index
    tpu.barrier barrier_id(%barrier3A_45)
    %lt3A_46 = arith.constant 15 : i32
    %lt3A_47 = arith.cmpi slt, %arg1, %lt3A_46 : i32
    %convert_element_type3A_48 = arith.extui %lt3A_47 : i1 to i32
    %cond3A_49 = arith.constant 0 : i32
    %cond3A_50 = arith.cmpi ne, %convert_element_type3A_48, %cond3A_49 : i32
    scf.if %cond3A_50 {
      %mul3A = arith.constant 640 : i32
      %mul3A_56 = arith.muli %arg1, %mul3A : i32
      %mul3A_57 = arith.constant 640 : i32
      %mul3A_58 = arith.muli %arg1, %mul3A_57 : i32
      "tpu.region"() ({
        %run_scoped3A = tpu.sem_alloc : memref<!tpu.dma_semaphore, #tpu.memory_space<semaphore_mem>>
        %dma_start3A = arith.constant 0 : i32
        %dma_start3A_59 = tpu.memref_slice %arg7[%arg0, %mul3A_58, %dma_start3A] : memref<2x10016x128xf32, #tpu.memory_space<hbm>> -> memref<1x640x128xf32, #tpu.memory_space<hbm>>
        %dma_start3A_60 = tpu.memref_squeeze %dma_start3A_59 : memref<1x640x128xf32, #tpu.memory_space<hbm>> -> memref<640x128xf32, #tpu.memory_space<hbm>>
        %dma_start3A_61 = arith.constant 0 : i32
        %dma_start3A_62 = tpu.memref_slice %arg25[%mul3A_56, %dma_start3A_61] : memref<10016x128xf32, #tpu.memory_space<vmem_shared>> -> memref<640x128xf32, #tpu.memory_space<vmem_shared>>
        tpu.enqueue_dma source(%dma_start3A_62 : memref<640x128xf32, #tpu.memory_space<vmem_shared>>) target(%dma_start3A_60 : memref<640x128xf32, #tpu.memory_space<hbm>>) target_semaphore(%run_scoped3A : memref<!tpu.dma_semaphore, #tpu.memory_space<semaphore_mem>>)
        %dma_wait3A = arith.constant 0 : i32
        %dma_wait3A_63 = tpu.memref_slice %arg7[%arg0, %mul3A_58, %dma_wait3A] : memref<2x10016x128xf32, #tpu.memory_space<hbm>> -> memref<1x640x128xf32, #tpu.memory_space<hbm>>
        %dma_wait3A_64 = tpu.memref_squeeze %dma_wait3A_63 : memref<1x640x128xf32, #tpu.memory_space<hbm>> -> memref<640x128xf32, #tpu.memory_space<hbm>>
        %dma_wait3A_65 = arith.constant 0 : i32
        %dma_wait3A_66 = tpu.memref_slice %arg25[%mul3A_56, %dma_wait3A_65] : memref<10016x128xf32, #tpu.memory_space<vmem_shared>> -> memref<640x128xf32, #tpu.memory_space<vmem_shared>>
        tpu.wait_dma2 semaphore(%run_scoped3A : memref<!tpu.dma_semaphore, #tpu.memory_space<semaphore_mem>>) src(%dma_wait3A_66 : memref<640x128xf32, #tpu.memory_space<vmem_shared>>) dst(%dma_wait3A_64 : memref<640x128xf32, #tpu.memory_space<hbm>>)
        tpu.yield
      }) : () -> ()
    } else {
    }
    %eq3A_51 = arith.constant 15 : i32
    %eq3A_52 = arith.cmpi eq, %arg1, %eq3A_51 : i32
    %convert_element_type3A_53 = arith.extui %eq3A_52 : i1 to i32
    %cond3A_54 = arith.constant 0 : i32
    %cond3A_55 = arith.cmpi ne, %convert_element_type3A_53, %cond3A_54 : i32
    scf.if %cond3A_55 {
      "tpu.region"() ({
        %run_scoped3A = tpu.sem_alloc : memref<!tpu.dma_semaphore, #tpu.memory_space<semaphore_mem>>
        %dma_start3A = arith.constant 9600 : i32
        %dma_start3A_56 = arith.constant 0 : i32
        %dma_start3A_57 = tpu.memref_slice %arg7[%arg0, %dma_start3A, %dma_start3A_56] : memref<2x10016x128xf32, #tpu.memory_space<hbm>> -> memref<1x416x128xf32, #tpu.memory_space<hbm>>
        %dma_start3A_58 = tpu.memref_squeeze %dma_start3A_57 : memref<1x416x128xf32, #tpu.memory_space<hbm>> -> memref<416x128xf32, #tpu.memory_space<hbm>>
        %dma_start3A_59 = arith.constant 9600 : i32
        %dma_start3A_60 = arith.constant 0 : i32
        %dma_start3A_61 = tpu.memref_slice %arg25[%dma_start3A_59, %dma_start3A_60] : memref<10016x128xf32, #tpu.memory_space<vmem_shared>> -> memref<416x128xf32, #tpu.memory_space<vmem_shared>>
        tpu.enqueue_dma source(%dma_start3A_61 : memref<416x128xf32, #tpu.memory_space<vmem_shared>>) target(%dma_start3A_58 : memref<416x128xf32, #tpu.memory_space<hbm>>) target_semaphore(%run_scoped3A : memref<!tpu.dma_semaphore, #tpu.memory_space<semaphore_mem>>)
        %dma_wait3A = arith.constant 9600 : i32
        %dma_wait3A_62 = arith.constant 0 : i32
        %dma_wait3A_63 = tpu.memref_slice %arg7[%arg0, %dma_wait3A, %dma_wait3A_62] : memref<2x10016x128xf32, #tpu.memory_space<hbm>> -> memref<1x416x128xf32, #tpu.memory_space<hbm>>
        %dma_wait3A_64 = tpu.memref_squeeze %dma_wait3A_63 : memref<1x416x128xf32, #tpu.memory_space<hbm>> -> memref<416x128xf32, #tpu.memory_space<hbm>>
        %dma_wait3A_65 = arith.constant 9600 : i32
        %dma_wait3A_66 = arith.constant 0 : i32
        %dma_wait3A_67 = tpu.memref_slice %arg25[%dma_wait3A_65, %dma_wait3A_66] : memref<10016x128xf32, #tpu.memory_space<vmem_shared>> -> memref<416x128xf32, #tpu.memory_space<vmem_shared>>
        tpu.wait_dma2 semaphore(%run_scoped3A : memref<!tpu.dma_semaphore, #tpu.memory_space<semaphore_mem>>) src(%dma_wait3A_67 : memref<416x128xf32, #tpu.memory_space<vmem_shared>>) dst(%dma_wait3A_64 : memref<416x128xf32, #tpu.memory_space<hbm>>)
        tpu.yield
      }) : () -> ()
    } else {
    }
    return
  }
}

module attributes {stable_mosaic.version = 14 : i64} {
  func.func @body(%arg0: memref<10016x128xf32, #tpu.memory_space<vmem>>, %arg1: memref<128x128xf32, #tpu.memory_space<vmem>>, %arg2: memref<128x2xf32, #tpu.memory_space<vmem>>, %arg3: memref<10016x128xf32, #tpu.memory_space<vmem>>, %arg4: memref<10016x2xf32, #tpu.memory_space<vmem>>) attributes {dimension_semantics = [], scalar_prefetch = 0 : i64, scratch_operands = 0 : i64, tpu.core_type = #tpu.core_type<tc>} {
    %get3A = arith.constant 0 : index
    %get3A_0 = arith.constant 0 : index
    %get3A_1 = vector.load %arg0[%get3A, %get3A_0] : memref<10016x128xf32, #tpu.memory_space<vmem>>, vector<10016x128xf32>
    %get3A_2 = arith.constant 0 : index
    %get3A_3 = arith.constant 0 : index
    %get3A_4 = vector.load %arg1[%get3A_2, %get3A_3] : memref<128x128xf32, #tpu.memory_space<vmem>>, vector<128x128xf32>
    %dot_general3A = arith.constant dense<0.000000e+00> : vector<10016x128xf32>
    %dot_general3A_5 = tpu.matmul %get3A_1, %get3A_4, %dot_general3A {dimension_numbers = #tpu.dot_dimension_numbers<[1], [0], [0], [1], [0, 0, 1, 1], [], []>, transpose_lhs_hint = false} : vector<10016x128xf32>, vector<128x128xf32>, vector<10016x128xf32> -> vector<10016x128xf32>
    %swap3A = arith.constant 0 : index
    %swap3A_6 = arith.constant 0 : index
    %swap3A_7 = vector.load %arg3[%swap3A, %swap3A_6] : memref<10016x128xf32, #tpu.memory_space<vmem>>, vector<10016x128xf32>
    tpu.vector_store %arg3[%swap3A, %swap3A_6], %dot_general3A_5 {strides = array<i32>} : memref<10016x128xf32, #tpu.memory_space<vmem>>, vector<10016x128xf32>,
    %get3A_8 = arith.constant 0 : index
    %get3A_9 = arith.constant 0 : index
    %get3A_10 = vector.load %arg2[%get3A_8, %get3A_9] : memref<128x2xf32, #tpu.memory_space<vmem>>, vector<128x2xf32>
    %dot_general3A_11 = arith.constant dense<0.000000e+00> : vector<10016x2xf32>
    %dot_general3A_12 = tpu.matmul %dot_general3A_5, %get3A_10, %dot_general3A_11 {dimension_numbers = #tpu.dot_dimension_numbers<[1], [0], [0], [1], [0, 0, 1, 1], [], []>, transpose_lhs_hint = false} : vector<10016x128xf32>, vector<128x2xf32>, vector<10016x2xf32> -> vector<10016x2xf32>
    %swap3A_13 = arith.constant 0 : index
    %swap3A_14 = arith.constant 0 : index
    %swap3A_15 = vector.load %arg4[%swap3A_13, %swap3A_14] : memref<10016x2xf32, #tpu.memory_space<vmem>>, vector<10016x2xf32>
    tpu.vector_store %arg4[%swap3A_13, %swap3A_14], %dot_general3A_12 {strides = array<i32>} : memref<10016x2xf32, #tpu.memory_space<vmem>>, vector<10016x2xf32>,
    return
  }
}

module attributes {stable_mosaic.version = 14 : i64} {
  func.func @body(%arg0: memref<2x10016x128xf32, #tpu.memory_space<vmem>>, %arg1: memref<1x128xf32, #tpu.memory_space<vmem>>, %arg2: memref<10000x128xf32, #tpu.memory_space<vmem>>) attributes {dimension_semantics = [], scalar_prefetch = 0 : i64, scratch_operands = 0 : i64, tpu.core_type = #tpu.core_type<tc>} {
    %get3A = arith.constant 0 : index
    %get3A_0 = arith.constant 0 : index
    %get3A_1 = arith.constant 0 : index
    %get3A_2 = vector.load %arg0[%get3A, %get3A_0, %get3A_1] : memref<2x10016x128xf32, #tpu.memory_space<vmem>>, vector<1x10000x128xf32>
    %get3A_3 = vector.shape_cast %get3A_2 : vector<1x10000x128xf32> to vector<10000x128xf32>
    %get3A_4 = arith.constant 1 : index
    %get3A_5 = arith.constant 0 : index
    %get3A_6 = arith.constant 0 : index
    %get3A_7 = vector.load %arg0[%get3A_4, %get3A_5, %get3A_6] : memref<2x10016x128xf32, #tpu.memory_space<vmem>>, vector<1x10000x128xf32>
    %get3A_8 = vector.shape_cast %get3A_7 : vector<1x10000x128xf32> to vector<10000x128xf32>
    %add3A = arith.addf %get3A_3, %get3A_8 : vector<10000x128xf32>
    %get3A_9 = arith.constant 0 : index
    %get3A_10 = arith.constant 0 : index
    %get3A_11 = vector.load %arg1[%get3A_9, %get3A_10] : memref<1x128xf32, #tpu.memory_space<vmem>>, vector<1x128xf32>
    %add3A_12 = vector.broadcast %get3A_11 : vector<1x128xf32> to vector<10000x128xf32>
    %add3A_13 = arith.addf %add3A, %add3A_12 : vector<10000x128xf32>
    %tanh3A = math.tanh %add3A_13 : vector<10000x128xf32>
    %swap3A = arith.constant 0 : index
    %swap3A_14 = arith.constant 0 : index
    %swap3A_15 = vector.load %arg2[%swap3A, %swap3A_14] : memref<10000x128xf32, #tpu.memory_space<vmem>>, vector<10000x128xf32>
    tpu.vector_store %arg2[%swap3A, %swap3A_14], %tanh3A {strides = array<i32>} : memref<10000x128xf32, #tpu.memory_space<vmem>>, vector<10000x128xf32>,
    return
  }
}

</mosaic_0001>

<sc_bundles>
// kernel: kernel.5.cloned.1.call-start
scs
__scs_entry_jumppad:
0x0: {  	(pc) =	sbr.rel $0x88, $3  }
0x1: {  	(tag) =	ssettag $0x0;
	lr =	simm.s32 $0x1  }
0x2: {  	[smem:$0x3F9B] =	sst lr;
	_ =	strace $0xD0000000  }
0x3: {  	_ = 	snop  }
0x4: {  	_ = 	snop  }
0x5: {  	_ = 	snop  }
0x6: {  	_ = 	snop  }
0x7: {  	_ = 	snop  }
__scs_overlays_trampoline_lowered:
0x8: {  	[smem:$0x3FAA] =	sst s0  }
0x9: {  	[smem:$0x3FAB] =	sst s1  }
0xa: {  	[smem:$0x3FAC] =	sst s2  }
0xb: {  	[smem:$0x3FAD] =	sst s3  }
0xc: {  	[smem:$0x3FAE] =	sst s4  }
0xd: {  	[smem:$0x3FAF] =	sst s5  }
0xe: {  	[smem:$0x3FB0] =	sst s6  }
0xf: {  	[smem:$0x3FB1] =	sst s7  }
0x10: {  	[smem:$0x3FB2] =	sst s8  }
0x11: {  	[smem:$0x3FB3] =	sst s9;
	s0 =	simm.s32 @!p0 $0x0  }
0x12: {  	s1 =	sld [smem:$0x3F99];
	s0 =	simm.s32 @p0 $0x1  }
0x13: {  	[smem:$0x3FB4] =	sst s0;
	s0 =	simm.s32 @!p1 $0x0  }
0x14: {  	s2 =	sld [smem:$0x3F98];
	s0 =	simm.s32 @p1 $0x1  }
0x15: {  	[smem:$0x3FB5] =	sst s0;
	s0 =	simm.s32 @!p2 $0x0  }
0x16: {  	s3 =	sld [smem:$0x3FDB];
	s0 =	simm.s32 @p2 $0x1  }
0x17: {  	s4 =	simm.s32 $0x1BF5;
	[smem:$0x3FB7] =	sst s0  }
0x18: {  	s0 =	sld [smem:$0x3F9A];
	_ =	swait.ge [sflag:s4], $0x0  }
0x19: {  	s7 =	sld [smem:$0x3F9B]  }
0x1a: {  	s8 =	sadd.s32 $0xFFFFE003, lr  }
0x1b: {  	s9 =	sadd.s32 $0xFFFFFEF7, lr;
	s5 =	simm.s32 $0xFFFFFFFF;
	p2 =	slt.u32 s8, $0xFFFFF086  }
0x1c: {  	p1 =	slt.u32 s9, $0xF7A;
	s5 =	simm.s32 @!p2 $0x0  }
0x1d: {  	s5 =	simm.s32 @p1 $0x1;
	p0 =	seq.s32 s7, s2  }
0x1e: {  	s7 =	smul.u32 @!p0 $0xF7A, s2;
	p2 =	seq.s32 @!p0 s5, $0x0  }
0x1f: {  	s9 =	smul.u32 $0xF7A, s1;
	s8 =	simm.s32 @!p0 $0x1BF5;
	p2 =	por !p2, p0  }
0x20: {  	[sflag:s8] =	ssyncset.s32 @!p0 $0xFFFFF086;
	s6 =	sadd.s32 @!p0 s3, s7;
	s7 =	simm.s32 @!p0 $0x108  }
0x21: {  	s3 =	sadd.s32 s3, s9;
	s6 =	sadd.s32 @!p0 $0x88, s6;
	s7 =	simm.s32 @p2 $0x1082  }
0x22: {  	[simem:s7], [sflag:s8] =	dma.local @!p0 [hbm:s6], $0xF7A  }
0x23: {  	s9 =	sor.u32 $0xD0000000, s2;
	s6 =	simm.s32 $0x108;
	_ =	swait.ge @!p0 [sflag:s8], $0x0  }
0x24: {  	s3 =	sadd.s32 $0x88, s3;
	s6 =	simm.s32 @!p1 $0x1082;
	[sflag:s4] =	ssyncset.s32 $0xFFFFF086  }
0x25: {  	[simem:s6], [sflag:s4] =	dma.local [hbm:s3], $0xF7A  }
0x26: {  	[smem:$0x3F9B] =	sst s1;
	(tag) =	ssettag s2;
	_ =	strace s9  }
0x27: {  	s1 =	sld [smem:$0x3FAB]  }
0x28: {  	s2 =	sld [smem:$0x3FAC]  }
0x29: {  	s4 =	sld [smem:$0x3FAE]  }
0x2a: {  	p0 =	seq.s32 s5, $0x0;
	s5 =	sld [smem:$0x3FAF]  }
0x2b: {  	s6 =	sld [smem:$0x3FB0]  }
0x2c: {  	s7 =	sld [smem:$0x3FB1]  }
0x2d: {  	s3 =	simm.s32 $0x108;
	s8 =	sld [smem:$0x3FB2]  }
0x2e: {  	s3 =	simm.s32 @!p0 $0x1082;
	s9 =	sld [smem:$0x3FB3]  }
0x2f: {  	lr =	sadd.s32 s0, s3;
	s0 =	sld [smem:$0x3FAA]  }
0x30: {  	s3 =	sld [smem:$0x3FAD]  }
0x31: {  	[smem:$0x3FB6] =	sst s10  }
0x32: {  	s10 =	sld [smem:$0x3FB4];
	_ =	sdelay $0x3  }
0x33: {  	p0 =	seq.s32 s10, $0x1;
	s10 =	sld [smem:$0x3FB6];
	_ =	sdelay $0x3  }
0x34: {  	[smem:$0x3FB6] =	sst s10  }
0x35: {  	s10 =	sld [smem:$0x3FB5];
	_ =	sdelay $0x3  }
0x36: {  	p1 =	seq.s32 s10, $0x1;
	s10 =	sld [smem:$0x3FB6];
	_ =	sdelay $0x3  }
0x37: {  	[smem:$0x3FB6] =	sst s10  }
0x38: {  	s10 =	sld [smem:$0x3FB7]  }
0x39: {  	_ = 	snop;
	(pc) =	sbr.ind lr, $3  }
0x3a: {  	_ = 	snop  }
0x3b: {  	_ = 	snop  }
0x3c: {  	p2 =	seq.s32 s10, $0x1;
	s10 =	sld [smem:$0x3FB6]  }
0x3d: {  	_ =	shalt  }
0x3e: {  	_ =	shalt  }
0x3f: {  	_ =	shalt  }
0x40: {  	_ =	shalt  }
0x41: {  	_ =	shalt  }
0x42: {  	_ =	shalt  }
0x43: {  	_ =	shalt  }
0x44: {  	_ =	shalt  }
0x45: {  	_ =	shalt  }
0x46: {  	_ =	shalt  }
0x47: {  	_ =	shalt  }
0x48: {  	_ =	shalt  }
0x49: {  	_ =	shalt  }
0x4a: {  	_ =	shalt  }
0x4b: {  	_ =	shalt  }
0x4c: {  	_ =	shalt  }
0x4d: {  	_ =	shalt  }
0x4e: {  	_ =	shalt  }
0x4f: {  	_ =	shalt  }
0x50: {  	_ =	shalt  }
0x51: {  	_ =	shalt  }
0x52: {  	_ =	shalt  }
0x53: {  	_ =	shalt  }
0x54: {  	_ =	shalt  }
0x55: {  	_ =	shalt  }
0x56: {  	_ =	shalt  }
0x57: {  	_ =	shalt  }
0x58: {  	_ =	shalt  }
0x59: {  	_ =	shalt  }
0x5a: {  	_ =	shalt  }
0x5b: {  	_ =	shalt  }
0x5c: {  	_ =	shalt  }
0x5d: {  	_ =	shalt  }
0x5e: {  	_ =	shalt  }
0x5f: {  	_ =	shalt  }
0x60: {  	_ =	shalt  }
0x61: {  	_ =	shalt  }
0x62: {  	_ =	shalt  }
0x63: {  	_ =	shalt  }
0x64: {  	_ =	shalt  }
0x65: {  	_ =	shalt  }
0x66: {  	_ =	shalt  }
0x67: {  	_ =	shalt  }
0x68: {  	_ =	shalt  }
0x69: {  	_ =	shalt  }
0x6a: {  	_ =	shalt  }
0x6b: {  	_ =	shalt  }
0x6c: {  	_ =	shalt  }
0x6d: {  	_ =	shalt  }
0x6e: {  	_ =	shalt  }
0x6f: {  	_ =	shalt  }
0x70: {  	_ =	shalt  }
0x71: {  	_ =	shalt  }
0x72: {  	_ =	shalt  }
0x73: {  	_ =	shalt  }
0x74: {  	_ =	shalt  }
0x75: {  	_ =	shalt  }
0x76: {  	_ =	shalt  }
0x77: {  	_ =	shalt  }
0x78: {  	_ =	shalt  }
0x79: {  	_ =	shalt  }
0x7a: {  	_ =	shalt  }
0x7b: {  	_ =	shalt  }
0x7c: {  	_ =	shalt  }
0x7d: {  	_ =	shalt  }
0x7e: {  	_ =	shalt  }
0x7f: {  	_ =	shalt  }
0x80: {  	_ =	shalt  }
0x81: {  	_ =	shalt  }
0x82: {  	_ =	shalt  }
0x83: {  	_ =	shalt  }
0x84: {  	_ =	shalt  }
0x85: {  	_ =	shalt  }
0x86: {  	_ =	shalt  }
0x87: {  	_ =	shalt  }
.Lfunc_end0:
.L_simem_size_0:
called_computation_lowered:
.L_overlay_start_0:
0x88: {  	s2 =	sld [smem:$0x3FD9]  }
0x89: {  	s3 =	sld [smem:$0x3FFE];
	_ =	sdelay $0x1  }
0x8a: {  	s1 =	srdreg.scid  }
0x8b: {  	s0 =	sand.u32 $0x1, s1  }
0x8c: {  	s17 =	sshll.u32 s0, $0xA;
	s2 =	sadd.s32 s3, s2  }
0x8d: {  	s2 =	sadd.s32 s2, s17  }
0x8e: {  	[smem:$0x3FC2] =	sst s2  }
0x8f: {  	_ = 	snop  }
0x90: {  	s2 =	sld [smem:$0x3FD0];
	(tm) =	ssettm $0x1  }
0x91: {  	s18 =	sld [smem:$0x3FFB];
	_ =	sdelay $0x3  }
0x92: {  	_ =	strace s18  }
0x93: {  	s3 =	sld [smem:$0x3FFC];
	_ =	sdelay $0x3  }
0x94: {  	_ =	strace s3  }
0x95: {  	s3 =	sld [smem:$0x3FFD];
	_ =	sdelay $0x3  }
0x96: {  	_ =	strace s3  }
0x97: {  	_ =	strace $0x8FFFFFFF  }
0x98: {  	s19 =	sld [smem:$0x3FDB];
	_ =	sdelay $0x1  }
0x99: {  	s4 =	simm.s32 $_scs_section_size  }
0x9a: {  	s5 =	simm.s32 $_size__tile_overlayer_lowered;
	s6 =	simm.s32 $_tile_overlayer_lowered  }
0x9b: {  	s22 =	simm.s32 $0x1BFF;
	s21 =	sshll.u32 s6, $0x1;
	s3 =	sadd.s32 s4, s19  }
0x9c: {  	s7 =	simm.s32 $0x0;
	s20 =	sshll.u32 s5, $0x1;
	s5 =	sadd.s32 s21, s3  }
0x9d: {  	[timem:s7], [sflag:s22] =	dma.local [hbm:s5], s20  }
0x9e: {  	_ =	swait.ge [sflag:s22], s20  }
0x9f: {  	s4 =	ssub.s32 $0x0, s20;
	[sflag:s22] =	ssyncset.done $0x0  }
0xa0: {  	[sflag:s22] =	ssyncadd.s32 s4;
	_ =	sdelay $0x1  }
0xa1: {  	s23 =	simm.s32 $0x1B8B  }
0xa2: {  	_ =	swait.ge [sflag:s23], $0x1  }
0xa3: {  	[sflag:s23] =	ssyncset.done $0x0  }
0xa4: {  	s25 =	simm.s32 $0x1B8E;
	s24 =	sld [smem:$0x3FFE];
	[sflag:s23] =	ssyncadd.s32 $0xFFFFFFFF  }
0xa5: {  	s26 =	simm.s32 $execute0_lowered;
	[smem:$0x3FD2] =	sst s25  }
0xa6: {  	s5 =	sshll.u32 s26, $0x1;
	_ =	strace $0x80000046;
	[dreg:$0x1] =	wrdreg $0xFFFFFFFF  }
0xa7: {  	s28 =	simm.s32 $_size_execute0_lowered;
	s3 =	sadd.s32 s3, s5;
	[dreg:$0x0] =	wrdreg $0x0  }
0xa8: {  	s5 =	sshll.u32 s28, $0x1;
	[dreg:$0x2] =	wrdreg s3  }
0xa9: {  	[dreg:$0x3] =	wrdreg s5  }
0xaa: {  	[dreg:$0x4] =	wrdreg $0xC0  }
0xab: {  	_ =	task [dreg:s7], $0x5FFFF  }
0xac: {  	[dreg:$0x1] =	wrdreg $0xFFFFFFFF  }
0xad: {  	[dreg:$0x0] =	wrdreg $0x60  }
0xae: {  	[dreg:$0x2] =	wrdreg s2  }
0xaf: {  	[dreg:$0x3] =	wrdreg s24  }
0xb0: {  	[dreg:$0x4] =	wrdreg $0xBDF80  }
0xb1: {  	[dreg:$0x5] =	wrdreg $0xBB800  }
0xb2: {  	[dreg:$0x6] =	wrdreg $0x9  }
0xb3: {  	_ =	task.clear_ibuf [dreg:s7], $0x7FFFF;
	_ =	strace $0x90000046  }
0xb4: {  	s29 =	simm.s32 $0x9;
	_ =	strace $0x80000048  }
0xb5: {  	_ =	swait.ge [sflag:s29], $0x1  }
0xb6: {  	[sflag:s29] =	ssyncadd.s32 $0xFFFFFFFF  }
0xb7: {  	_ =	strace $0x90000048  }
0xb8: {  	_ =	sfence  }
0xb9: {  	s30 =	sld [smem:$0x0];
	_ =	sdelay $0x2  }
0xba: {  	s31 =	sshll.u32 s1, $0xD;
	s1 =	sshrl.u32 s1, $0x2  }
0xbb: {  	s3 =	sand.u32 $0x4000, s31;
	s1 =	sadd.s32 s1, s30  }
0xbc: {  	s0 =	sor.u32 s3, s0;
	s1 =	sshll.u32 s1, $0x11  }
0xbd: {  	s0 =	sor.u32 s1, s0  }
0xbe: {  	s0 =	sadd.s32 $0x8F2B, s0  }
0xbf: {  	[sflag:s0] =	ssyncadd.remote.s32 $0x1  }
0xc0: {  	_ =	sfence.sel $0xFFFF  }
0xc1: {  	[dreg:$0x0] =	wrdreg $0xFFFFFFFF;
	(pc) =	sbr.abs _section_cstart, $3  }
0xc2: {  	[dreg:$0x1] =	wrdreg $0xFFFFFFFF  }
0xc3: {  	_ =	task.clear_ibuf [dreg:s7], $0x2FFFF;
	_ =	strace $0x9FFFFFFF  }
0xc4: {  	(tm) =	ssettm $0x7FFFFFFF  }
0xc5: {  	_ =	shalt  }
tec
execute0_lowered:
.L_overlay_start_1:
0x0: {  	(tag) =	ssettag $0x1  }
0x1: {  	s14 =	rddreg [dreg:$0x0]  }
0x2: {  	s0 =	rddreg [dreg:$0x1]  }
0x3: {  	s2 =	rddreg [dreg:$0x2]  }
0x4: {  	s3 =	rddreg [dreg:$0x3];
	s1 =	simm.s32 $0x0;
	s18 =	srdreg.scid  }
0x5: {  	s11 =	stileid.u32;
	s15 =	simm.s32 $0x1000;
	s28 =	simm.s32 $0x20  }
0x6: {  	s29 =	simm.s32 $0xB780;
	s30 =	simm.s32 $0x1;
	s31 =	simm.s32 $0xB800  }
0x7: {  	[smem:$0x7FF] =	sst s1;
	s6 =	sadd.s32 $0x400, s0;
	s19 =	smul.u32 $0xA00, s11  }
0x8: {  	s17 =	sadd.s32 $0x33C00, s0;
	s4 =	sadd.s32 $0x33600, s0;
	s7 =	smul.u32 $0x50000, s11  }
0x9: {  	s1 =	sand.u32 $0x1, s18;
	s9 =	sadd.s32 $0xC400, s0;
	s20 =	smul.u32 $0x14000, s11  }
0xa: {  	s0 =	sadd.s32 $0x34200, s0;
	s21 =	sadd.s32 $0x2580, s3;
	s13 =	smul.u32 $0x6000, s11  }
0xb: {  	s18 =	simm.s32 $0x2080;
	_ =	strace $0x80000047;
	[dreg:$0x5] =	wrdreg s17  }
0xc: {  	p0 =	seq.s32 s11, $0xF;
	[dreg:$0x6] =	wrdreg s4;
	s10 =	smul.u32 $0x139000, s1  }
0xd: {  	s5 =	ssub.s32 $0x2, s1;
	[dreg:$0x8] =	wrdreg s21;
	s1 =	smul.u32 $0x3, s1  }
0xe: {  	s21 =	simm.s32 $0x9700;
	s8 =	sshrl.u32 s5, $0x1;
	s4 =	sshrl.u32 s19, $0x2  }
0xf: {  	s22 =	sshrl.u32 s7, $0x2;
	s19 =	simm.s32 $0x3;
	s5 =	ssub.s32 s5, s8  }
0x10: {  	s4 =	sadd.s32 s4, s3;
	s12 =	sadd.s32 s22, s2;
	s23 =	sadd.s32 s20, s10  }
0x11: {  	s24 =	sshrl.u32 s10, $0x3;
	[dreg:$0xa] =	wrdreg s1;
	s20 =	simm.s32 $0x4800  }
0x12: {  	s10 =	simm.s32 $0x0;
	[dreg:$0x7] =	wrdreg s4;
	s4 =	sshrl.u32 s23, $0x3  }
0x13: {  	s7 =	sadd.s32 s0, s24;
	s26 =	smax.u32 s5, $0x1;
	s23 =	simm.s32 $0x80  }
0x14: {  	s24 =	simm.s32 $0x2000;
	s5 =	simm.s32 $0xB700;
	[dreg:$0x9] =	wrdreg s12  }
0x15: {  	s0 =	sadd.s32 s0, s4;
	s25 =	sadd.s32 $0x25800, s7;
	[dreg:$0xd] =	wrdreg s26  }
0x16: {  	s26 =	simm.s32 $0x6F80;
	[dreg:$0xb] =	wrdreg s0;
	s0 =	sadd.s32 $0x12C000, s2  }
0x17: {  	s4 =	simm.s32 $0xB880;
	[dreg:$0xc] =	wrdreg s25;
	s0 =	sshrl.u32 @p0 s0, $0x3  }
0x18: {  	v0 =	vimm.f32 $0.0e+00;
	s7 =	simm.s32 $0x2;
	[dreg:$0xe] =	wrdreg s0;
	s0 =	simm.s32 $0xA700  }
.LBB2_1:
0x19: {  	s1 =	simm.s32 $0x0;
	s8 =	rddreg [dreg:$0x5]  }
0x1a: {  	[tilespmem:s18], [sflag:$0x3] =	stream.linear.gather [hbm4b:s8+s1], $0x2780, $0x38;
	[tilespmem:$0x1F6F8] =	vst v63  }
0x1b: {  	_ =	swait.ge [sflag:s19], $0x2780  }
0x1c: {  	[sflag:s19] =	ssyncset.done $0x0  }
0x1d: {  	s25 =	rddreg [dreg:$0x6];
	[sflag:s19] =	ssyncadd.s32 $0xFFFFD880  }
0x1e: {  	[tilespmem:s20], [sflag:$0x3] =	stream.linear.gather [hbm4b:s25+s1], $0x2780, $0x38;
	[tilespmem:$0x1F6F8] =	vst v63  }
0x1f: {  	_ =	swait.ge [sflag:s19], $0x2780  }
0x20: {  	[sflag:s19] =	ssyncset.done $0x0  }
0x21: {  	[sflag:s19] =	ssyncadd.s32 $0xFFFFD880  }
0x22: {  	[tilespmem:$0xB900] =	vst v0  }
0x23: {  	[tilespmem:$0xB910] =	vst v0  }
0x24: {  	[tilespmem:$0xB920] =	vst v0  }
0x25: {  	[tilespmem:$0xB930] =	vst v0  }
0x26: {  	[tilespmem:$0xB940] =	vst v0  }
0x27: {  	[tilespmem:$0xB950] =	vst v0  }
0x28: {  	[tilespmem:$0xB960] =	vst v0  }
0x29: {  	[tilespmem:$0xB970] =	vst v0  }
0x2a: {  	[tilespmem:$0xB980] =	vst v0  }
0x2b: {  	[tilespmem:$0xB990] =	vst v0  }
0x2c: {  	[tilespmem:$0xB9A0] =	vst v0  }
0x2d: {  	[tilespmem:$0xB9B0] =	vst v0  }
0x2e: {  	[tilespmem:$0xB9C0] =	vst v0  }
0x2f: {  	[tilespmem:$0xB9D0] =	vst v0  }
0x30: {  	[tilespmem:$0xB9E0] =	vst v0  }
0x31: {  	[tilespmem:$0xB9F0] =	vst v0  }
0x32: {  	[tilespmem:$0xBA00] =	vst v0  }
0x33: {  	[tilespmem:$0xBA10] =	vst v0  }
0x34: {  	[tilespmem:$0xBA20] =	vst v0  }
0x35: {  	[tilespmem:$0xBA30] =	vst v0  }
0x36: {  	[tilespmem:$0xBA40] =	vst v0  }
0x37: {  	[tilespmem:$0xBA50] =	vst v0  }
0x38: {  	[tilespmem:$0xBA60] =	vst v0  }
0x39: {  	[tilespmem:$0xBA70] =	vst v0  }
0x3a: {  	[tilespmem:$0xBA80] =	vst v0  }
0x3b: {  	[tilespmem:$0xBA90] =	vst v0  }
0x3c: {  	[tilespmem:$0xBAA0] =	vst v0  }
0x3d: {  	[tilespmem:$0xBAB0] =	vst v0  }
0x3e: {  	[tilespmem:$0xBAC0] =	vst v0  }
0x3f: {  	[tilespmem:$0xBAD0] =	vst v0  }
0x40: {  	[tilespmem:$0xBAE0] =	vst v0  }
0x41: {  	[tilespmem:$0xBAF0] =	vst v0  }
0x42: {  	[tilespmem:$0xBB00] =	vst v0  }
0x43: {  	[tilespmem:$0xBB10] =	vst v0  }
0x44: {  	[tilespmem:$0xBB20] =	vst v0  }
0x45: {  	[tilespmem:$0xBB30] =	vst v0  }
0x46: {  	[tilespmem:$0xBB40] =	vst v0  }
0x47: {  	[tilespmem:$0xBB50] =	vst v0  }
0x48: {  	[tilespmem:$0xBB60] =	vst v0  }
0x49: {  	s8 =	simm.s32 $0x200;
	s1 =	simm.s32 $0x0;
	[tilespmem:$0xBB70] =	vst v0  }
.LBB2_2:
0x4a: {  	p1 =	sne.s32 s8, $0x3E00;
	[tilespmem:s1+$0x9770] =	vst v0  }
0x4b: {  	[tilespmem:s1+$0x9700] =	vst v0  }
0x4c: {  	[tilespmem:s1+$0x9710] =	vst v0  }
.Ltmp0:
0x4d: {  	[tilespmem:s1+$0x9720] =	vst v0;
	(pc) =	sbr.rel @p1 .LBB2_2-.Ltmp0, $4  }
0x4e: {  	[tilespmem:s1+$0x9730] =	vst v0  }
0x4f: {  	[tilespmem:s1+$0x9740] =	vst v0  }
0x50: {  	[tilespmem:s1+$0x9750] =	vst v0  }
0x51: {  	[tilespmem:s1+$0x9760] =	vst v0;
	s1 =	sshra.s32 s8, $0x2;
	s8 =	sadd.s32 $0x200, s8  }
0x52: {  	[tilespmem:s1+$0x9770] =	vst v0  }
0x53: {  	[tilespmem:s1+$0x9700] =	vst v0  }
0x54: {  	[tilespmem:s1+$0x9710] =	vst v0  }
0x55: {  	[tilespmem:s1+$0x9720] =	vst v0  }
0x56: {  	[tilespmem:s1+$0x9730] =	vst v0  }
0x57: {  	[tilespmem:s1+$0x9740] =	vst v0  }
0x58: {  	[tilespmem:s1+$0x9750] =	vst v0  }
0x59: {  	[tilespmem:s1+$0x9760] =	vst v0;
	s1 =	simm.s32 @p0 $0xB900;
	s8 =	rddreg [dreg:$0x8]  }
0x5a: {  	[spmem:s8] =	stream.linear.scatter @p0 [tilespmem:s1], [sflag:$0x3], $0x1A0, $0x38;
	[tilespmem:$0x1F6F8] =	vst v63  }
0x5b: {  	[dreg:$0xf] =	wrdreg s10;
	s1 =	simm.s32 @p0 $0x3  }
0x5c: {  	_ =	swait.ge @p0 [sflag:s1], $0x1A0  }
0x5d: {  	[sflag:s1] =	ssyncset.done @p0 $0x0  }
0x5e: {  	s8 =	rddreg [dreg:$0x7];
	[sflag:s1] =	ssyncadd.s32 @p0 $0xFFFFFE60;
	s1 =	simm.s32 @!p0 $0xB900  }
0x5f: {  	[spmem:s8] =	stream.linear.scatter @!p0 [tilespmem:s1], [sflag:$0x3], $0x280, $0x38;
	[tilespmem:$0x1F6F8] =	vst v63  }
0x60: {  	s8 =	simm.s32 @!p0 $0x14  }
0x61: {  	s1 =	simm.s32 @!p0 $0x3;
	s8 =	simm.s32 @p0 $0xD  }
0x62: {  	_ =	swait.ge @!p0 [sflag:s1], $0x280;
	p1 =	sne.s32 s8, $0x1  }
.Ltmp1:
0x63: {  	[sflag:s1] =	ssyncset.done @!p0 $0x0;
	(pc) =	sbr.rel @!p1 .LBB2_5-.Ltmp1, $4  }
0x64: {  	[sflag:s1] =	ssyncadd.s32 @!p0 $0xFFFFFD80  }
0x65: {  	[spmem:s12] =	stream.linear.scatter [tilespmem:s21], [sflag:$0x3], $0x1000, $0x38;
	[tilespmem:$0x1F6F8] =	vst v63  }
0x66: {  	_ =	swait.ge [sflag:s19], $0x1000  }
0x67: {  	s1 =	sadd.s32 $0xFFFFFFFF, s8;
	s8 =	smov.u32 s12;
	[sflag:s19] =	ssyncset.done $0x0  }
.LBB2_4:
0x68: {  	p1 =	sne.s32 s1, $0x1;
	[sflag:s19] =	ssyncadd.s32 $0xFFFFF000;
	s8 =	sadd.s32 $0x1000, s8  }
.Ltmp2:
0x69: {  	s1 =	sadd.s32 $0xFFFFFFFF, s1;
	(pc) =	sbr.rel @p1 .LBB2_4-.Ltmp2, $4  }
0x6a: {  	_ = 	snop  }
0x6b: {  	[spmem:s8] =	stream.linear.scatter [tilespmem:s21], [sflag:$0x3], $0x1000, $0x38;
	[tilespmem:$0x1F6F8] =	vst v63  }
0x6c: {  	_ =	swait.ge [sflag:s19], $0x1000  }
0x6d: {  	[sflag:s19] =	ssyncset.done $0x0  }
.LBB2_5:
0x6e: {  	[sflag:s19] =	ssyncadd.s32 $0xFFFFF000  }
0x6f: {  	s10 =	simm.s32 $0x0;
	s11 =	simm.s32 $0x0;
	[bflag:$0x0] =	sbarrier.arrive $0xFFFF  }
.LBB2_6:
0x70: {  	s1 =	sshll.u32 s11, $0xC  }
0x71: {  	s1 =	sadd.s32 s13, s1  }
0x72: {  	s1 =	sshrl.u32 s1, $0x3  }
0x73: {  	s8 =	sadd.s32 s14, s1  }
0x74: {  	[tilespmem:s10], [sflag:$0x3] =	stream.linear.gather [hbm4b:s8+s10], $0xD80, $0x38;
	[tilespmem:$0x1F6F8] =	vst v63  }
0x75: {  	_ =	swait.ge [sflag:s19], $0xD80  }
0x76: {  	[sflag:s19] =	ssyncset.done $0x0  }
0x77: {  	s1 =	sadd.s32 s6, s1;
	[sflag:s19] =	ssyncadd.s32 $0xFFFFF280  }
0x78: {  	[tilespmem:s15], [sflag:$0x3] =	stream.linear.gather [hbm4b:s1+s10], $0xD80, $0x38;
	[tilespmem:$0x1F6F8] =	vst v63  }
0x79: {  	_ =	swait.ge [sflag:s19], $0xD80  }
0x7a: {  	[sflag:s19] =	ssyncset.done $0x0  }
0x7b: {  	s12 =	simm.s32 $0x0;
	[sflag:s19] =	ssyncadd.s32 $0xFFFFF280  }
.LBB2_7:
0x7c: {  	s8 =	sshra.s32 s12, $0x2  }
0x7d: {  	v1 =	vld [tilespmem:s8+$0x0]  }
0x7e: {  	v2 =	vld [tilespmem:s8+$0x1000];
	_ =	sdelay $0x6  }
0x7f: {  	v1 =	vld.idx.msk [tilespmem:v1+s18+$0x0], $0xffff  }
0x80: {  	v2 =	vld.idx.msk [tilespmem:v2+s20+$0x0], $0xffff;
	_ =	sdelay $0x4  }
0x81: {  	v1 =	vadd.f32 v2, v1;
	_ =	sdelay $0x1  }
0x82: {  	v2 =	vmul.f32 $2.000000030e-01, v1;
	_ =	sdelay $0x1  }
0x83: {  	v1 =	vmax.f32 v1, v2  }
0x84: {  	v1 =	vmul.f32 $1.442695020e+00, v1;
	_ =	sdelay $0x1  }
0x85: {  	(erf) = vpow2.f32 v1;
	_ =	sdelay $0x8  }
0x86: {  	v1 =	vpop (erf)  }
0x87: {  	[tilespmem:$0x2000] =	vst v1  }
0x88: {  	v1 =	vld [tilespmem:s8+$0x10]  }
0x89: {  	v2 =	vld [tilespmem:s8+$0x1010];
	_ =	sdelay $0x6  }
0x8a: {  	v1 =	vld.idx.msk [tilespmem:v1+s18+$0x0], $0xffff  }
0x8b: {  	v2 =	vld.idx.msk [tilespmem:v2+s20+$0x0], $0xffff;
	_ =	sdelay $0x4  }
0x8c: {  	v1 =	vadd.f32 v2, v1;
	_ =	sdelay $0x1  }
0x8d: {  	v2 =	vmul.f32 $2.000000030e-01, v1;
	_ =	sdelay $0x1  }
0x8e: {  	v1 =	vmax.f32 v1, v2  }
0x8f: {  	v1 =	vmul.f32 $1.442695020e+00, v1;
	_ =	sdelay $0x1  }
0x90: {  	(erf) = vpow2.f32 v1;
	_ =	sdelay $0x8  }
0x91: {  	v1 =	vpop (erf)  }
0x92: {  	[tilespmem:$0x2010] =	vst v1  }
0x93: {  	v1 =	vld [tilespmem:s8+$0x20]  }
0x94: {  	v2 =	vld [tilespmem:s8+$0x1020];
	_ =	sdelay $0x6  }
0x95: {  	v1 =	vld.idx.msk [tilespmem:v1+s18+$0x0], $0xffff  }
0x96: {  	v2 =	vld.idx.msk [tilespmem:v2+s20+$0x0], $0xffff;
	_ =	sdelay $0x4  }
0x97: {  	v1 =	vadd.f32 v2, v1;
	_ =	sdelay $0x1  }
0x98: {  	v2 =	vmul.f32 $2.000000030e-01, v1;
	_ =	sdelay $0x1  }
0x99: {  	v1 =	vmax.f32 v1, v2  }
0x9a: {  	v1 =	vmul.f32 $1.442695020e+00, v1;
	_ =	sdelay $0x1  }
0x9b: {  	(erf) = vpow2.f32 v1;
	_ =	sdelay $0x8  }
0x9c: {  	v1 =	vpop (erf)  }
0x9d: {  	[tilespmem:$0x2020] =	vst v1  }
0x9e: {  	v1 =	vld [tilespmem:s8+$0x30]  }
0x9f: {  	v2 =	vld [tilespmem:s8+$0x1030];
	_ =	sdelay $0x6  }
0xa0: {  	v1 =	vld.idx.msk [tilespmem:v1+s18+$0x0], $0xffff  }
0xa1: {  	v2 =	vld.idx.msk [tilespmem:v2+s20+$0x0], $0xffff;
	_ =	sdelay $0x4  }
0xa2: {  	v1 =	vadd.f32 v2, v1;
	_ =	sdelay $0x1  }
0xa3: {  	v2 =	vmul.f32 $2.000000030e-01, v1;
	_ =	sdelay $0x1  }
0xa4: {  	v1 =	vmax.f32 v1, v2  }
0xa5: {  	v1 =	vmul.f32 $1.442695020e+00, v1;
	_ =	sdelay $0x1  }
0xa6: {  	(erf) = vpow2.f32 v1;
	_ =	sdelay $0x8  }
0xa7: {  	v1 =	vpop (erf)  }
0xa8: {  	[tilespmem:$0x2030] =	vst v1  }
0xa9: {  	v1 =	vld [tilespmem:s8+$0x40]  }
0xaa: {  	v2 =	vld [tilespmem:s8+$0x1040];
	_ =	sdelay $0x6  }
0xab: {  	v1 =	vld.idx.msk [tilespmem:v1+s18+$0x0], $0xffff  }
0xac: {  	v2 =	vld.idx.msk [tilespmem:v2+s20+$0x0], $0xffff;
	_ =	sdelay $0x4  }
0xad: {  	v1 =	vadd.f32 v2, v1;
	_ =	sdelay $0x1  }
0xae: {  	v2 =	vmul.f32 $2.000000030e-01, v1;
	_ =	sdelay $0x1  }
0xaf: {  	v1 =	vmax.f32 v1, v2  }
0xb0: {  	v1 =	vmul.f32 $1.442695020e+00, v1;
	_ =	sdelay $0x1  }
0xb1: {  	(erf) = vpow2.f32 v1;
	_ =	sdelay $0x8  }
0xb2: {  	v1 =	vpop (erf)  }
0xb3: {  	[tilespmem:$0x2040] =	vst v1  }
0xb4: {  	v1 =	vld [tilespmem:s8+$0x50]  }
0xb5: {  	v2 =	vld [tilespmem:s8+$0x1050];
	_ =	sdelay $0x6  }
0xb6: {  	v1 =	vld.idx.msk [tilespmem:v1+s18+$0x0], $0xffff  }
0xb7: {  	v2 =	vld.idx.msk [tilespmem:v2+s20+$0x0], $0xffff;
	_ =	sdelay $0x4  }
0xb8: {  	v1 =	vadd.f32 v2, v1;
	_ =	sdelay $0x1  }
0xb9: {  	v2 =	vmul.f32 $2.000000030e-01, v1;
	_ =	sdelay $0x1  }
0xba: {  	v1 =	vmax.f32 v1, v2  }
0xbb: {  	v1 =	vmul.f32 $1.442695020e+00, v1;
	_ =	sdelay $0x1  }
0xbc: {  	(erf) = vpow2.f32 v1;
	_ =	sdelay $0x8  }
0xbd: {  	v1 =	vpop (erf)  }
0xbe: {  	[tilespmem:$0x2050] =	vst v1  }
0xbf: {  	v1 =	vld [tilespmem:s8+$0x60]  }
0xc0: {  	v2 =	vld [tilespmem:s8+$0x1060];
	_ =	sdelay $0x6  }
0xc1: {  	v1 =	vld.idx.msk [tilespmem:v1+s18+$0x0], $0xffff  }
0xc2: {  	v2 =	vld.idx.msk [tilespmem:v2+s20+$0x0], $0xffff;
	_ =	sdelay $0x4  }
0xc3: {  	v1 =	vadd.f32 v2, v1;
	_ =	sdelay $0x1  }
0xc4: {  	v2 =	vmul.f32 $2.000000030e-01, v1;
	_ =	sdelay $0x1  }
0xc5: {  	v1 =	vmax.f32 v1, v2  }
0xc6: {  	v1 =	vmul.f32 $1.442695020e+00, v1;
	_ =	sdelay $0x1  }
0xc7: {  	(erf) = vpow2.f32 v1;
	_ =	sdelay $0x8  }
0xc8: {  	v1 =	vpop (erf)  }
0xc9: {  	[tilespmem:$0x2060] =	vst v1  }
0xca: {  	v1 =	vld [tilespmem:s8+$0x70]  }
0xcb: {  	v2 =	vld [tilespmem:s8+$0x1070];
	_ =	sdelay $0x6  }
0xcc: {  	v1 =	vld.idx.msk [tilespmem:v1+s18+$0x0], $0xffff  }
0xcd: {  	v2 =	vld.idx.msk [tilespmem:v2+s20+$0x0], $0xffff;
	_ =	sdelay $0x4  }
0xce: {  	v1 =	vadd.f32 v2, v1;
	_ =	sdelay $0x1  }
0xcf: {  	v2 =	vmul.f32 $2.000000030e-01, v1;
	_ =	sdelay $0x1  }
0xd0: {  	v1 =	vmax.f32 v1, v2  }
0xd1: {  	v1 =	vmul.f32 $1.442695020e+00, v1;
	_ =	sdelay $0x1  }
0xd2: {  	(erf) = vpow2.f32 v1;
	_ =	sdelay $0x8  }
0xd3: {  	p1 =	sne.s32 s12, $0x3400;
	v1 =	vpop (erf)  }
.Ltmp3:
0xd4: {  	s1 =	sadd.s32 $0x1000, s8;
	[tilespmem:$0x2070] =	vst v1;
	(pc) =	sbr.rel @p1 .LBB2_7-.Ltmp3, $4  }
0xd5: {  	[spmem:s3] =	stream.indirect.scatter.add.f32 [tilespmem:s24], [sflag:$0x3], $0x1, s1, s23, $0xb8;
	[tilespmem:$0x1F6F8] =	vst v63  }
0xd6: {  	_ =	swait.ge [sflag:s19], $0x80  }
0xd7: {  	[sflag:s19] =	ssyncset.done $0x0  }
0xd8: {  	s12 =	sadd.s32 $0x200, s12;
	[sflag:s19] =	ssyncadd.s32 $0xFFFFFF80  }
0xd9: {  	s11 =	sadd.s32 $0x1, s11  }
0xda: {  	p1 =	sne.s32 s11, $0x6  }
.Ltmp4:
0xdb: {  	_ = 	snop;
	(pc) =	sbr.rel @p1 .LBB2_6-.Ltmp4, $1  }
0xdc: {  	_ =	sdelay $0x3  }
0xdd: {  	[bflag:$0x0] =	sbarrier.arrive $0xFFFF  }
0xde: {  	[tilespmem:s26], [sflag:$0x3] =	stream.linear.gather [spmem:s3], $0x2780, $0x38;
	[tilespmem:$0x1F6F8] =	vst v63  }
0xdf: {  	_ =	swait.ge [sflag:s19], $0x2780  }
0xe0: {  	[sflag:s19] =	ssyncset.done $0x0  }
0xe1: {  	s11 =	simm.s32 $0x0;
	[sflag:s19] =	ssyncadd.s32 $0xFFFFD880  }
.LBB2_10:
0xe2: {  	s1 =	rddreg [dreg:$0xa]  }
0xe3: {  	s1 =	sadd.s32 s1, s11  }
0xe4: {  	s1 =	sshll.u32 s1, $0xC  }
0xe5: {  	s1 =	sadd.s32 s13, s1  }
0xe6: {  	s1 =	sshrl.u32 s1, $0x3  }
0xe7: {  	s12 =	simm.s32 $0x0;
	s8 =	sadd.s32 s14, s1  }
0xe8: {  	[tilespmem:s12], [sflag:$0x3] =	stream.linear.gather [hbm4b:s8+s12], $0xD80, $0x38;
	[tilespmem:$0x1F6F8] =	vst v63  }
0xe9: {  	_ =	swait.ge [sflag:s19], $0xD80  }
0xea: {  	[sflag:s19] =	ssyncset.done $0x0  }
0xeb: {  	s1 =	sadd.s32 s6, s1;
	[sflag:s19] =	ssyncadd.s32 $0xFFFFF280  }
0xec: {  	[tilespmem:s15], [sflag:$0x3] =	stream.linear.gather [hbm4b:s1+s12], $0xD80, $0x38;
	[tilespmem:$0x1F6F8] =	vst v63  }
0xed: {  	_ =	swait.ge [sflag:s19], $0xD80  }
0xee: {  	[sflag:s19] =	ssyncset.done $0x0  }
0xef: {  	[sflag:s19] =	ssyncadd.s32 $0xFFFFF280  }
0xf0: {  	v1 =	vld [tilespmem:$0x0]  }
0xf1: {  	v2 =	vld [tilespmem:$0x10];
	_ =	sdelay $0x3  }
0xf2: {  	[tilespmem:$0xB780] =	vst v1  }
0xf3: {  	s10 =	smov.u32 s14;
	s15 =	simm.s32 $0x0;
	[tilespmem:$0xB790] =	vst v2  }
0xf4: {  	[tilespmem:s21], [sflag:$0x1] =	stream.indirect.gather [hbm4b:s9+s28], $0x80, s29, s28, $0xb8;
	[tilespmem:$0x1F6F8] =	vst v63  }
.LBB2_11:
0xf5: {  	s16 =	sshll.u32 s15, $0x7  }
0xf6: {  	v1 =	vld [tilespmem:s16+$0x0]  }
0xf7: {  	v2 =	vld [tilespmem:s16+$0x1000];
	_ =	sdelay $0x6  }
0xf8: {  	v1 =	vld.idx.msk [tilespmem:v1+s18+$0x0], $0xffff  }
0xf9: {  	v3 =	vld.idx.msk [tilespmem:v2+s20+$0x0], $0xffff;
	_ =	sdelay $0x4  }
0xfa: {  	v1 =	vadd.f32 v3, v1  }
0xfb: {  	v3 =	vld.idx.msk [tilespmem:v2+s26+$0x0], $0xffff  }
0xfc: {  	v4 =	vmul.f32 $2.000000030e-01, v1;
	_ =	sdelay $0x1  }
0xfd: {  	v1 =	vmax.f32 v1, v4  }
0xfe: {  	v1 =	vmul.f32 $1.442695020e+00, v1  }
0xff: {  	v3 =	vadd.f32 $1.000000020e-16, v3  }
0x100: {  	(erf) = vpow2.f32 v1  }
0x101: {  	(erf) = vrcp.f32 v3;
	_ =	sdelay $0x7  }
0x102: {  	v1 =	vpop (erf)  }
0x103: {  	v3 =	vpop (erf)  }
0x104: {  	v1 =	vmul.f32 v1, v3  }
0x105: {  	[tilespmem:$0xB880] =	vst v2  }
0x106: {  	[tilespmem:$0xB700] =	vst v1  }
0x107: {  	v1 =	vld [tilespmem:s16+$0x10]  }
0x108: {  	v2 =	vld [tilespmem:s16+$0x1010];
	_ =	sdelay $0x6  }
0x109: {  	v1 =	vld.idx.msk [tilespmem:v1+s18+$0x0], $0xffff  }
0x10a: {  	v3 =	vld.idx.msk [tilespmem:v2+s20+$0x0], $0xffff;
	_ =	sdelay $0x4  }
0x10b: {  	v1 =	vadd.f32 v3, v1  }
0x10c: {  	v3 =	vld.idx.msk [tilespmem:v2+s26+$0x0], $0xffff  }
0x10d: {  	v4 =	vmul.f32 $2.000000030e-01, v1;
	_ =	sdelay $0x1  }
0x10e: {  	v1 =	vmax.f32 v1, v4  }
0x10f: {  	v1 =	vmul.f32 $1.442695020e+00, v1  }
0x110: {  	v3 =	vadd.f32 $1.000000020e-16, v3  }
0x111: {  	(erf) = vpow2.f32 v1  }
0x112: {  	(erf) = vrcp.f32 v3;
	_ =	sdelay $0x7  }
0x113: {  	v1 =	vpop (erf)  }
0x114: {  	v3 =	vpop (erf)  }
0x115: {  	v1 =	vmul.f32 v1, v3  }
0x116: {  	[tilespmem:$0xB890] =	vst v2  }
0x117: {  	[tilespmem:$0xB710] =	vst v1  }
0x118: {  	_ =	swait.ge [sflag:s30], $0x1000  }
0x119: {  	[sflag:s30] =	ssyncset.done $0x0  }
0x11a: {  	[sflag:s30] =	ssyncadd.s32 $0xFFFFF000  }
0x11b: {  	v1 =	vld [tilespmem:s16+$0x20];
	_ =	sdelay $0x4  }
0x11c: {  	[tilespmem:$0xB800] =	vst v1  }
0x11d: {  	v1 =	vld [tilespmem:s16+$0x30];
	_ =	sdelay $0x4  }
0x11e: {  	s1 =	simm.s32 $0x1;
	s17 =	simm.s32 $0x9780;
	[tilespmem:$0xB810] =	vst v1  }
0x11f: {  	[tilespmem:s0], [sflag:$0x2] =	stream.indirect.gather [hbm4b:s9+s28], $0x80, s31, s28, $0xb8;
	[tilespmem:$0x1F6F8] =	vst v63  }
0x120: {  	v1 =	vmov s1;
	v6 =	vld [tilespmem:s17+$0xFFFFFFF0]  }
0x121: {  	v5 =	vld [tilespmem:s17+$0x60]  }
0x122: {  	v3 =	vld [tilespmem:s17+$0x50]  }
0x123: {  	s25 =	simm.s32 $0x0;
	v9 =	vld [tilespmem:s17+$0xFFFFFFD0]  }
0x124: {  	v2 =	vmov s25;
	v4 =	vld [tilespmem:s17+$0x10]  }
0x125: {  	v2 =	vand.u32 $0xFFFFFFFE, v2;
	v7 =	vld.idx.msk [tilespmem:v1+s5+$0x0], $0xffff  }
0x126: {  	v1 =	vbroadcast v2, $0x0;
	v2 =	vld [tilespmem:s17+$0x0]  }
0x127: {  	v8 =	vld [tilespmem:s17+$0x20]  }
0x128: {  	v10 =	vld [tilespmem:s17+$0x30]  }
0x129: {  	v11 =	vld [tilespmem:s17+$0x40]  }
0x12a: {  	v12 =	vld [tilespmem:s17+$0x70]  }
0x12b: {  	v14 =	vld [tilespmem:s17+$0xFFFFFF80];
	v13 =	vmul.f32 v2, v7  }
0x12c: {  	v62 =	vld [tilespmem:s17+$0xFFFFFFA0];
	v63 =	vmul.f32 v5, v7  }
0x12d: {  	v2 =	vld.idx.msk [tilespmem:v1+s5+$0x0], $0xffff;
	v1 =	vmul.f32 v4, v7;
	v4 =	vmul.f32 v8, v7;
	[tilespmem:s17+$0x0] =	vst v13  }
0x12e: {  	v5 =	vld [tilespmem:s17+$0xFFFFFF90];
	v8 =	vmul.f32 v10, v7;
	v10 =	vmul.f32 v11, v7;
	[tilespmem:s17+$0x60] =	vst v63  }
0x12f: {  	v11 =	vmul.f32 v3, v7;
	v3 =	vmul.f32 v12, v7;
	v7 =	vld [tilespmem:s17+$0xFFFFFFC0];
	[tilespmem:s17+$0x10] =	vst v1  }
0x130: {  	[tilespmem:s17+$0x20] =	vst v4;
	v4 =	vld [tilespmem:s17+$0xFFFFFFE0]  }
0x131: {  	v1 =	vld [tilespmem:s17+$0xFFFFFFB0];
	[tilespmem:s17+$0x30] =	vst v8  }
0x132: {  	s8 =	simm.s32 $0x2;
	[tilespmem:s17+$0x40] =	vst v10;
	v8 =	vmul.f32 v14, v2;
	v10 =	vmul.f32 v6, v2  }
0x133: {  	s12 =	sor.u32 $0x30, s16;
	s25 =	sor.u32 $0x20, s16;
	s1 =	simm.s32 $0x9780;
	[tilespmem:s17+$0x50] =	vst v11;
	v6 =	vmul.f32 v62, v2;
	v9 =	vmul.f32 v9, v2  }
.LBB2_12:
0x134: {  	p1 =	sne.s32 s8, $0x1E  }
0x135: {  	v5 =	vmul.f32 v5, v2;
	v4 =	vmul.f32 v4, v2;
	[tilespmem:s17+$0x70] =	vst v3;
	s1 =	sadd.s32 $0x100, s1;
	s14 =	smov.u32 s8;
	s8 =	sadd.s32 $0x2, s8  }
0x136: {  	v1 =	vmul.f32 v1, v2;
	v2 =	vmul.f32 v7, v2;
	[tilespmem:s17+$0xFFFFFFF0] =	vst v10  }
0x137: {  	[tilespmem:s17+$0xFFFFFF80] =	vst v8  }
0x138: {  	s22 =	sadd.s32 $0x1, s14;
	v10 =	vld [tilespmem:s1+$0xFFFFFFF0];
	[tilespmem:s17+$0xFFFFFFD0] =	vst v9  }
0x139: {  	v3 =	vmov s22;
	v8 =	vld [tilespmem:s1+$0x60];
	[tilespmem:s17+$0xFFFFFFA0] =	vst v6  }
0x13a: {  	v6 =	vld [tilespmem:s1+$0x50];
	[tilespmem:s17+$0xFFFFFFB0] =	vst v1  }
0x13b: {  	v1 =	vld [tilespmem:s1+$0xFFFFFFB0];
	[tilespmem:s17+$0xFFFFFFC0] =	vst v2  }
0x13c: {  	v9 =	vld [tilespmem:s1+$0xFFFFFFD0];
	[tilespmem:s17+$0xFFFFFFE0] =	vst v4  }
0x13d: {  	v2 =	vmov s14;
	v4 =	vld [tilespmem:s1+$0x70];
	[tilespmem:s17+$0xFFFFFF90] =	vst v5;
	s17 =	smov.u32 s1  }
0x13e: {  	v2 =	vand.u32 $0xFFFFFFFE, v2;
	v11 =	vld.idx.msk [tilespmem:v3+s5+$0x0], $0xffff  }
0x13f: {  	v2 =	vbroadcast v2, $0x0;
	v3 =	vld [tilespmem:s1+$0x0]  }
0x140: {  	v5 =	vld [tilespmem:s1+$0x10]  }
0x141: {  	v7 =	vld [tilespmem:s1+$0x20]  }
0x142: {  	v12 =	vld [tilespmem:s1+$0x30]  }
0x143: {  	v13 =	vld [tilespmem:s1+$0x40]  }
0x144: {  	v14 =	vld [tilespmem:s1+$0xFFFFFF80];
	v15 =	vmul.f32 v3, v11;
	v3 =	vmul.f32 v4, v11  }
0x145: {  	v2 =	vld.idx.msk [tilespmem:v2+s5+$0x0], $0xffff;
	v4 =	vmul.f32 v5, v11  }
0x146: {  	[tilespmem:s1+$0x0] =	vst v15;
	v15 =	vld [tilespmem:s1+$0xFFFFFFA0];
	v7 =	vmul.f32 v7, v11  }
0x147: {  	[tilespmem:s1+$0x10] =	vst v4;
	v12 =	vmul.f32 v12, v11;
	v4 =	vld [tilespmem:s1+$0xFFFFFFE0]  }
.Ltmp5:
0x148: {  	v5 =	vld [tilespmem:s1+$0xFFFFFF90];
	[tilespmem:s1+$0x20] =	vst v7;
	v13 =	vmul.f32 v13, v11;
	(pc) =	sbr.rel @p1 .LBB2_12-.Ltmp5, $4  }
0x149: {  	v6 =	vmul.f32 v6, v11;
	[tilespmem:s1+$0x30] =	vst v12;
	v7 =	vld [tilespmem:s1+$0xFFFFFFC0]  }
0x14a: {  	v11 =	vmul.f32 v8, v11;
	[tilespmem:s1+$0x40] =	vst v13  }
0x14b: {  	v8 =	vmul.f32 v14, v2;
	v10 =	vmul.f32 v10, v2;
	[tilespmem:s1+$0x50] =	vst v6  }
0x14c: {  	v9 =	vmul.f32 v9, v2;
	v6 =	vmul.f32 v15, v2;
	[tilespmem:s1+$0x60] =	vst v11  }
0x14d: {  	[tilespmem:s17+$0x70] =	vst v3  }
0x14e: {  	[tilespmem:s17+$0xFFFFFFF0] =	vst v10  }
0x14f: {  	[tilespmem:s17+$0xFFFFFF80] =	vst v8  }
0x150: {  	v1 =	vmul.f32 v1, v2;
	[tilespmem:s17+$0xFFFFFFD0] =	vst v9  }
0x151: {  	v4 =	vmul.f32 v4, v2;
	[tilespmem:s17+$0xFFFFFFA0] =	vst v6  }
0x152: {  	v3 =	vmul.f32 v7, v2;
	[tilespmem:s17+$0xFFFFFFB0] =	vst v1  }
0x153: {  	v1 =	vmul.f32 v5, v2;
	[tilespmem:s17+$0xFFFFFFE0] =	vst v4  }
0x154: {  	[tilespmem:s17+$0xFFFFFFC0] =	vst v3  }
0x155: {  	[tilespmem:s17+$0xFFFFFF90] =	vst v1  }
0x156: {  	[spmem:s2] =	stream.indirect.scatter.add.f32 [tilespmem:s21], [sflag:$0x3], $0x80, s4, s28, $0xb8;
	[tilespmem:$0x1F6F8] =	vst v63  }
0x157: {  	_ =	swait.ge [sflag:s19], $0x1000  }
0x158: {  	[sflag:s19] =	ssyncset.done $0x0  }
0x159: {  	[sflag:s19] =	ssyncadd.s32 $0xFFFFF000  }
0x15a: {  	v1 =	vld [tilespmem:s25+$0x0]  }
0x15b: {  	v2 =	vld [tilespmem:s25+$0x1000];
	_ =	sdelay $0x6  }
0x15c: {  	v1 =	vld.idx.msk [tilespmem:v1+s18+$0x0], $0xffff  }
0x15d: {  	v3 =	vld.idx.msk [tilespmem:v2+s20+$0x0], $0xffff;
	_ =	sdelay $0x4  }
0x15e: {  	v1 =	vadd.f32 v3, v1  }
0x15f: {  	v3 =	vld.idx.msk [tilespmem:v2+s26+$0x0], $0xffff  }
0x160: {  	v4 =	vmul.f32 $2.000000030e-01, v1;
	_ =	sdelay $0x1  }
0x161: {  	v1 =	vmax.f32 v1, v4  }
0x162: {  	v1 =	vmul.f32 $1.442695020e+00, v1  }
0x163: {  	v3 =	vadd.f32 $1.000000020e-16, v3  }
0x164: {  	(erf) = vpow2.f32 v1  }
0x165: {  	(erf) = vrcp.f32 v3;
	_ =	sdelay $0x7  }
0x166: {  	v1 =	vpop (erf)  }
0x167: {  	v3 =	vpop (erf)  }
0x168: {  	v1 =	vmul.f32 v1, v3  }
0x169: {  	[tilespmem:$0xB880] =	vst v2  }
0x16a: {  	[tilespmem:$0xB700] =	vst v1  }
0x16b: {  	v1 =	vld [tilespmem:s12+$0x0]  }
0x16c: {  	v2 =	vld [tilespmem:s12+$0x1000];
	_ =	sdelay $0x6  }
0x16d: {  	v1 =	vld.idx.msk [tilespmem:v1+s18+$0x0], $0xffff  }
0x16e: {  	v3 =	vld.idx.msk [tilespmem:v2+s20+$0x0], $0xffff;
	_ =	sdelay $0x4  }
0x16f: {  	v1 =	vadd.f32 v3, v1  }
0x170: {  	v3 =	vld.idx.msk [tilespmem:v2+s26+$0x0], $0xffff  }
0x171: {  	v4 =	vmul.f32 $2.000000030e-01, v1;
	_ =	sdelay $0x1  }
0x172: {  	v1 =	vmax.f32 v1, v4  }
0x173: {  	v1 =	vmul.f32 $1.442695020e+00, v1  }
0x174: {  	v3 =	vadd.f32 $1.000000020e-16, v3  }
0x175: {  	(erf) = vpow2.f32 v1  }
0x176: {  	(erf) = vrcp.f32 v3;
	_ =	sdelay $0x7  }
0x177: {  	v1 =	vpop (erf)  }
0x178: {  	v3 =	vpop (erf)  }
0x179: {  	v1 =	vmul.f32 v1, v3  }
0x17a: {  	[tilespmem:$0xB890] =	vst v2  }
0x17b: {  	[tilespmem:$0xB710] =	vst v1  }
0x17c: {  	_ =	swait.ge [sflag:s7], $0x1000  }
0x17d: {  	[sflag:s7] =	ssyncset.done $0x0  }
0x17e: {  	s25 =	sor.u32 $0x40, s16;
	[sflag:s7] =	ssyncadd.s32 $0xFFFFF000  }
0x17f: {  	v1 =	vld [tilespmem:s25+$0x0];
	_ =	sdelay $0x4  }
0x180: {  	s17 =	sor.u32 $0x50, s16;
	[tilespmem:$0xB780] =	vst v1  }
0x181: {  	v1 =	vld [tilespmem:s17+$0x0];
	_ =	sdelay $0x4  }
0x182: {  	s1 =	simm.s32 $0x1;
	s12 =	simm.s32 $0xA780;
	[tilespmem:$0xB790] =	vst v1  }
0x183: {  	[tilespmem:s21], [sflag:$0x1] =	stream.indirect.gather [hbm4b:s9+s28], $0x80, s29, s28, $0xb8;
	[tilespmem:$0x1F6F8] =	vst v63  }
0x184: {  	v1 =	vmov s1;
	v6 =	vld [tilespmem:s12+$0xFFFFFFF0]  }
0x185: {  	v5 =	vld [tilespmem:s12+$0x60]  }
0x186: {  	v3 =	vld [tilespmem:s12+$0x50]  }
0x187: {  	s22 =	simm.s32 $0x0;
	v9 =	vld [tilespmem:s12+$0xFFFFFFD0]  }
0x188: {  	v2 =	vmov s22;
	v4 =	vld [tilespmem:s12+$0x10]  }
0x189: {  	v2 =	vand.u32 $0xFFFFFFFE, v2;
	v7 =	vld.idx.msk [tilespmem:v1+s5+$0x0], $0xffff  }
0x18a: {  	v1 =	vbroadcast v2, $0x0;
	v2 =	vld [tilespmem:s12+$0x0]  }
0x18b: {  	v8 =	vld [tilespmem:s12+$0x20]  }
0x18c: {  	v10 =	vld [tilespmem:s12+$0x30]  }
0x18d: {  	v11 =	vld [tilespmem:s12+$0x40]  }
0x18e: {  	v12 =	vld [tilespmem:s12+$0x70]  }
0x18f: {  	v14 =	vld [tilespmem:s12+$0xFFFFFF80];
	v13 =	vmul.f32 v2, v7  }
0x190: {  	v62 =	vld [tilespmem:s12+$0xFFFFFFA0];
	v63 =	vmul.f32 v5, v7  }
0x191: {  	v2 =	vld.idx.msk [tilespmem:v1+s5+$0x0], $0xffff;
	v1 =	vmul.f32 v4, v7;
	v4 =	vmul.f32 v8, v7;
	[tilespmem:s12+$0x0] =	vst v13  }
0x192: {  	v5 =	vld [tilespmem:s12+$0xFFFFFF90];
	v8 =	vmul.f32 v10, v7;
	v10 =	vmul.f32 v11, v7;
	[tilespmem:s12+$0x60] =	vst v63  }
0x193: {  	v11 =	vmul.f32 v3, v7;
	v3 =	vmul.f32 v12, v7;
	v7 =	vld [tilespmem:s12+$0xFFFFFFC0];
	[tilespmem:s12+$0x10] =	vst v1  }
0x194: {  	[tilespmem:s12+$0x20] =	vst v4;
	v4 =	vld [tilespmem:s12+$0xFFFFFFE0]  }
0x195: {  	v1 =	vld [tilespmem:s12+$0xFFFFFFB0];
	[tilespmem:s12+$0x30] =	vst v8  }
0x196: {  	[tilespmem:s12+$0x40] =	vst v10;
	v8 =	vmul.f32 v14, v2;
	v10 =	vmul.f32 v6, v2  }
0x197: {  	s8 =	simm.s32 $0x2;
	s1 =	simm.s32 $0xA780;
	[tilespmem:s12+$0x50] =	vst v11;
	v6 =	vmul.f32 v62, v2;
	v9 =	vmul.f32 v9, v2  }
.LBB2_14:
0x198: {  	p1 =	sne.s32 s8, $0x1E  }
0x199: {  	v5 =	vmul.f32 v5, v2;
	v4 =	vmul.f32 v4, v2;
	[tilespmem:s12+$0x70] =	vst v3;
	s1 =	sadd.s32 $0x100, s1;
	s14 =	smov.u32 s8;
	s8 =	sadd.s32 $0x2, s8  }
0x19a: {  	v1 =	vmul.f32 v1, v2;
	v2 =	vmul.f32 v7, v2;
	[tilespmem:s12+$0xFFFFFFF0] =	vst v10  }
0x19b: {  	[tilespmem:s12+$0xFFFFFF80] =	vst v8  }
0x19c: {  	s22 =	sadd.s32 $0x1, s14;
	v10 =	vld [tilespmem:s1+$0xFFFFFFF0];
	[tilespmem:s12+$0xFFFFFFD0] =	vst v9  }
0x19d: {  	v3 =	vmov s22;
	v8 =	vld [tilespmem:s1+$0x60];
	[tilespmem:s12+$0xFFFFFFA0] =	vst v6  }
0x19e: {  	v6 =	vld [tilespmem:s1+$0x50];
	[tilespmem:s12+$0xFFFFFFB0] =	vst v1  }
0x19f: {  	v1 =	vld [tilespmem:s1+$0xFFFFFFB0];
	[tilespmem:s12+$0xFFFFFFC0] =	vst v2  }
0x1a0: {  	v9 =	vld [tilespmem:s1+$0xFFFFFFD0];
	[tilespmem:s12+$0xFFFFFFE0] =	vst v4  }
0x1a1: {  	v2 =	vmov s14;
	v4 =	vld [tilespmem:s1+$0x70];
	[tilespmem:s12+$0xFFFFFF90] =	vst v5;
	s12 =	smov.u32 s1  }
0x1a2: {  	v2 =	vand.u32 $0xFFFFFFFE, v2;
	v11 =	vld.idx.msk [tilespmem:v3+s5+$0x0], $0xffff  }
0x1a3: {  	v2 =	vbroadcast v2, $0x0;
	v3 =	vld [tilespmem:s1+$0x0]  }
0x1a4: {  	v5 =	vld [tilespmem:s1+$0x10]  }
0x1a5: {  	v7 =	vld [tilespmem:s1+$0x20]  }
0x1a6: {  	v12 =	vld [tilespmem:s1+$0x30]  }
0x1a7: {  	v13 =	vld [tilespmem:s1+$0x40]  }
0x1a8: {  	v14 =	vld [tilespmem:s1+$0xFFFFFF80];
	v15 =	vmul.f32 v3, v11;
	v3 =	vmul.f32 v4, v11  }
0x1a9: {  	v2 =	vld.idx.msk [tilespmem:v2+s5+$0x0], $0xffff;
	v4 =	vmul.f32 v5, v11  }
0x1aa: {  	[tilespmem:s1+$0x0] =	vst v15;
	v15 =	vld [tilespmem:s1+$0xFFFFFFA0];
	v7 =	vmul.f32 v7, v11  }
0x1ab: {  	[tilespmem:s1+$0x10] =	vst v4;
	v12 =	vmul.f32 v12, v11;
	v4 =	vld [tilespmem:s1+$0xFFFFFFE0]  }
.Ltmp6:
0x1ac: {  	v5 =	vld [tilespmem:s1+$0xFFFFFF90];
	[tilespmem:s1+$0x20] =	vst v7;
	v13 =	vmul.f32 v13, v11;
	(pc) =	sbr.rel @p1 .LBB2_14-.Ltmp6, $4  }
0x1ad: {  	v6 =	vmul.f32 v6, v11;
	[tilespmem:s1+$0x30] =	vst v12;
	v7 =	vld [tilespmem:s1+$0xFFFFFFC0]  }
0x1ae: {  	v11 =	vmul.f32 v8, v11;
	[tilespmem:s1+$0x40] =	vst v13  }
0x1af: {  	v8 =	vmul.f32 v14, v2;
	v10 =	vmul.f32 v10, v2;
	[tilespmem:s1+$0x50] =	vst v6  }
0x1b0: {  	v9 =	vmul.f32 v9, v2;
	v6 =	vmul.f32 v15, v2;
	[tilespmem:s1+$0x60] =	vst v11  }
0x1b1: {  	[tilespmem:s12+$0x70] =	vst v3  }
0x1b2: {  	[tilespmem:s12+$0xFFFFFFF0] =	vst v10  }
0x1b3: {  	[tilespmem:s12+$0xFFFFFF80] =	vst v8  }
0x1b4: {  	v1 =	vmul.f32 v1, v2;
	[tilespmem:s12+$0xFFFFFFD0] =	vst v9  }
0x1b5: {  	v4 =	vmul.f32 v4, v2;
	[tilespmem:s12+$0xFFFFFFA0] =	vst v6  }
0x1b6: {  	v3 =	vmul.f32 v7, v2;
	[tilespmem:s12+$0xFFFFFFB0] =	vst v1  }
0x1b7: {  	v1 =	vmul.f32 v5, v2;
	[tilespmem:s12+$0xFFFFFFE0] =	vst v4  }
0x1b8: {  	[tilespmem:s12+$0xFFFFFFC0] =	vst v3  }
0x1b9: {  	[tilespmem:s12+$0xFFFFFF90] =	vst v1  }
0x1ba: {  	[spmem:s2] =	stream.indirect.scatter.add.f32 [tilespmem:s0], [sflag:$0x3], $0x80, s4, s28, $0xb8;
	[tilespmem:$0x1F6F8] =	vst v63  }
0x1bb: {  	_ =	swait.ge [sflag:s19], $0x1000  }
0x1bc: {  	[sflag:s19] =	ssyncset.done $0x0  }
0x1bd: {  	[sflag:s19] =	ssyncadd.s32 $0xFFFFF000  }
0x1be: {  	v1 =	vld [tilespmem:s25+$0x0]  }
0x1bf: {  	v2 =	vld [tilespmem:s25+$0x1000];
	_ =	sdelay $0x6  }
0x1c0: {  	v1 =	vld.idx.msk [tilespmem:v1+s18+$0x0], $0xffff  }
0x1c1: {  	v3 =	vld.idx.msk [tilespmem:v2+s20+$0x0], $0xffff;
	_ =	sdelay $0x4  }
0x1c2: {  	v1 =	vadd.f32 v3, v1  }
0x1c3: {  	v3 =	vld.idx.msk [tilespmem:v2+s26+$0x0], $0xffff  }
0x1c4: {  	v4 =	vmul.f32 $2.000000030e-01, v1;
	_ =	sdelay $0x1  }
0x1c5: {  	v1 =	vmax.f32 v1, v4  }
0x1c6: {  	v1 =	vmul.f32 $1.442695020e+00, v1  }
0x1c7: {  	v3 =	vadd.f32 $1.000000020e-16, v3  }
0x1c8: {  	(erf) = vpow2.f32 v1  }
0x1c9: {  	(erf) = vrcp.f32 v3;
	_ =	sdelay $0x7  }
0x1ca: {  	v1 =	vpop (erf)  }
0x1cb: {  	v3 =	vpop (erf)  }
0x1cc: {  	v1 =	vmul.f32 v1, v3  }
0x1cd: {  	[tilespmem:$0xB880] =	vst v2  }
0x1ce: {  	[tilespmem:$0xB700] =	vst v1  }
0x1cf: {  	v1 =	vld [tilespmem:s17+$0x0]  }
0x1d0: {  	v2 =	vld [tilespmem:s17+$0x1000];
	_ =	sdelay $0x6  }
0x1d1: {  	v1 =	vld.idx.msk [tilespmem:v1+s18+$0x0], $0xffff  }
0x1d2: {  	v3 =	vld.idx.msk [tilespmem:v2+s20+$0x0], $0xffff;
	_ =	sdelay $0x4  }
0x1d3: {  	v1 =	vadd.f32 v3, v1  }
0x1d4: {  	v3 =	vld.idx.msk [tilespmem:v2+s26+$0x0], $0xffff  }
0x1d5: {  	v4 =	vmul.f32 $2.000000030e-01, v1;
	_ =	sdelay $0x1  }
0x1d6: {  	v1 =	vmax.f32 v1, v4  }
0x1d7: {  	v1 =	vmul.f32 $1.442695020e+00, v1  }
0x1d8: {  	v3 =	vadd.f32 $1.000000020e-16, v3  }
0x1d9: {  	(erf) = vpow2.f32 v1  }
0x1da: {  	(erf) = vrcp.f32 v3;
	_ =	sdelay $0x7  }
0x1db: {  	v1 =	vpop (erf)  }
0x1dc: {  	v3 =	vpop (erf)  }
0x1dd: {  	v1 =	vmul.f32 v1, v3  }
0x1de: {  	[tilespmem:$0xB890] =	vst v2  }
0x1df: {  	[tilespmem:$0xB710] =	vst v1  }
0x1e0: {  	_ =	swait.ge [sflag:s30], $0x1000  }
0x1e1: {  	[sflag:s30] =	ssyncset.done $0x0  }
0x1e2: {  	s17 =	sor.u32 $0x60, s16;
	[sflag:s30] =	ssyncadd.s32 $0xFFFFF000  }
0x1e3: {  	v1 =	vld [tilespmem:s17+$0x0];
	_ =	sdelay $0x4  }
0x1e4: {  	s16 =	sor.u32 $0x70, s16;
	[tilespmem:$0xB800] =	vst v1  }
0x1e5: {  	v1 =	vld [tilespmem:s16+$0x0];
	_ =	sdelay $0x4  }
0x1e6: {  	s1 =	simm.s32 $0x1;
	s12 =	simm.s32 $0x9780;
	[tilespmem:$0xB810] =	vst v1  }
0x1e7: {  	[tilespmem:s0], [sflag:$0x2] =	stream.indirect.gather [hbm4b:s9+s28], $0x80, s31, s28, $0xb8;
	[tilespmem:$0x1F6F8] =	vst v63  }
0x1e8: {  	v1 =	vmov s1;
	v6 =	vld [tilespmem:s12+$0xFFFFFFF0]  }
0x1e9: {  	v5 =	vld [tilespmem:s12+$0x60]  }
0x1ea: {  	v3 =	vld [tilespmem:s12+$0x50]  }
0x1eb: {  	s25 =	simm.s32 $0x0;
	v9 =	vld [tilespmem:s12+$0xFFFFFFD0]  }
0x1ec: {  	v2 =	vmov s25;
	v4 =	vld [tilespmem:s12+$0x10]  }
0x1ed: {  	v2 =	vand.u32 $0xFFFFFFFE, v2;
	v7 =	vld.idx.msk [tilespmem:v1+s5+$0x0], $0xffff  }
0x1ee: {  	v1 =	vbroadcast v2, $0x0;
	v2 =	vld [tilespmem:s12+$0x0]  }
0x1ef: {  	v8 =	vld [tilespmem:s12+$0x20]  }
0x1f0: {  	v10 =	vld [tilespmem:s12+$0x30]  }
0x1f1: {  	v11 =	vld [tilespmem:s12+$0x40]  }
0x1f2: {  	v12 =	vld [tilespmem:s12+$0x70]  }
0x1f3: {  	v14 =	vld [tilespmem:s12+$0xFFFFFF80];
	v13 =	vmul.f32 v2, v7  }
0x1f4: {  	v62 =	vld [tilespmem:s12+$0xFFFFFFA0];
	v63 =	vmul.f32 v5, v7  }
0x1f5: {  	v2 =	vld.idx.msk [tilespmem:v1+s5+$0x0], $0xffff;
	v1 =	vmul.f32 v4, v7;
	v4 =	vmul.f32 v8, v7;
	[tilespmem:s12+$0x0] =	vst v13  }
0x1f6: {  	v5 =	vld [tilespmem:s12+$0xFFFFFF90];
	v8 =	vmul.f32 v10, v7;
	v10 =	vmul.f32 v11, v7;
	[tilespmem:s12+$0x60] =	vst v63  }
0x1f7: {  	v11 =	vmul.f32 v3, v7;
	v3 =	vmul.f32 v12, v7;
	v7 =	vld [tilespmem:s12+$0xFFFFFFC0];
	[tilespmem:s12+$0x10] =	vst v1  }
0x1f8: {  	[tilespmem:s12+$0x20] =	vst v4;
	v4 =	vld [tilespmem:s12+$0xFFFFFFE0]  }
0x1f9: {  	v1 =	vld [tilespmem:s12+$0xFFFFFFB0];
	[tilespmem:s12+$0x30] =	vst v8  }
0x1fa: {  	[tilespmem:s12+$0x40] =	vst v10;
	v8 =	vmul.f32 v14, v2;
	v10 =	vmul.f32 v6, v2  }
0x1fb: {  	s8 =	simm.s32 $0x2;
	s1 =	simm.s32 $0x9780;
	[tilespmem:s12+$0x50] =	vst v11;
	v6 =	vmul.f32 v62, v2;
	v9 =	vmul.f32 v9, v2  }
.LBB2_16:
0x1fc: {  	p1 =	sne.s32 s8, $0x1E  }
0x1fd: {  	v5 =	vmul.f32 v5, v2;
	v4 =	vmul.f32 v4, v2;
	[tilespmem:s12+$0x70] =	vst v3;
	s1 =	sadd.s32 $0x100, s1;
	s14 =	smov.u32 s8;
	s8 =	sadd.s32 $0x2, s8  }
0x1fe: {  	v1 =	vmul.f32 v1, v2;
	v2 =	vmul.f32 v7, v2;
	[tilespmem:s12+$0xFFFFFFF0] =	vst v10  }
0x1ff: {  	[tilespmem:s12+$0xFFFFFF80] =	vst v8  }
0x200: {  	s22 =	sadd.s32 $0x1, s14;
	v10 =	vld [tilespmem:s1+$0xFFFFFFF0];
	[tilespmem:s12+$0xFFFFFFD0] =	vst v9  }
0x201: {  	v3 =	vmov s22;
	v8 =	vld [tilespmem:s1+$0x60];
	[tilespmem:s12+$0xFFFFFFA0] =	vst v6  }
0x202: {  	v6 =	vld [tilespmem:s1+$0x50];
	[tilespmem:s12+$0xFFFFFFB0] =	vst v1  }
0x203: {  	v1 =	vld [tilespmem:s1+$0xFFFFFFB0];
	[tilespmem:s12+$0xFFFFFFC0] =	vst v2  }
0x204: {  	v9 =	vld [tilespmem:s1+$0xFFFFFFD0];
	[tilespmem:s12+$0xFFFFFFE0] =	vst v4  }
0x205: {  	v2 =	vmov s14;
	v4 =	vld [tilespmem:s1+$0x70];
	[tilespmem:s12+$0xFFFFFF90] =	vst v5;
	s12 =	smov.u32 s1  }
0x206: {  	v2 =	vand.u32 $0xFFFFFFFE, v2;
	v11 =	vld.idx.msk [tilespmem:v3+s5+$0x0], $0xffff  }
0x207: {  	v2 =	vbroadcast v2, $0x0;
	v3 =	vld [tilespmem:s1+$0x0]  }
0x208: {  	v5 =	vld [tilespmem:s1+$0x10]  }
0x209: {  	v7 =	vld [tilespmem:s1+$0x20]  }
0x20a: {  	v12 =	vld [tilespmem:s1+$0x30]  }
0x20b: {  	v13 =	vld [tilespmem:s1+$0x40]  }
0x20c: {  	v14 =	vld [tilespmem:s1+$0xFFFFFF80];
	v15 =	vmul.f32 v3, v11;
	v3 =	vmul.f32 v4, v11  }
0x20d: {  	v2 =	vld.idx.msk [tilespmem:v2+s5+$0x0], $0xffff;
	v4 =	vmul.f32 v5, v11  }
0x20e: {  	[tilespmem:s1+$0x0] =	vst v15;
	v15 =	vld [tilespmem:s1+$0xFFFFFFA0];
	v7 =	vmul.f32 v7, v11  }
0x20f: {  	[tilespmem:s1+$0x10] =	vst v4;
	v12 =	vmul.f32 v12, v11;
	v4 =	vld [tilespmem:s1+$0xFFFFFFE0]  }
.Ltmp7:
0x210: {  	v5 =	vld [tilespmem:s1+$0xFFFFFF90];
	[tilespmem:s1+$0x20] =	vst v7;
	v13 =	vmul.f32 v13, v11;
	(pc) =	sbr.rel @p1 .LBB2_16-.Ltmp7, $4  }
0x211: {  	v6 =	vmul.f32 v6, v11;
	[tilespmem:s1+$0x30] =	vst v12;
	v7 =	vld [tilespmem:s1+$0xFFFFFFC0]  }
0x212: {  	v11 =	vmul.f32 v8, v11;
	[tilespmem:s1+$0x40] =	vst v13  }
0x213: {  	v8 =	vmul.f32 v14, v2;
	v10 =	vmul.f32 v10, v2;
	[tilespmem:s1+$0x50] =	vst v6  }
0x214: {  	v9 =	vmul.f32 v9, v2;
	v6 =	vmul.f32 v15, v2;
	[tilespmem:s1+$0x60] =	vst v11  }
0x215: {  	[tilespmem:s12+$0x70] =	vst v3  }
0x216: {  	[tilespmem:s12+$0xFFFFFFF0] =	vst v10  }
0x217: {  	[tilespmem:s12+$0xFFFFFF80] =	vst v8  }
0x218: {  	v1 =	vmul.f32 v1, v2;
	[tilespmem:s12+$0xFFFFFFD0] =	vst v9  }
0x219: {  	v4 =	vmul.f32 v4, v2;
	[tilespmem:s12+$0xFFFFFFA0] =	vst v6  }
0x21a: {  	v3 =	vmul.f32 v7, v2;
	[tilespmem:s12+$0xFFFFFFB0] =	vst v1  }
0x21b: {  	v1 =	vmul.f32 v5, v2;
	[tilespmem:s12+$0xFFFFFFE0] =	vst v4  }
0x21c: {  	[tilespmem:s12+$0xFFFFFFC0] =	vst v3  }
0x21d: {  	[tilespmem:s12+$0xFFFFFF90] =	vst v1  }
0x21e: {  	[spmem:s2] =	stream.indirect.scatter.add.f32 [tilespmem:s21], [sflag:$0x3], $0x80, s4, s28, $0xb8;
	[tilespmem:$0x1F6F8] =	vst v63  }
0x21f: {  	_ =	swait.ge [sflag:s19], $0x1000  }
0x220: {  	[sflag:s19] =	ssyncset.done $0x0  }
0x221: {  	[sflag:s19] =	ssyncadd.s32 $0xFFFFF000  }
0x222: {  	v1 =	vld [tilespmem:s17+$0x0]  }
0x223: {  	v2 =	vld [tilespmem:s17+$0x1000];
	_ =	sdelay $0x6  }
0x224: {  	v1 =	vld.idx.msk [tilespmem:v1+s18+$0x0], $0xffff  }
0x225: {  	v3 =	vld.idx.msk [tilespmem:v2+s20+$0x0], $0xffff;
	_ =	sdelay $0x4  }
0x226: {  	v1 =	vadd.f32 v3, v1  }
0x227: {  	v3 =	vld.idx.msk [tilespmem:v2+s26+$0x0], $0xffff  }
0x228: {  	v4 =	vmul.f32 $2.000000030e-01, v1;
	_ =	sdelay $0x1  }
0x229: {  	v1 =	vmax.f32 v1, v4  }
0x22a: {  	v1 =	vmul.f32 $1.442695020e+00, v1  }
0x22b: {  	v3 =	vadd.f32 $1.000000020e-16, v3  }
0x22c: {  	(erf) = vpow2.f32 v1  }
0x22d: {  	(erf) = vrcp.f32 v3;
	_ =	sdelay $0x7  }
0x22e: {  	v1 =	vpop (erf)  }
0x22f: {  	v3 =	vpop (erf)  }
0x230: {  	v1 =	vmul.f32 v1, v3  }
0x231: {  	[tilespmem:$0xB880] =	vst v2  }
0x232: {  	[tilespmem:$0xB700] =	vst v1  }
0x233: {  	v1 =	vld [tilespmem:s16+$0x0]  }
0x234: {  	v2 =	vld [tilespmem:s16+$0x1000];
	_ =	sdelay $0x6  }
0x235: {  	v1 =	vld.idx.msk [tilespmem:v1+s18+$0x0], $0xffff  }
0x236: {  	v3 =	vld.idx.msk [tilespmem:v2+s20+$0x0], $0xffff;
	_ =	sdelay $0x4  }
0x237: {  	v1 =	vadd.f32 v3, v1  }
0x238: {  	v3 =	vld.idx.msk [tilespmem:v2+s26+$0x0], $0xffff  }
0x239: {  	v4 =	vmul.f32 $2.000000030e-01, v1;
	_ =	sdelay $0x1  }
0x23a: {  	v1 =	vmax.f32 v1, v4  }
0x23b: {  	v1 =	vmul.f32 $1.442695020e+00, v1  }
0x23c: {  	v3 =	vadd.f32 $1.000000020e-16, v3  }
0x23d: {  	(erf) = vpow2.f32 v1  }
0x23e: {  	(erf) = vrcp.f32 v3;
	_ =	sdelay $0x7  }
0x23f: {  	v1 =	vpop (erf)  }
0x240: {  	v3 =	vpop (erf)  }
0x241: {  	v1 =	vmul.f32 v1, v3  }
0x242: {  	[tilespmem:$0xB890] =	vst v2  }
0x243: {  	[tilespmem:$0xB710] =	vst v1  }
0x244: {  	p1 =	seq.s32 s15, $0x1A;
	s16 =	sadd.s32 $0x1, s15;
	_ =	swait.ge [sflag:s7], $0x1000  }
0x245: {  	s1 =	sshll.u32 @!p1 s16, $0x7;
	[sflag:s7] =	ssyncset.done $0x0  }
0x246: {  	s1 =	sand.u32 @!p1 $0x3FFFFF80, s1;
	[sflag:s7] =	ssyncadd.s32 $0xFFFFF000  }
0x247: {  	v1 =	vld @!p1 [tilespmem:s1+$0x0];
	_ =	sdelay $0x4  }
0x248: {  	[tilespmem:$0xB780] =	vst @!p1 v1  }
0x249: {  	v1 =	vld @!p1 [tilespmem:s1+$0x10];
	_ =	sdelay $0x4  }
0x24a: {  	s8 =	simm.s32 @!p1 $0xB780;
	s12 =	simm.s32 @!p1 $0x9700;
	s1 =	simm.s32 @!p1 $0x20;
	[tilespmem:$0xB790] =	vst @!p1 v1  }
0x24b: {  	[tilespmem:s12], [sflag:$0x1] =	stream.indirect.gather @!p1 [hbm4b:s9+s1], $0x80, s8, s1, $0xb8;
	[tilespmem:$0x1F6F8] =	vst v63  }
0x24c: {  	s22 =	simm.s32 $0x1;
	s12 =	simm.s32 $0xA780  }
0x24d: {  	v1 =	vmov s22;
	v6 =	vld [tilespmem:s12+$0xFFFFFFF0]  }
0x24e: {  	v5 =	vld [tilespmem:s12+$0x60]  }
0x24f: {  	v3 =	vld [tilespmem:s12+$0x50]  }
0x250: {  	s25 =	simm.s32 $0x0;
	v9 =	vld [tilespmem:s12+$0xFFFFFFD0]  }
0x251: {  	v2 =	vmov s25;
	v4 =	vld [tilespmem:s12+$0x10]  }
0x252: {  	v2 =	vand.u32 $0xFFFFFFFE, v2;
	v7 =	vld.idx.msk [tilespmem:v1+s5+$0x0], $0xffff  }
0x253: {  	v1 =	vbroadcast v2, $0x0;
	v2 =	vld [tilespmem:s12+$0x0]  }
0x254: {  	v8 =	vld [tilespmem:s12+$0x20]  }
0x255: {  	v10 =	vld [tilespmem:s12+$0x30]  }
0x256: {  	v11 =	vld [tilespmem:s12+$0x40]  }
0x257: {  	v12 =	vld [tilespmem:s12+$0x70]  }
0x258: {  	v14 =	vld [tilespmem:s12+$0xFFFFFF80];
	v13 =	vmul.f32 v2, v7  }
0x259: {  	v62 =	vld [tilespmem:s12+$0xFFFFFFA0];
	v63 =	vmul.f32 v5, v7  }
0x25a: {  	v2 =	vld.idx.msk [tilespmem:v1+s5+$0x0], $0xffff;
	v1 =	vmul.f32 v4, v7;
	v4 =	vmul.f32 v8, v7;
	[tilespmem:s12+$0x0] =	vst v13  }
0x25b: {  	v5 =	vld [tilespmem:s12+$0xFFFFFF90];
	v8 =	vmul.f32 v10, v7;
	v10 =	vmul.f32 v11, v7;
	[tilespmem:s12+$0x60] =	vst v63  }
0x25c: {  	v11 =	vmul.f32 v3, v7;
	v3 =	vmul.f32 v12, v7;
	v7 =	vld [tilespmem:s12+$0xFFFFFFC0];
	[tilespmem:s12+$0x10] =	vst v1  }
0x25d: {  	[tilespmem:s12+$0x20] =	vst v4;
	v4 =	vld [tilespmem:s12+$0xFFFFFFE0]  }
0x25e: {  	v1 =	vld [tilespmem:s12+$0xFFFFFFB0];
	[tilespmem:s12+$0x30] =	vst v8  }
0x25f: {  	[tilespmem:s12+$0x40] =	vst v10;
	v8 =	vmul.f32 v14, v2;
	v10 =	vmul.f32 v6, v2  }
0x260: {  	s8 =	simm.s32 $0x2;
	s1 =	simm.s32 $0xA780;
	[tilespmem:s12+$0x50] =	vst v11;
	v6 =	vmul.f32 v62, v2;
	v9 =	vmul.f32 v9, v2  }
.LBB2_18:
0x261: {  	p1 =	sne.s32 s8, $0x1E  }
0x262: {  	v5 =	vmul.f32 v5, v2;
	v4 =	vmul.f32 v4, v2;
	[tilespmem:s12+$0x70] =	vst v3;
	s1 =	sadd.s32 $0x100, s1;
	s14 =	smov.u32 s8;
	s8 =	sadd.s32 $0x2, s8  }
0x263: {  	v1 =	vmul.f32 v1, v2;
	v2 =	vmul.f32 v7, v2;
	[tilespmem:s12+$0xFFFFFFF0] =	vst v10  }
0x264: {  	[tilespmem:s12+$0xFFFFFF80] =	vst v8  }
0x265: {  	s15 =	sadd.s32 $0x1, s14;
	v10 =	vld [tilespmem:s1+$0xFFFFFFF0];
	[tilespmem:s12+$0xFFFFFFD0] =	vst v9  }
0x266: {  	v3 =	vmov s15;
	v8 =	vld [tilespmem:s1+$0x60];
	[tilespmem:s12+$0xFFFFFFA0] =	vst v6  }
0x267: {  	v6 =	vld [tilespmem:s1+$0x50];
	[tilespmem:s12+$0xFFFFFFB0] =	vst v1  }
0x268: {  	v1 =	vld [tilespmem:s1+$0xFFFFFFB0];
	[tilespmem:s12+$0xFFFFFFC0] =	vst v2  }
0x269: {  	v9 =	vld [tilespmem:s1+$0xFFFFFFD0];
	[tilespmem:s12+$0xFFFFFFE0] =	vst v4  }
0x26a: {  	v2 =	vmov s14;
	v4 =	vld [tilespmem:s1+$0x70];
	[tilespmem:s12+$0xFFFFFF90] =	vst v5;
	s12 =	smov.u32 s1  }
0x26b: {  	v2 =	vand.u32 $0xFFFFFFFE, v2;
	v11 =	vld.idx.msk [tilespmem:v3+s5+$0x0], $0xffff  }
0x26c: {  	v2 =	vbroadcast v2, $0x0;
	v3 =	vld [tilespmem:s1+$0x0]  }
0x26d: {  	v5 =	vld [tilespmem:s1+$0x10]  }
0x26e: {  	v7 =	vld [tilespmem:s1+$0x20]  }
0x26f: {  	v12 =	vld [tilespmem:s1+$0x30]  }
0x270: {  	v13 =	vld [tilespmem:s1+$0x40]  }
0x271: {  	v14 =	vld [tilespmem:s1+$0xFFFFFF80];
	v15 =	vmul.f32 v3, v11;
	v3 =	vmul.f32 v4, v11  }
0x272: {  	v2 =	vld.idx.msk [tilespmem:v2+s5+$0x0], $0xffff;
	v4 =	vmul.f32 v5, v11  }
0x273: {  	[tilespmem:s1+$0x0] =	vst v15;
	v15 =	vld [tilespmem:s1+$0xFFFFFFA0];
	v7 =	vmul.f32 v7, v11  }
0x274: {  	[tilespmem:s1+$0x10] =	vst v4;
	v12 =	vmul.f32 v12, v11;
	v4 =	vld [tilespmem:s1+$0xFFFFFFE0]  }
.Ltmp8:
0x275: {  	v5 =	vld [tilespmem:s1+$0xFFFFFF90];
	[tilespmem:s1+$0x20] =	vst v7;
	v13 =	vmul.f32 v13, v11;
	(pc) =	sbr.rel @p1 .LBB2_18-.Ltmp8, $4  }
0x276: {  	v6 =	vmul.f32 v6, v11;
	[tilespmem:s1+$0x30] =	vst v12;
	v7 =	vld [tilespmem:s1+$0xFFFFFFC0]  }
0x277: {  	v11 =	vmul.f32 v8, v11;
	[tilespmem:s1+$0x40] =	vst v13  }
0x278: {  	v8 =	vmul.f32 v14, v2;
	v10 =	vmul.f32 v10, v2;
	[tilespmem:s1+$0x50] =	vst v6  }
0x279: {  	v9 =	vmul.f32 v9, v2;
	v6 =	vmul.f32 v15, v2;
	[tilespmem:s1+$0x60] =	vst v11  }
0x27a: {  	[tilespmem:s12+$0x70] =	vst v3  }
0x27b: {  	[tilespmem:s12+$0xFFFFFFF0] =	vst v10  }
0x27c: {  	[tilespmem:s12+$0xFFFFFF80] =	vst v8  }
0x27d: {  	v1 =	vmul.f32 v1, v2;
	[tilespmem:s12+$0xFFFFFFD0] =	vst v9  }
0x27e: {  	v4 =	vmul.f32 v4, v2;
	[tilespmem:s12+$0xFFFFFFA0] =	vst v6  }
0x27f: {  	v3 =	vmul.f32 v7, v2;
	[tilespmem:s12+$0xFFFFFFB0] =	vst v1  }
0x280: {  	v1 =	vmul.f32 v5, v2;
	[tilespmem:s12+$0xFFFFFFE0] =	vst v4  }
0x281: {  	p1 =	sne.s32 s16, $0x1B;
	[tilespmem:s12+$0xFFFFFFC0] =	vst v3  }
.Ltmp9:
0x282: {  	[tilespmem:s12+$0xFFFFFF90] =	vst v1;
	(pc) =	sbr.rel @p1 .LBB2_11-.Ltmp9, $4  }
0x283: {  	[spmem:s2] =	stream.indirect.scatter.add.f32 [tilespmem:s0], [sflag:$0x3], $0x80, s4, s28, $0xb8;
	[tilespmem:$0x1F6F8] =	vst v63  }
0x284: {  	_ =	swait.ge [sflag:s19], $0x1000  }
0x285: {  	[sflag:s19] =	ssyncset.done $0x0  }
0x286: {  	s15 =	smov.u32 s16;
	[sflag:s19] =	ssyncadd.s32 $0xFFFFF000  }
0x287: {  	s11 =	sadd.s32 $0x1, s11  }
0x288: {  	p1 =	sne.s32 s11, $0x3  }
.Ltmp10:
0x289: {  	_ = 	snop;
	(pc) =	sbr.rel @p1 .LBB2_10-.Ltmp10, $2  }
0x28a: {  	_ =	sdelay $0x2  }
0x28b: {  	s14 =	smov.u32 s10;
	s15 =	simm.s32 $0x1000  }
0x28c: {  	[bflag:$0x0] =	sbarrier.arrive $0xFFFF  }
0x28d: {  	s8 =	rddreg [dreg:$0xc]  }
0x28e: {  	s1 =	simm.s32 @p0 $0x1FC3;
	s10 =	rddreg [dreg:$0xe]  }
0x28f: {  	[hbm:s8], [sflag:s1] =	dma.local @p0 [spmem:s10], $0x1A00  }
0x290: {  	s1 =	simm.s32 @p0 $0x3  }
0x291: {  	_ =	swait.ge @p0 [sflag:s1], $0x1A00  }
0x292: {  	s8 =	stileid.u32;
	s12 =	rddreg [dreg:$0x9]  }
0x293: {  	s8 =	sshll.u32 @!p0 s8, $0x6;
	[sflag:s1] =	ssyncset.done @p0 $0x0;
	s10 =	rddreg [dreg:$0xb]  }
0x294: {  	[sflag:s1] =	ssyncadd.s32 @p0 $0xFFFFE600;
	s1 =	sor.u32 @!p0 $0x1C03, s8;
	s8 =	sshrl.u32 @!p0 s12, $0x3  }
0x295: {  	[hbm:s10], [sflag:s1] =	dma.local @!p0 [spmem:s8], $0x2800  }
0x296: {  	s1 =	simm.s32 @!p0 $0x3  }
0x297: {  	_ =	swait.ge @!p0 [sflag:s1], $0x2800  }
0x298: {  	s22 =	rddreg [dreg:$0xf]  }
0x299: {  	s25 =	rddreg [dreg:$0xd];
	s10 =	sadd.s32 $0x1, s22  }
0x29a: {  	p1 =	sne.s32 s10, s25  }
.Ltmp11:
0x29b: {  	_ = 	snop;
	(pc) =	sbr.rel @p1 .LBB2_1-.Ltmp11, $3  }
0x29c: {  	_ =	sdelay $0x1  }
0x29d: {  	[sflag:s1] =	ssyncset.done @!p0 $0x0  }
0x29e: {  	[sflag:s1] =	ssyncadd.s32 @!p0 $0xFFFFD800  }
0x29f: {  	_ =	sfence.sel $0x180000  }
0x2a0: {  	[bflag:$0x0] =	sbarrier.arrive $0xFFFF  }
0x2a1: {  	_ =	strace $0x90000047  }
0x2a2: {  	s0 =	stileid.u32;
	[bflag:$0x2] =	sbarrier.arrive $0xFFFF  }
0x2a3: {  	p0 =	sne.s32 s0, $0x0;
	s0 =	rddreg [dreg:$0x4]  }
0x2a4: {  	s0 =	sadd.s32 @!p0 $0x100000, s0  }
0x2a5: {  	[sflag:s0] =	ssyncadd.tile.s32 @!p0 $0x1;
	_ =	shalt  }
.Lfunc_end2:
_tile_overlayer_lowered:
.L_overlay_start_2:
0x2a6: {  	(tag) =	ssettag $0x2  }
0x2a7: {  	s0 =	rddreg [dreg:$0x0];
	s2 =	stileid.u32  }
0x2a8: {  	s1 =	rddreg [dreg:$0x1];
	p0 =	sne.s32 s2, $0x0  }
0x2a9: {  	s3 =	rddreg [dreg:$0x2];
	[bflag:$0x3] =	sbarrier.arrive $0xFFFF;
	s2 =	simm.s32 @!p0 $0x1C03  }
0x2aa: {  	[timem:s3], [sflag:s2] =	dma.local @!p0 [hbm:s0], s1  }
0x2ab: {  	s0 =	simm.s32 @!p0 $0x3  }
0x2ac: {  	_ =	swait.ge @!p0 [sflag:s0], s1  }
0x2ad: {  	s1 =	ssub.s32 @!p0 $0x0, s1;
	[sflag:s0] =	ssyncset.done @!p0 $0x0  }
0x2ae: {  	[sflag:s0] =	ssyncadd.s32 @!p0 s1  }
0x2af: {  	[bflag:$0x3] =	sbarrier.arrive $0xFFFF  }
0x2b0: {  	_ =	shalt  }

</sc_bundles>
